<compile_context>
chip_gen: v7x
topology: tpu7x:2x2x1
jax: 0.10.2.dev20260603
libtpu: 0.0.44.dev20260713+nightly
codegen_flags: <defaults>
</compile_context>

<pallas_src>
import jax
import jax.numpy as jnp
from jax import lax
from jax.experimental import pallas as pl
from jax.experimental.pallas import tpu as pltpu
from jax.experimental.pallas import tpu_sc as plsc

N = 10000
NP = 10240
D_IN = 128
DH = 32
D_OUT = 128
E = 320000
NC, NS, K = 2, 16, 128
NW = NC * NS
RPS = NP // NS
NB = 6
ECH = E // K
CB = ECH // NW
CR = ECH - CB * NW

_f32 = jnp.float32
_mesh = plsc.VectorSubcoreMesh(core_axis_name="c", subcore_axis_name="s")
_sc_params = pltpu.CompilerParams(use_tc_tiling_on_sc=False)


def _slab(wid):
    return CB * wid + jnp.minimum(wid, CR)


def _deg_body(edge_hbm, zeros_hbm, ones_hbm, out_hbm, idx_v, ones_v, acc_sh,
              dsem):
    cid = lax.axis_index("c")
    sid = lax.axis_index("s")
    wid = sid * NC + cid
    row0 = sid * RPS
    bw = _slab(wid)
    cw = CB + (wid < CR).astype(jnp.int32)
    pltpu.sync_copy(zeros_hbm.at[pl.ds(row0, RPS)], acc_sh.at[pl.ds(row0, RPS)])
    pltpu.sync_copy(ones_hbm, ones_v)
    pltpu.sync_copy(edge_hbm.at[1, pl.ds(bw, CB)], idx_v.at[pl.ds(0, CB)])

    @pl.when(wid < CR)
    def _():
        pltpu.sync_copy(edge_hbm.at[1, bw + CB], idx_v.at[CB])

    plsc.subcore_barrier()

    @pl.loop(0, cw)
    def _(c):
        pltpu.async_copy(ones_v, acc_sh.at[idx_v.at[c]], dsem, add=True)

    @pl.loop(0, cw)
    def _(c):
        pltpu.make_async_copy(ones_v, acc_sh.at[idx_v.at[c]], dsem).wait()

    plsc.subcore_barrier()
    pltpu.sync_copy(acc_sh.at[pl.ds(row0, RPS)],
                    out_hbm.at[cid, pl.ds(row0, RPS)])


def _sc_degree(edge_r, zeros16, ones16):
    return pl.kernel(
        _deg_body,
        out_type=jax.ShapeDtypeStruct((NC, NP, 16), _f32),
        mesh=_mesh,
        scratch_types=[
            pltpu.VMEM((CB + 1, K), jnp.int32),
            pltpu.VMEM((K, 16), _f32),
            pltpu.VMEM_SHARED((NP, 16), _f32),
            pltpu.SemaphoreType.DMA,
        ],
        compiler_params=_sc_params,
    )(edge_r, zeros16, ones16)


def _agg_body(y_hbm, edge_hbm, zeros_hbm, out_hbm,
              src_v, dst_v, rows, y_sh, acc_sh, gsem, ssem):
    cid = lax.axis_index("c")
    sid = lax.axis_index("s")
    wid = sid * NC + cid
    row0 = sid * RPS
    bw = _slab(wid)
    pltpu.sync_copy(zeros_hbm.at[pl.ds(row0, RPS)], acc_sh.at[pl.ds(row0, RPS)])
    pltpu.sync_copy(y_hbm.at[pl.ds(row0, RPS)], y_sh.at[pl.ds(row0, RPS)])
    pltpu.sync_copy(edge_hbm.at[0, pl.ds(bw, CB)], src_v.at[pl.ds(0, CB)])
    pltpu.sync_copy(edge_hbm.at[1, pl.ds(bw, CB)], dst_v.at[pl.ds(0, CB)])

    @pl.when(wid < CR)
    def _():
        pltpu.sync_copy(edge_hbm.at[0, bw + CB], src_v.at[CB])
        pltpu.sync_copy(edge_hbm.at[1, bw + CB], dst_v.at[CB])

    plsc.subcore_barrier()

    def gather_start(c, b):
        pltpu.async_copy(y_sh.at[src_v.at[c]], rows.at[b], gsem.at[b])

    def gather_wait(c, b):
        pltpu.make_async_copy(y_sh.at[src_v.at[c]], rows.at[b],
                              gsem.at[b]).wait()

    def scat_start(c, b):
        pltpu.async_copy(rows.at[b], acc_sh.at[dst_v.at[c]], ssem.at[b],
                         add=True)

    def scat_wait(c, b):
        pltpu.make_async_copy(rows.at[b], acc_sh.at[dst_v.at[c]],
                              ssem.at[b]).wait()

    for b in range(NB):
        gather_start(b, b)

    NG = CB // NB

    @pl.loop(0, NG)
    def _(i):
        c0 = i * NB
        for b in range(NB):
            gather_wait(c0 + b, b)
            scat_start(c0 + b, b)
            scat_wait(c0 + b, b)

            @pl.when(i < NG - 1)
            def _():
                gather_start(c0 + NB + b, b)

    @pl.when(wid < CR)
    def _():
        pltpu.sync_copy(y_sh.at[src_v.at[CB]], rows.at[0])
        pltpu.sync_copy(rows.at[0], acc_sh.at[dst_v.at[CB]], add=True)

    plsc.subcore_barrier()
    pltpu.sync_copy(acc_sh.at[pl.ds(row0, RPS)],
                    out_hbm.at[cid, pl.ds(row0, RPS)])


def _sc_aggregate(y, edge_r, zeros32):
    return pl.kernel(
        _agg_body,
        out_type=jax.ShapeDtypeStruct((NC, NP, DH), _f32),
        mesh=_mesh,
        scratch_types=[
            pltpu.VMEM((CB + 1, K), jnp.int32),
            pltpu.VMEM((CB + 1, K), jnp.int32),
            pltpu.VMEM((NB, K, DH), _f32),
            pltpu.VMEM_SHARED((NP, DH), _f32),
            pltpu.VMEM_SHARED((NP, DH), _f32),
            pltpu.SemaphoreType.DMA((NB,)),
            pltpu.SemaphoreType.DMA((NB,)),
        ],
        compiler_params=_sc_params,
    )(y, edge_r, zeros32)


def _mm1s_body(degacc_ref, x_ref, w_ref, y_ref, dis_ref):
    deg = degacc_ref[0] + degacc_ref[1] + 1.0
    dis = lax.rsqrt(deg)
    dis_ref[...] = dis
    xs = x_ref[...] * dis[:, 0:1]
    y_ref[...] = jnp.dot(xs, w_ref[...], preferred_element_type=_f32)


def _layer1_body(acc_ref, y_ref, dis_ref, b_ref, o_ref):
    dis = dis_ref[:, 0:1]
    agg = dis * (acc_ref[0] + acc_ref[1] + y_ref[...])
    h = jnp.maximum(agg + b_ref[...], 0.0)
    o_ref[...] = dis * h


def _layer2_body(acc_ref, y_ref, dis_ref, w_ref, b_ref, o_ref):
    dis = dis_ref[:, 0:1]
    agg = dis * (acc_ref[0] + acc_ref[1] + y_ref[...])
    z = jnp.dot(agg, w_ref[...], preferred_element_type=_f32) + b_ref[...]
    o_ref[...] = jax.nn.sigmoid(z)


def kernel(x, edge_index, W1, b1, W2, b2):
    edge_r = edge_index.reshape(2, ECH, K)
    x_p = jnp.pad(x, ((0, NP - N), (0, 0)))
    zeros16 = jnp.zeros((NP, 16), _f32)
    ones16 = jnp.ones((K, 16), _f32)
    zeros32 = jnp.zeros((NP, DH), _f32)
    b1r = b1.reshape(1, DH)
    b2r = b2.reshape(1, D_OUT)

    degacc = _sc_degree(edge_r, zeros16, ones16)
    y1, dis = pl.pallas_call(
        _mm1s_body,
        out_shape=[jax.ShapeDtypeStruct((NP, DH), _f32),
                   jax.ShapeDtypeStruct((NP, 16), _f32)],
    )(degacc, x_p, W1)

    acc1 = _sc_aggregate(y1, edge_r, zeros32)

    y2 = pl.pallas_call(
        _layer1_body,
        out_shape=jax.ShapeDtypeStruct((NP, DH), _f32),
    )(acc1, y1, dis, b1r)

    acc2 = _sc_aggregate(y2, edge_r, zeros32)

    out = pl.pallas_call(
        _layer2_body,
        out_shape=jax.ShapeDtypeStruct((NP, D_OUT), _f32),
    )(acc2, y2, dis, W2, b2r)

    return out[:N]

# --- scband reference (transcript-rebuilt; emitter-appended) ---
"""Pipeline reference for scband-simple-gcn-54786602828183 (READ-ONLY COPY).

The authoritative reference and input builder live on the scoring server;
editing this copy changes nothing except your own understanding.
"""

import jax, jax.numpy as jnp
import numpy as np

N = 10000
D_IN = 128
D_HID = 32
D_OUT = 128
E = 320000


def setup_inputs(seed: int = 0) -> dict:
    key = jax.random.key(seed)
    ks = jax.random.split(key, 6)
    x = jax.random.normal(ks[0], (N, D_IN), dtype=jnp.float32)
    edge_index = jax.random.randint(ks[1], (2, E), 0, N, dtype=jnp.int32)
    W1 = jax.random.normal(ks[2], (D_IN, D_HID), dtype=jnp.float32) * (1.0 / np.sqrt(D_IN))
    b1 = jnp.zeros((D_HID,), dtype=jnp.float32)
    W2 = jax.random.normal(ks[3], (D_HID, D_OUT), dtype=jnp.float32) * (1.0 / np.sqrt(D_HID))
    b2 = jnp.zeros((D_OUT,), dtype=jnp.float32)
    return {"x": x, "edge_index": edge_index, "W1": W1, "b1": b1, "W2": W2, "b2": b2}


def gcn_conv(x, edge_index, W, b):
    # PyG GCNConv: add self-loops, symmetric normalization D^-1/2 (A+I) D^-1/2 X W + b
    num_nodes = x.shape[0]
    xw = x @ W
    loop = jnp.arange(num_nodes, dtype=edge_index.dtype)
    src = jnp.concatenate([edge_index[0], loop])
    dst = jnp.concatenate([edge_index[1], loop])
    deg = jnp.zeros((num_nodes,), dtype=x.dtype).at[dst].add(1.0)
    deg_inv_sqrt = jnp.where(deg > 0, jax.lax.rsqrt(jnp.maximum(deg, 1e-12)), 0.0)
    norm = deg_inv_sqrt[src] * deg_inv_sqrt[dst]
    msg = xw[src] * norm[:, None]
    out = jnp.zeros((num_nodes, W.shape[1]), dtype=x.dtype).at[dst].add(msg)
    return out + b


def reference(x, edge_index, W1, b1, W2, b2):
    h = gcn_conv(x, edge_index, W1, b1)
    h = jax.nn.relu(h)
    # dropout is identity in eval mode
    out = gcn_conv(h, edge_index, W2, b2)
    return jax.nn.sigmoid(out)

if __name__ == "__main__":
    import jax
    _d = setup_inputs()
    print(jax.jit(kernel)(*tuple(_d.values())))

</pallas_src>

<mosaic_0001>
#map = affine_map<(d0, d1) -> (0, 0, 0)>
#map1 = affine_map<(d0, d1) -> (0, 0)>
module attributes {stable_mosaic.version = 14 : i64} {
  func.func @_deg_body(%arg0: i32, %arg1: i32, %arg2: memref<2x2500x128xi32, #tpu.memory_space<hbm>>, %arg3: memref<10240x16xf32, #tpu.memory_space<hbm>>, %arg4: memref<128x16xf32, #tpu.memory_space<hbm>>, %arg5: memref<2x10240x16xf32, #tpu.memory_space<hbm>>, %arg6: memref<79x128xi32, #tpu.memory_space<vmem>>, %arg7: memref<128x16xf32, #tpu.memory_space<vmem>>, %arg8: memref<10240x16xf32, #tpu.memory_space<vmem_shared>>, %arg9: memref<!tpu.dma_semaphore, #tpu.memory_space<semaphore_mem>>) attributes {dimension_semantics = [#tpu.dimension_semantics<core_parallel>, #tpu.dimension_semantics<subcore_parallel>], iteration_bounds = array<i64: 2, 16>, scalar_prefetch = 0 : i64, scratch_operands = 4 : i64, tpu.core_type = #tpu.core_type<sc_vector_subcore>, window_params = [{transform_indices = #map}, {transform_indices = #map1}, {transform_indices = #map1}, {transform_indices = #map}]} {
    %mul3A = arith.constant 2 : i32
    %mul3A_0 = arith.muli %arg1, %mul3A : i32
    %add3A = arith.addi %mul3A_0, %arg0 : i32
    %mul3A_1 = arith.constant 640 : i32
    %mul3A_2 = arith.muli %arg1, %mul3A_1 : i32
    %mul3A_3 = arith.constant 78 : i32
    %mul3A_4 = arith.muli %mul3A_3, %add3A : i32
    %min3A = arith.constant 4 : i32
    %min3A_5 = arith.minsi %add3A, %min3A : i32
    %add3A_6 = arith.addi %mul3A_4, %min3A_5 : i32
    %lt3A = arith.constant 4 : i32
    %lt3A_7 = arith.cmpi slt, %add3A, %lt3A : i32
    %convert_element_type3A = arith.extui %lt3A_7 : i1 to i32
    %add3A_8 = arith.constant 78 : i32
    %add3A_9 = arith.addi %add3A_8, %convert_element_type3A : i32
    "tpu.region"() ({
      %run_scoped3A_50 = tpu.sem_alloc : memref<!tpu.dma_semaphore, #tpu.memory_space<semaphore_mem>>
      %dma_start3A = arith.constant 0 : i32
      %dma_start3A_51 = tpu.memref_slice %arg8[%mul3A_2, %dma_start3A] : memref<10240x16xf32, #tpu.memory_space<vmem_shared>> -> memref<640x16xf32, #tpu.memory_space<vmem_shared>>
      %dma_start3A_52 = arith.constant 0 : i32
      %dma_start3A_53 = tpu.memref_slice %arg3[%mul3A_2, %dma_start3A_52] : memref<10240x16xf32, #tpu.memory_space<hbm>> -> memref<640x16xf32, #tpu.memory_space<hbm>>
      tpu.enqueue_dma source(%dma_start3A_53 : memref<640x16xf32, #tpu.memory_space<hbm>>) target(%dma_start3A_51 : memref<640x16xf32, #tpu.memory_space<vmem_shared>>) target_semaphore(%run_scoped3A_50 : memref<!tpu.dma_semaphore, #tpu.memory_space<semaphore_mem>>)
      %dma_wait3A = arith.constant 0 : i32
      %dma_wait3A_54 = tpu.memref_slice %arg8[%mul3A_2, %dma_wait3A] : memref<10240x16xf32, #tpu.memory_space<vmem_shared>> -> memref<640x16xf32, #tpu.memory_space<vmem_shared>>
      %dma_wait3A_55 = arith.constant 0 : i32
      %dma_wait3A_56 = tpu.memref_slice %arg3[%mul3A_2, %dma_wait3A_55] : memref<10240x16xf32, #tpu.memory_space<hbm>> -> memref<640x16xf32, #tpu.memory_space<hbm>>
      tpu.wait_dma2 semaphore(%run_scoped3A_50 : memref<!tpu.dma_semaphore, #tpu.memory_space<semaphore_mem>>) src(%dma_wait3A_56 : memref<640x16xf32, #tpu.memory_space<hbm>>) dst(%dma_wait3A_54 : memref<640x16xf32, #tpu.memory_space<vmem_shared>>)
      tpu.yield
    }) : () -> ()
    "tpu.region"() ({
      %run_scoped3A_50 = tpu.sem_alloc : memref<!tpu.dma_semaphore, #tpu.memory_space<semaphore_mem>>
      tpu.enqueue_dma source(%arg4 : memref<128x16xf32, #tpu.memory_space<hbm>>) target(%arg7 : memref<128x16xf32, #tpu.memory_space<vmem>>) target_semaphore(%run_scoped3A_50 : memref<!tpu.dma_semaphore, #tpu.memory_space<semaphore_mem>>)
      tpu.wait_dma2 semaphore(%run_scoped3A_50 : memref<!tpu.dma_semaphore, #tpu.memory_space<semaphore_mem>>) src(%arg4 : memref<128x16xf32, #tpu.memory_space<hbm>>) dst(%arg7 : memref<128x16xf32, #tpu.memory_space<vmem>>)
      tpu.yield
    }) : () -> ()
    %run_scoped3A = arith.constant 1 : i32
    "tpu.region"() ({
      %run_scoped3A_50 = tpu.sem_alloc : memref<!tpu.dma_semaphore, #tpu.memory_space<semaphore_mem>>
      %dma_start3A = arith.constant 0 : i32
      %dma_start3A_51 = arith.constant 0 : i32
      %dma_start3A_52 = tpu.memref_slice %arg6[%dma_start3A, %dma_start3A_51] : memref<79x128xi32, #tpu.memory_space<vmem>> -> memref<78x128xi32, #tpu.memory_space<vmem>>
      %dma_start3A_53 = arith.constant 0 : i32
      %dma_start3A_54 = tpu.memref_slice %arg2[%run_scoped3A, %add3A_6, %dma_start3A_53] : memref<2x2500x128xi32, #tpu.memory_space<hbm>> -> memref<1x78x128xi32, #tpu.memory_space<hbm>>
      %dma_start3A_55 = tpu.memref_squeeze %dma_start3A_54 : memref<1x78x128xi32, #tpu.memory_space<hbm>> -> memref<78x128xi32, #tpu.memory_space<hbm>>
      %dma_start3A_56 = arith.constant 0 : i32
      %dma_start3A_57 = arith.constant 0 : i32
      %dma_start3A_58 = tpu.memref_slice %arg6[%dma_start3A_56, %dma_start3A_57] : memref<79x128xi32, #tpu.memory_space<vmem>> -> memref<78x128xi32, #tpu.memory_space<vmem>>
      %dma_start3A_59 = arith.constant 0 : i32
      %dma_start3A_60 = tpu.memref_slice %arg2[%run_scoped3A, %add3A_6, %dma_start3A_59] : memref<2x2500x128xi32, #tpu.memory_space<hbm>> -> memref<1x78x128xi32, #tpu.memory_space<hbm>>
      %dma_start3A_61 = tpu.memref_squeeze %dma_start3A_60 : memref<1x78x128xi32, #tpu.memory_space<hbm>> -> memref<78x128xi32, #tpu.memory_space<hbm>>
      tpu.enqueue_dma source(%dma_start3A_61 : memref<78x128xi32, #tpu.memory_space<hbm>>) target(%dma_start3A_58 : memref<78x128xi32, #tpu.memory_space<vmem>>) target_semaphore(%run_scoped3A_50 : memref<!tpu.dma_semaphore, #tpu.memory_space<semaphore_mem>>)
      %dma_wait3A = arith.constant 0 : i32
      %dma_wait3A_62 = arith.constant 0 : i32
      %dma_wait3A_63 = tpu.memref_slice %arg6[%dma_wait3A, %dma_wait3A_62] : memref<79x128xi32, #tpu.memory_space<vmem>> -> memref<78x128xi32, #tpu.memory_space<vmem>>
      %dma_wait3A_64 = arith.constant 0 : i32
      %dma_wait3A_65 = tpu.memref_slice %arg2[%run_scoped3A, %add3A_6, %dma_wait3A_64] : memref<2x2500x128xi32, #tpu.memory_space<hbm>> -> memref<1x78x128xi32, #tpu.memory_space<hbm>>
      %dma_wait3A_66 = tpu.memref_squeeze %dma_wait3A_65 : memref<1x78x128xi32, #tpu.memory_space<hbm>> -> memref<78x128xi32, #tpu.memory_space<hbm>>
      %dma_wait3A_67 = arith.constant 0 : i32
      %dma_wait3A_68 = arith.constant 0 : i32
      %dma_wait3A_69 = tpu.memref_slice %arg6[%dma_wait3A_67, %dma_wait3A_68] : memref<79x128xi32, #tpu.memory_space<vmem>> -> memref<78x128xi32, #tpu.memory_space<vmem>>
      %dma_wait3A_70 = arith.constant 0 : i32
      %dma_wait3A_71 = tpu.memref_slice %arg2[%run_scoped3A, %add3A_6, %dma_wait3A_70] : memref<2x2500x128xi32, #tpu.memory_space<hbm>> -> memref<1x78x128xi32, #tpu.memory_space<hbm>>
      %dma_wait3A_72 = tpu.memref_squeeze %dma_wait3A_71 : memref<1x78x128xi32, #tpu.memory_space<hbm>> -> memref<78x128xi32, #tpu.memory_space<hbm>>
      tpu.wait_dma2 semaphore(%run_scoped3A_50 : memref<!tpu.dma_semaphore, #tpu.memory_space<semaphore_mem>>) src(%dma_wait3A_72 : memref<78x128xi32, #tpu.memory_space<hbm>>) dst(%dma_wait3A_69 : memref<78x128xi32, #tpu.memory_space<vmem>>)
      tpu.yield
    }) : () -> ()
    %lt3A_10 = arith.constant 4 : i32
    %lt3A_11 = arith.cmpi slt, %add3A, %lt3A_10 : i32
    %convert_element_type3A_12 = arith.extui %lt3A_11 : i1 to i32
    %cond3A = arith.constant 0 : i32
    %cond3A_13 = arith.cmpi ne, %convert_element_type3A_12, %cond3A : i32
    scf.if %cond3A_13 {
      %add3A_50 = arith.constant 78 : i32
      %add3A_51 = arith.addi %add3A_6, %add3A_50 : i32
      %run_scoped3A_52 = arith.constant 1 : i32
      %run_scoped3A_53 = arith.constant 78 : i32
      "tpu.region"() ({
        %run_scoped3A_54 = tpu.sem_alloc : memref<!tpu.dma_semaphore, #tpu.memory_space<semaphore_mem>>
        %dma_start3A = arith.constant 0 : i32
        %dma_start3A_55 = tpu.memref_slice %arg6[%run_scoped3A_53, %dma_start3A] : memref<79x128xi32, #tpu.memory_space<vmem>> -> memref<1x128xi32, #tpu.memory_space<vmem>>
        %dma_start3A_56 = tpu.memref_squeeze %dma_start3A_55 : memref<1x128xi32, #tpu.memory_space<vmem>> -> memref<128xi32, #tpu.memory_space<vmem>>
        %dma_start3A_57 = arith.constant 0 : i32
        %dma_start3A_58 = tpu.memref_slice %arg2[%run_scoped3A_52, %add3A_51, %dma_start3A_57] : memref<2x2500x128xi32, #tpu.memory_space<hbm>> -> memref<1x1x128xi32, #tpu.memory_space<hbm>>
        %dma_start3A_59 = tpu.memref_squeeze %dma_start3A_58 : memref<1x1x128xi32, #tpu.memory_space<hbm>> -> memref<128xi32, #tpu.memory_space<hbm>>
        %dma_start3A_60 = arith.constant 0 : i32
        %dma_start3A_61 = tpu.memref_slice %arg6[%run_scoped3A_53, %dma_start3A_60] : memref<79x128xi32, #tpu.memory_space<vmem>> -> memref<1x128xi32, #tpu.memory_space<vmem>>
        %dma_start3A_62 = tpu.memref_squeeze %dma_start3A_61 : memref<1x128xi32, #tpu.memory_space<vmem>> -> memref<128xi32, #tpu.memory_space<vmem>>
        %dma_start3A_63 = arith.constant 0 : i32
        %dma_start3A_64 = tpu.memref_slice %arg2[%run_scoped3A_52, %add3A_51, %dma_start3A_63] : memref<2x2500x128xi32, #tpu.memory_space<hbm>> -> memref<1x1x128xi32, #tpu.memory_space<hbm>>
        %dma_start3A_65 = tpu.memref_squeeze %dma_start3A_64 : memref<1x1x128xi32, #tpu.memory_space<hbm>> -> memref<128xi32, #tpu.memory_space<hbm>>
        tpu.enqueue_dma source(%dma_start3A_65 : memref<128xi32, #tpu.memory_space<hbm>>) target(%dma_start3A_62 : memref<128xi32, #tpu.memory_space<vmem>>) target_semaphore(%run_scoped3A_54 : memref<!tpu.dma_semaphore, #tpu.memory_space<semaphore_mem>>)
        %dma_wait3A = arith.constant 0 : i32
        %dma_wait3A_66 = tpu.memref_slice %arg6[%run_scoped3A_53, %dma_wait3A] : memref<79x128xi32, #tpu.memory_space<vmem>> -> memref<1x128xi32, #tpu.memory_space<vmem>>
        %dma_wait3A_67 = tpu.memref_squeeze %dma_wait3A_66 : memref<1x128xi32, #tpu.memory_space<vmem>> -> memref<128xi32, #tpu.memory_space<vmem>>
        %dma_wait3A_68 = arith.constant 0 : i32
        %dma_wait3A_69 = tpu.memref_slice %arg2[%run_scoped3A_52, %add3A_51, %dma_wait3A_68] : memref<2x2500x128xi32, #tpu.memory_space<hbm>> -> memref<1x1x128xi32, #tpu.memory_space<hbm>>
        %dma_wait3A_70 = tpu.memref_squeeze %dma_wait3A_69 : memref<1x1x128xi32, #tpu.memory_space<hbm>> -> memref<128xi32, #tpu.memory_space<hbm>>
        %dma_wait3A_71 = arith.constant 0 : i32
        %dma_wait3A_72 = tpu.memref_slice %arg6[%run_scoped3A_53, %dma_wait3A_71] : memref<79x128xi32, #tpu.memory_space<vmem>> -> memref<1x128xi32, #tpu.memory_space<vmem>>
        %dma_wait3A_73 = tpu.memref_squeeze %dma_wait3A_72 : memref<1x128xi32, #tpu.memory_space<vmem>> -> memref<128xi32, #tpu.memory_space<vmem>>
        %dma_wait3A_74 = arith.constant 0 : i32
        %dma_wait3A_75 = tpu.memref_slice %arg2[%run_scoped3A_52, %add3A_51, %dma_wait3A_74] : memref<2x2500x128xi32, #tpu.memory_space<hbm>> -> memref<1x1x128xi32, #tpu.memory_space<hbm>>
        %dma_wait3A_76 = tpu.memref_squeeze %dma_wait3A_75 : memref<1x1x128xi32, #tpu.memory_space<hbm>> -> memref<128xi32, #tpu.memory_space<hbm>>
        tpu.wait_dma2 semaphore(%run_scoped3A_54 : memref<!tpu.dma_semaphore, #tpu.memory_space<semaphore_mem>>) src(%dma_wait3A_76 : memref<128xi32, #tpu.memory_space<hbm>>) dst(%dma_wait3A_73 : memref<128xi32, #tpu.memory_space<vmem>>)
        tpu.yield
      }) : () -> ()
    } else {
    }
    %barrier3A = arith.constant 0 : index
    tpu.barrier barrier_id(%barrier3A)
    %sub3A = arith.constant 0 : i32
    %sub3A_14 = arith.subi %add3A_9, %sub3A : i32
    %sub3A_15 = arith.constant 1 : i32
    %sub3A_16 = arith.constant 1 : i32
    %sub3A_17 = arith.subi %sub3A_15, %sub3A_16 : i32
    %add3A_18 = arith.addi %sub3A_14, %sub3A_17 : i32
    %div3A = arith.constant 1 : i32
    %div3A_19 = arith.divsi %add3A_18, %div3A : i32
    %while3A = arith.constant 1 : i32
    %while3A_20 = arith.constant 0 : i32
    %while3A_21 = arith.constant 0 : i32
    %while3A_22 = arith.subi %div3A_19, %while3A_21 : i32
    %while3A_23 = arith.addi %while3A_21, %while3A_22 : i32
    %while3A_24 = arith.constant 1 : i32
    %while3A_25 = arith.divsi %while3A_22, %while3A_24 : i32
    %while3A_26 = arith.muli %while3A_25, %while3A_24 : i32
    %while3A_27 = arith.addi %while3A_21, %while3A_26 : i32
    %while3A_28 = arith.constant 1 : i32
    scf.for %while3A_50 = %while3A_21 to %while3A_27 step %while3A_28  : i32 {
      %mul3A_51 = arith.muli %while3A_50, %while3A : i32
      %add3A_52 = arith.addi %while3A_20, %mul3A_51 : i32
      %dma_start3A = arith.constant 0 : i32
      %dma_start3A_53 = tpu.memref_slice %arg6[%add3A_52, %dma_start3A] : memref<79x128xi32, #tpu.memory_space<vmem>> -> memref<1x128xi32, #tpu.memory_space<vmem>>
      %dma_start3A_54 = tpu.memref_squeeze %dma_start3A_53 : memref<1x128xi32, #tpu.memory_space<vmem>> -> memref<128xi32, #tpu.memory_space<vmem>>
      %dma_start3A_55 = arith.constant 0 : i32
      %dma_start3A_56 = arith.constant 0 : i32
      %dma_start3A_57 = tpu.memref_slice %arg8[%dma_start3A_55, %dma_start3A_56] : memref<10240x16xf32, #tpu.memory_space<vmem_shared>> -> memref<10240x16xf32, #tpu.memory_space<vmem_shared>>
      tpu.enqueue_indirect_dma source(%arg7 : memref<128x16xf32, #tpu.memory_space<vmem>>) target(%dma_start3A_57 : memref<10240x16xf32, #tpu.memory_space<vmem_shared>>) offsets(%dma_start3A_54 : memref<128xi32, #tpu.memory_space<vmem>>) semaphore(%arg9 : memref<!tpu.dma_semaphore, #tpu.memory_space<semaphore_mem>>) {add = true}
    }
    %while3A_29 = arith.constant 1 : i32
    scf.for %while3A_50 = %while3A_27 to %while3A_23 step %while3A_29  : i32 {
      %mul3A_51 = arith.muli %while3A_50, %while3A : i32
      %add3A_52 = arith.addi %while3A_20, %mul3A_51 : i32
      %dma_start3A = arith.constant 0 : i32
      %dma_start3A_53 = tpu.memref_slice %arg6[%add3A_52, %dma_start3A] : memref<79x128xi32, #tpu.memory_space<vmem>> -> memref<1x128xi32, #tpu.memory_space<vmem>>
      %dma_start3A_54 = tpu.memref_squeeze %dma_start3A_53 : memref<1x128xi32, #tpu.memory_space<vmem>> -> memref<128xi32, #tpu.memory_space<vmem>>
      %dma_start3A_55 = arith.constant 0 : i32
      %dma_start3A_56 = arith.constant 0 : i32
      %dma_start3A_57 = tpu.memref_slice %arg8[%dma_start3A_55, %dma_start3A_56] : memref<10240x16xf32, #tpu.memory_space<vmem_shared>> -> memref<10240x16xf32, #tpu.memory_space<vmem_shared>>
      tpu.enqueue_indirect_dma source(%arg7 : memref<128x16xf32, #tpu.memory_space<vmem>>) target(%dma_start3A_57 : memref<10240x16xf32, #tpu.memory_space<vmem_shared>>) offsets(%dma_start3A_54 : memref<128xi32, #tpu.memory_space<vmem>>) semaphore(%arg9 : memref<!tpu.dma_semaphore, #tpu.memory_space<semaphore_mem>>) {add = true}
    }
    %sub3A_30 = arith.constant 0 : i32
    %sub3A_31 = arith.subi %add3A_9, %sub3A_30 : i32
    %sub3A_32 = arith.constant 1 : i32
    %sub3A_33 = arith.constant 1 : i32
    %sub3A_34 = arith.subi %sub3A_32, %sub3A_33 : i32
    %add3A_35 = arith.addi %sub3A_31, %sub3A_34 : i32
    %div3A_36 = arith.constant 1 : i32
    %div3A_37 = arith.divsi %add3A_35, %div3A_36 : i32
    %while3A_38 = arith.constant 1 : i32
    %while3A_39 = arith.constant 0 : i32
    %while3A_40 = arith.constant 0 : i32
    %while3A_41 = arith.subi %div3A_37, %while3A_40 : i32
    %while3A_42 = arith.addi %while3A_40, %while3A_41 : i32
    %while3A_43 = arith.constant 1 : i32
    %while3A_44 = arith.divsi %while3A_41, %while3A_43 : i32
    %while3A_45 = arith.muli %while3A_44, %while3A_43 : i32
    %while3A_46 = arith.addi %while3A_40, %while3A_45 : i32
    %while3A_47 = arith.constant 1 : i32
    scf.for %while3A_50 = %while3A_40 to %while3A_46 step %while3A_47  : i32 {
      %mul3A_51 = arith.muli %while3A_50, %while3A_38 : i32
      %add3A_52 = arith.addi %while3A_39, %mul3A_51 : i32
      %dma_wait3A = arith.constant 0 : i32
      %dma_wait3A_53 = tpu.memref_slice %arg6[%add3A_52, %dma_wait3A] : memref<79x128xi32, #tpu.memory_space<vmem>> -> memref<1x128xi32, #tpu.memory_space<vmem>>
      %dma_wait3A_54 = tpu.memref_squeeze %dma_wait3A_53 : memref<1x128xi32, #tpu.memory_space<vmem>> -> memref<128xi32, #tpu.memory_space<vmem>>
      %dma_wait3A_55 = arith.constant 0 : i32
      %dma_wait3A_56 = arith.constant 0 : i32
      %dma_wait3A_57 = tpu.memref_slice %arg8[%dma_wait3A_55, %dma_wait3A_56] : memref<10240x16xf32, #tpu.memory_space<vmem_shared>> -> memref<10240x16xf32, #tpu.memory_space<vmem_shared>>
      tpu.wait_indirect_dma semaphore(%arg9 : memref<!tpu.dma_semaphore, #tpu.memory_space<semaphore_mem>>) src(%arg7 : memref<128x16xf32, #tpu.memory_space<vmem>>) dst(%dma_wait3A_57 : memref<10240x16xf32, #tpu.memory_space<vmem_shared>>)
    }
    %while3A_48 = arith.constant 1 : i32
    scf.for %while3A_50 = %while3A_46 to %while3A_42 step %while3A_48  : i32 {
      %mul3A_51 = arith.muli %while3A_50, %while3A_38 : i32
      %add3A_52 = arith.addi %while3A_39, %mul3A_51 : i32
      %dma_wait3A = arith.constant 0 : i32
      %dma_wait3A_53 = tpu.memref_slice %arg6[%add3A_52, %dma_wait3A] : memref<79x128xi32, #tpu.memory_space<vmem>> -> memref<1x128xi32, #tpu.memory_space<vmem>>
      %dma_wait3A_54 = tpu.memref_squeeze %dma_wait3A_53 : memref<1x128xi32, #tpu.memory_space<vmem>> -> memref<128xi32, #tpu.memory_space<vmem>>
      %dma_wait3A_55 = arith.constant 0 : i32
      %dma_wait3A_56 = arith.constant 0 : i32
      %dma_wait3A_57 = tpu.memref_slice %arg8[%dma_wait3A_55, %dma_wait3A_56] : memref<10240x16xf32, #tpu.memory_space<vmem_shared>> -> memref<10240x16xf32, #tpu.memory_space<vmem_shared>>
      tpu.wait_indirect_dma semaphore(%arg9 : memref<!tpu.dma_semaphore, #tpu.memory_space<semaphore_mem>>) src(%arg7 : memref<128x16xf32, #tpu.memory_space<vmem>>) dst(%dma_wait3A_57 : memref<10240x16xf32, #tpu.memory_space<vmem_shared>>)
    }
    %barrier3A_49 = arith.constant 0 : index
    tpu.barrier barrier_id(%barrier3A_49)
    "tpu.region"() ({
      %run_scoped3A_50 = tpu.sem_alloc : memref<!tpu.dma_semaphore, #tpu.memory_space<semaphore_mem>>
      %dma_start3A = arith.constant 0 : i32
      %dma_start3A_51 = tpu.memref_slice %arg5[%arg0, %mul3A_2, %dma_start3A] : memref<2x10240x16xf32, #tpu.memory_space<hbm>> -> memref<1x640x16xf32, #tpu.memory_space<hbm>>
      %dma_start3A_52 = tpu.memref_squeeze %dma_start3A_51 : memref<1x640x16xf32, #tpu.memory_space<hbm>> -> memref<640x16xf32, #tpu.memory_space<hbm>>
      %dma_start3A_53 = arith.constant 0 : i32
      %dma_start3A_54 = tpu.memref_slice %arg8[%mul3A_2, %dma_start3A_53] : memref<10240x16xf32, #tpu.memory_space<vmem_shared>> -> memref<640x16xf32, #tpu.memory_space<vmem_shared>>
      tpu.enqueue_dma source(%dma_start3A_54 : memref<640x16xf32, #tpu.memory_space<vmem_shared>>) target(%dma_start3A_52 : memref<640x16xf32, #tpu.memory_space<hbm>>) target_semaphore(%run_scoped3A_50 : memref<!tpu.dma_semaphore, #tpu.memory_space<semaphore_mem>>)
      %dma_wait3A = arith.constant 0 : i32
      %dma_wait3A_55 = tpu.memref_slice %arg5[%arg0, %mul3A_2, %dma_wait3A] : memref<2x10240x16xf32, #tpu.memory_space<hbm>> -> memref<1x640x16xf32, #tpu.memory_space<hbm>>
      %dma_wait3A_56 = tpu.memref_squeeze %dma_wait3A_55 : memref<1x640x16xf32, #tpu.memory_space<hbm>> -> memref<640x16xf32, #tpu.memory_space<hbm>>
      %dma_wait3A_57 = arith.constant 0 : i32
      %dma_wait3A_58 = tpu.memref_slice %arg8[%mul3A_2, %dma_wait3A_57] : memref<10240x16xf32, #tpu.memory_space<vmem_shared>> -> memref<640x16xf32, #tpu.memory_space<vmem_shared>>
      tpu.wait_dma2 semaphore(%run_scoped3A_50 : memref<!tpu.dma_semaphore, #tpu.memory_space<semaphore_mem>>) src(%dma_wait3A_58 : memref<640x16xf32, #tpu.memory_space<vmem_shared>>) dst(%dma_wait3A_56 : memref<640x16xf32, #tpu.memory_space<hbm>>)
      tpu.yield
    }) : () -> ()
    return
  }
}

#map = affine_map<(d0, d1) -> (0, 0)>
#map1 = affine_map<(d0, d1) -> (0, 0, 0)>
module attributes {stable_mosaic.version = 14 : i64} {
  func.func @_agg_body(%arg0: i32, %arg1: i32, %arg2: memref<10240x32xf32, #tpu.memory_space<hbm>>, %arg3: memref<2x2500x128xi32, #tpu.memory_space<hbm>>, %arg4: memref<10240x32xf32, #tpu.memory_space<hbm>>, %arg5: memref<2x10240x32xf32, #tpu.memory_space<hbm>>, %arg6: memref<79x128xi32, #tpu.memory_space<vmem>>, %arg7: memref<79x128xi32, #tpu.memory_space<vmem>>, %arg8: memref<6x128x32xf32, #tpu.memory_space<vmem>>, %arg9: memref<10240x32xf32, #tpu.memory_space<vmem_shared>>, %arg10: memref<10240x32xf32, #tpu.memory_space<vmem_shared>>, %arg11: memref<6x!tpu.dma_semaphore, #tpu.memory_space<semaphore_mem>>, %arg12: memref<6x!tpu.dma_semaphore, #tpu.memory_space<semaphore_mem>>) attributes {dimension_semantics = [#tpu.dimension_semantics<core_parallel>, #tpu.dimension_semantics<subcore_parallel>], iteration_bounds = array<i64: 2, 16>, scalar_prefetch = 0 : i64, scratch_operands = 7 : i64, tpu.core_type = #tpu.core_type<sc_vector_subcore>, window_params = [{transform_indices = #map}, {transform_indices = #map1}, {transform_indices = #map}, {transform_indices = #map1}]} {
    %mul3A = arith.constant 2 : i32
    %mul3A_0 = arith.muli %arg1, %mul3A : i32
    %add3A = arith.addi %mul3A_0, %arg0 : i32
    %mul3A_1 = arith.constant 640 : i32
    %mul3A_2 = arith.muli %arg1, %mul3A_1 : i32
    %mul3A_3 = arith.constant 78 : i32
    %mul3A_4 = arith.muli %mul3A_3, %add3A : i32
    %min3A = arith.constant 4 : i32
    %min3A_5 = arith.minsi %add3A, %min3A : i32
    %add3A_6 = arith.addi %mul3A_4, %min3A_5 : i32
    "tpu.region"() ({
      %run_scoped3A_109 = tpu.sem_alloc : memref<!tpu.dma_semaphore, #tpu.memory_space<semaphore_mem>>
      %dma_start3A_110 = arith.constant 0 : i32
      %dma_start3A_111 = tpu.memref_slice %arg10[%mul3A_2, %dma_start3A_110] : memref<10240x32xf32, #tpu.memory_space<vmem_shared>> -> memref<640x32xf32, #tpu.memory_space<vmem_shared>>
      %dma_start3A_112 = arith.constant 0 : i32
      %dma_start3A_113 = tpu.memref_slice %arg4[%mul3A_2, %dma_start3A_112] : memref<10240x32xf32, #tpu.memory_space<hbm>> -> memref<640x32xf32, #tpu.memory_space<hbm>>
      tpu.enqueue_dma source(%dma_start3A_113 : memref<640x32xf32, #tpu.memory_space<hbm>>) target(%dma_start3A_111 : memref<640x32xf32, #tpu.memory_space<vmem_shared>>) target_semaphore(%run_scoped3A_109 : memref<!tpu.dma_semaphore, #tpu.memory_space<semaphore_mem>>)
      %dma_wait3A = arith.constant 0 : i32
      %dma_wait3A_114 = tpu.memref_slice %arg10[%mul3A_2, %dma_wait3A] : memref<10240x32xf32, #tpu.memory_space<vmem_shared>> -> memref<640x32xf32, #tpu.memory_space<vmem_shared>>
      %dma_wait3A_115 = arith.constant 0 : i32
      %dma_wait3A_116 = tpu.memref_slice %arg4[%mul3A_2, %dma_wait3A_115] : memref<10240x32xf32, #tpu.memory_space<hbm>> -> memref<640x32xf32, #tpu.memory_space<hbm>>
      tpu.wait_dma2 semaphore(%run_scoped3A_109 : memref<!tpu.dma_semaphore, #tpu.memory_space<semaphore_mem>>) src(%dma_wait3A_116 : memref<640x32xf32, #tpu.memory_space<hbm>>) dst(%dma_wait3A_114 : memref<640x32xf32, #tpu.memory_space<vmem_shared>>)
      tpu.yield
    }) : () -> ()
    "tpu.region"() ({
      %run_scoped3A_109 = tpu.sem_alloc : memref<!tpu.dma_semaphore, #tpu.memory_space<semaphore_mem>>
      %dma_start3A_110 = arith.constant 0 : i32
      %dma_start3A_111 = tpu.memref_slice %arg9[%mul3A_2, %dma_start3A_110] : memref<10240x32xf32, #tpu.memory_space<vmem_shared>> -> memref<640x32xf32, #tpu.memory_space<vmem_shared>>
      %dma_start3A_112 = arith.constant 0 : i32
      %dma_start3A_113 = tpu.memref_slice %arg2[%mul3A_2, %dma_start3A_112] : memref<10240x32xf32, #tpu.memory_space<hbm>> -> memref<640x32xf32, #tpu.memory_space<hbm>>
      tpu.enqueue_dma source(%dma_start3A_113 : memref<640x32xf32, #tpu.memory_space<hbm>>) target(%dma_start3A_111 : memref<640x32xf32, #tpu.memory_space<vmem_shared>>) target_semaphore(%run_scoped3A_109 : memref<!tpu.dma_semaphore, #tpu.memory_space<semaphore_mem>>)
      %dma_wait3A = arith.constant 0 : i32
      %dma_wait3A_114 = tpu.memref_slice %arg9[%mul3A_2, %dma_wait3A] : memref<10240x32xf32, #tpu.memory_space<vmem_shared>> -> memref<640x32xf32, #tpu.memory_space<vmem_shared>>
      %dma_wait3A_115 = arith.constant 0 : i32
      %dma_wait3A_116 = tpu.memref_slice %arg2[%mul3A_2, %dma_wait3A_115] : memref<10240x32xf32, #tpu.memory_space<hbm>> -> memref<640x32xf32, #tpu.memory_space<hbm>>
      tpu.wait_dma2 semaphore(%run_scoped3A_109 : memref<!tpu.dma_semaphore, #tpu.memory_space<semaphore_mem>>) src(%dma_wait3A_116 : memref<640x32xf32, #tpu.memory_space<hbm>>) dst(%dma_wait3A_114 : memref<640x32xf32, #tpu.memory_space<vmem_shared>>)
      tpu.yield
    }) : () -> ()
    %run_scoped3A = arith.constant 0 : i32
    "tpu.region"() ({
      %run_scoped3A_109 = tpu.sem_alloc : memref<!tpu.dma_semaphore, #tpu.memory_space<semaphore_mem>>
      %dma_start3A_110 = arith.constant 0 : i32
      %dma_start3A_111 = arith.constant 0 : i32
      %dma_start3A_112 = tpu.memref_slice %arg6[%dma_start3A_110, %dma_start3A_111] : memref<79x128xi32, #tpu.memory_space<vmem>> -> memref<78x128xi32, #tpu.memory_space<vmem>>
      %dma_start3A_113 = arith.constant 0 : i32
      %dma_start3A_114 = tpu.memref_slice %arg3[%run_scoped3A, %add3A_6, %dma_start3A_113] : memref<2x2500x128xi32, #tpu.memory_space<hbm>> -> memref<1x78x128xi32, #tpu.memory_space<hbm>>
      %dma_start3A_115 = tpu.memref_squeeze %dma_start3A_114 : memref<1x78x128xi32, #tpu.memory_space<hbm>> -> memref<78x128xi32, #tpu.memory_space<hbm>>
      %dma_start3A_116 = arith.constant 0 : i32
      %dma_start3A_117 = arith.constant 0 : i32
      %dma_start3A_118 = tpu.memref_slice %arg6[%dma_start3A_116, %dma_start3A_117] : memref<79x128xi32, #tpu.memory_space<vmem>> -> memref<78x128xi32, #tpu.memory_space<vmem>>
      %dma_start3A_119 = arith.constant 0 : i32
      %dma_start3A_120 = tpu.memref_slice %arg3[%run_scoped3A, %add3A_6, %dma_start3A_119] : memref<2x2500x128xi32, #tpu.memory_space<hbm>> -> memref<1x78x128xi32, #tpu.memory_space<hbm>>
      %dma_start3A_121 = tpu.memref_squeeze %dma_start3A_120 : memref<1x78x128xi32, #tpu.memory_space<hbm>> -> memref<78x128xi32, #tpu.memory_space<hbm>>
      tpu.enqueue_dma source(%dma_start3A_121 : memref<78x128xi32, #tpu.memory_space<hbm>>) target(%dma_start3A_118 : memref<78x128xi32, #tpu.memory_space<vmem>>) target_semaphore(%run_scoped3A_109 : memref<!tpu.dma_semaphore, #tpu.memory_space<semaphore_mem>>)
      %dma_wait3A = arith.constant 0 : i32
      %dma_wait3A_122 = arith.constant 0 : i32
      %dma_wait3A_123 = tpu.memref_slice %arg6[%dma_wait3A, %dma_wait3A_122] : memref<79x128xi32, #tpu.memory_space<vmem>> -> memref<78x128xi32, #tpu.memory_space<vmem>>
      %dma_wait3A_124 = arith.constant 0 : i32
      %dma_wait3A_125 = tpu.memref_slice %arg3[%run_scoped3A, %add3A_6, %dma_wait3A_124] : memref<2x2500x128xi32, #tpu.memory_space<hbm>> -> memref<1x78x128xi32, #tpu.memory_space<hbm>>
      %dma_wait3A_126 = tpu.memref_squeeze %dma_wait3A_125 : memref<1x78x128xi32, #tpu.memory_space<hbm>> -> memref<78x128xi32, #tpu.memory_space<hbm>>
      %dma_wait3A_127 = arith.constant 0 : i32
      %dma_wait3A_128 = arith.constant 0 : i32
      %dma_wait3A_129 = tpu.memref_slice %arg6[%dma_wait3A_127, %dma_wait3A_128] : memref<79x128xi32, #tpu.memory_space<vmem>> -> memref<78x128xi32, #tpu.memory_space<vmem>>
      %dma_wait3A_130 = arith.constant 0 : i32
      %dma_wait3A_131 = tpu.memref_slice %arg3[%run_scoped3A, %add3A_6, %dma_wait3A_130] : memref<2x2500x128xi32, #tpu.memory_space<hbm>> -> memref<1x78x128xi32, #tpu.memory_space<hbm>>
      %dma_wait3A_132 = tpu.memref_squeeze %dma_wait3A_131 : memref<1x78x128xi32, #tpu.memory_space<hbm>> -> memref<78x128xi32, #tpu.memory_space<hbm>>
      tpu.wait_dma2 semaphore(%run_scoped3A_109 : memref<!tpu.dma_semaphore, #tpu.memory_space<semaphore_mem>>) src(%dma_wait3A_132 : memref<78x128xi32, #tpu.memory_space<hbm>>) dst(%dma_wait3A_129 : memref<78x128xi32, #tpu.memory_space<vmem>>)
      tpu.yield
    }) : () -> ()
    %run_scoped3A_7 = arith.constant 1 : i32
    "tpu.region"() ({
      %run_scoped3A_109 = tpu.sem_alloc : memref<!tpu.dma_semaphore, #tpu.memory_space<semaphore_mem>>
      %dma_start3A_110 = arith.constant 0 : i32
      %dma_start3A_111 = arith.constant 0 : i32
      %dma_start3A_112 = tpu.memref_slice %arg7[%dma_start3A_110, %dma_start3A_111] : memref<79x128xi32, #tpu.memory_space<vmem>> -> memref<78x128xi32, #tpu.memory_space<vmem>>
      %dma_start3A_113 = arith.constant 0 : i32
      %dma_start3A_114 = tpu.memref_slice %arg3[%run_scoped3A_7, %add3A_6, %dma_start3A_113] : memref<2x2500x128xi32, #tpu.memory_space<hbm>> -> memref<1x78x128xi32, #tpu.memory_space<hbm>>
      %dma_start3A_115 = tpu.memref_squeeze %dma_start3A_114 : memref<1x78x128xi32, #tpu.memory_space<hbm>> -> memref<78x128xi32, #tpu.memory_space<hbm>>
      %dma_start3A_116 = arith.constant 0 : i32
      %dma_start3A_117 = arith.constant 0 : i32
      %dma_start3A_118 = tpu.memref_slice %arg7[%dma_start3A_116, %dma_start3A_117] : memref<79x128xi32, #tpu.memory_space<vmem>> -> memref<78x128xi32, #tpu.memory_space<vmem>>
      %dma_start3A_119 = arith.constant 0 : i32
      %dma_start3A_120 = tpu.memref_slice %arg3[%run_scoped3A_7, %add3A_6, %dma_start3A_119] : memref<2x2500x128xi32, #tpu.memory_space<hbm>> -> memref<1x78x128xi32, #tpu.memory_space<hbm>>
      %dma_start3A_121 = tpu.memref_squeeze %dma_start3A_120 : memref<1x78x128xi32, #tpu.memory_space<hbm>> -> memref<78x128xi32, #tpu.memory_space<hbm>>
      tpu.enqueue_dma source(%dma_start3A_121 : memref<78x128xi32, #tpu.memory_space<hbm>>) target(%dma_start3A_118 : memref<78x128xi32, #tpu.memory_space<vmem>>) target_semaphore(%run_scoped3A_109 : memref<!tpu.dma_semaphore, #tpu.memory_space<semaphore_mem>>)
      %dma_wait3A = arith.constant 0 : i32
      %dma_wait3A_122 = arith.constant 0 : i32
      %dma_wait3A_123 = tpu.memref_slice %arg7[%dma_wait3A, %dma_wait3A_122] : memref<79x128xi32, #tpu.memory_space<vmem>> -> memref<78x128xi32, #tpu.memory_space<vmem>>
      %dma_wait3A_124 = arith.constant 0 : i32
      %dma_wait3A_125 = tpu.memref_slice %arg3[%run_scoped3A_7, %add3A_6, %dma_wait3A_124] : memref<2x2500x128xi32, #tpu.memory_space<hbm>> -> memref<1x78x128xi32, #tpu.memory_space<hbm>>
      %dma_wait3A_126 = tpu.memref_squeeze %dma_wait3A_125 : memref<1x78x128xi32, #tpu.memory_space<hbm>> -> memref<78x128xi32, #tpu.memory_space<hbm>>
      %dma_wait3A_127 = arith.constant 0 : i32
      %dma_wait3A_128 = arith.constant 0 : i32
      %dma_wait3A_129 = tpu.memref_slice %arg7[%dma_wait3A_127, %dma_wait3A_128] : memref<79x128xi32, #tpu.memory_space<vmem>> -> memref<78x128xi32, #tpu.memory_space<vmem>>
      %dma_wait3A_130 = arith.constant 0 : i32
      %dma_wait3A_131 = tpu.memref_slice %arg3[%run_scoped3A_7, %add3A_6, %dma_wait3A_130] : memref<2x2500x128xi32, #tpu.memory_space<hbm>> -> memref<1x78x128xi32, #tpu.memory_space<hbm>>
      %dma_wait3A_132 = tpu.memref_squeeze %dma_wait3A_131 : memref<1x78x128xi32, #tpu.memory_space<hbm>> -> memref<78x128xi32, #tpu.memory_space<hbm>>
      tpu.wait_dma2 semaphore(%run_scoped3A_109 : memref<!tpu.dma_semaphore, #tpu.memory_space<semaphore_mem>>) src(%dma_wait3A_132 : memref<78x128xi32, #tpu.memory_space<hbm>>) dst(%dma_wait3A_129 : memref<78x128xi32, #tpu.memory_space<vmem>>)
      tpu.yield
    }) : () -> ()
    %lt3A = arith.constant 4 : i32
    %lt3A_8 = arith.cmpi slt, %add3A, %lt3A : i32
    %convert_element_type3A = arith.extui %lt3A_8 : i1 to i32
    %cond3A = arith.constant 0 : i32
    %cond3A_9 = arith.cmpi ne, %convert_element_type3A, %cond3A : i32
    scf.if %cond3A_9 {
      %add3A_109 = arith.constant 78 : i32
      %add3A_110 = arith.addi %add3A_6, %add3A_109 : i32
      %run_scoped3A_111 = arith.constant 0 : i32
      %run_scoped3A_112 = arith.constant 78 : i32
      "tpu.region"() ({
        %run_scoped3A_117 = tpu.sem_alloc : memref<!tpu.dma_semaphore, #tpu.memory_space<semaphore_mem>>
        %dma_start3A_118 = arith.constant 0 : i32
        %dma_start3A_119 = tpu.memref_slice %arg6[%run_scoped3A_112, %dma_start3A_118] : memref<79x128xi32, #tpu.memory_space<vmem>> -> memref<1x128xi32, #tpu.memory_space<vmem>>
        %dma_start3A_120 = tpu.memref_squeeze %dma_start3A_119 : memref<1x128xi32, #tpu.memory_space<vmem>> -> memref<128xi32, #tpu.memory_space<vmem>>
        %dma_start3A_121 = arith.constant 0 : i32
        %dma_start3A_122 = tpu.memref_slice %arg3[%run_scoped3A_111, %add3A_110, %dma_start3A_121] : memref<2x2500x128xi32, #tpu.memory_space<hbm>> -> memref<1x1x128xi32, #tpu.memory_space<hbm>>
        %dma_start3A_123 = tpu.memref_squeeze %dma_start3A_122 : memref<1x1x128xi32, #tpu.memory_space<hbm>> -> memref<128xi32, #tpu.memory_space<hbm>>
        %dma_start3A_124 = arith.constant 0 : i32
        %dma_start3A_125 = tpu.memref_slice %arg6[%run_scoped3A_112, %dma_start3A_124] : memref<79x128xi32, #tpu.memory_space<vmem>> -> memref<1x128xi32, #tpu.memory_space<vmem>>
        %dma_start3A_126 = tpu.memref_squeeze %dma_start3A_125 : memref<1x128xi32, #tpu.memory_space<vmem>> -> memref<128xi32, #tpu.memory_space<vmem>>
        %dma_start3A_127 = arith.constant 0 : i32
        %dma_start3A_128 = tpu.memref_slice %arg3[%run_scoped3A_111, %add3A_110, %dma_start3A_127] : memref<2x2500x128xi32, #tpu.memory_space<hbm>> -> memref<1x1x128xi32, #tpu.memory_space<hbm>>
        %dma_start3A_129 = tpu.memref_squeeze %dma_start3A_128 : memref<1x1x128xi32, #tpu.memory_space<hbm>> -> memref<128xi32, #tpu.memory_space<hbm>>
        tpu.enqueue_dma source(%dma_start3A_129 : memref<128xi32, #tpu.memory_space<hbm>>) target(%dma_start3A_126 : memref<128xi32, #tpu.memory_space<vmem>>) target_semaphore(%run_scoped3A_117 : memref<!tpu.dma_semaphore, #tpu.memory_space<semaphore_mem>>)
        %dma_wait3A = arith.constant 0 : i32
        %dma_wait3A_130 = tpu.memref_slice %arg6[%run_scoped3A_112, %dma_wait3A] : memref<79x128xi32, #tpu.memory_space<vmem>> -> memref<1x128xi32, #tpu.memory_space<vmem>>
        %dma_wait3A_131 = tpu.memref_squeeze %dma_wait3A_130 : memref<1x128xi32, #tpu.memory_space<vmem>> -> memref<128xi32, #tpu.memory_space<vmem>>
        %dma_wait3A_132 = arith.constant 0 : i32
        %dma_wait3A_133 = tpu.memref_slice %arg3[%run_scoped3A_111, %add3A_110, %dma_wait3A_132] : memref<2x2500x128xi32, #tpu.memory_space<hbm>> -> memref<1x1x128xi32, #tpu.memory_space<hbm>>
        %dma_wait3A_134 = tpu.memref_squeeze %dma_wait3A_133 : memref<1x1x128xi32, #tpu.memory_space<hbm>> -> memref<128xi32, #tpu.memory_space<hbm>>
        %dma_wait3A_135 = arith.constant 0 : i32
        %dma_wait3A_136 = tpu.memref_slice %arg6[%run_scoped3A_112, %dma_wait3A_135] : memref<79x128xi32, #tpu.memory_space<vmem>> -> memref<1x128xi32, #tpu.memory_space<vmem>>
        %dma_wait3A_137 = tpu.memref_squeeze %dma_wait3A_136 : memref<1x128xi32, #tpu.memory_space<vmem>> -> memref<128xi32, #tpu.memory_space<vmem>>
        %dma_wait3A_138 = arith.constant 0 : i32
        %dma_wait3A_139 = tpu.memref_slice %arg3[%run_scoped3A_111, %add3A_110, %dma_wait3A_138] : memref<2x2500x128xi32, #tpu.memory_space<hbm>> -> memref<1x1x128xi32, #tpu.memory_space<hbm>>
        %dma_wait3A_140 = tpu.memref_squeeze %dma_wait3A_139 : memref<1x1x128xi32, #tpu.memory_space<hbm>> -> memref<128xi32, #tpu.memory_space<hbm>>
        tpu.wait_dma2 semaphore(%run_scoped3A_117 : memref<!tpu.dma_semaphore, #tpu.memory_space<semaphore_mem>>) src(%dma_wait3A_140 : memref<128xi32, #tpu.memory_space<hbm>>) dst(%dma_wait3A_137 : memref<128xi32, #tpu.memory_space<vmem>>)
        tpu.yield
      }) : () -> ()
      %add3A_113 = arith.constant 78 : i32
      %add3A_114 = arith.addi %add3A_6, %add3A_113 : i32
      %run_scoped3A_115 = arith.constant 1 : i32
      %run_scoped3A_116 = arith.constant 78 : i32
      "tpu.region"() ({
        %run_scoped3A_117 = tpu.sem_alloc : memref<!tpu.dma_semaphore, #tpu.memory_space<semaphore_mem>>
        %dma_start3A_118 = arith.constant 0 : i32
        %dma_start3A_119 = tpu.memref_slice %arg7[%run_scoped3A_116, %dma_start3A_118] : memref<79x128xi32, #tpu.memory_space<vmem>> -> memref<1x128xi32, #tpu.memory_space<vmem>>
        %dma_start3A_120 = tpu.memref_squeeze %dma_start3A_119 : memref<1x128xi32, #tpu.memory_space<vmem>> -> memref<128xi32, #tpu.memory_space<vmem>>
        %dma_start3A_121 = arith.constant 0 : i32
        %dma_start3A_122 = tpu.memref_slice %arg3[%run_scoped3A_115, %add3A_114, %dma_start3A_121] : memref<2x2500x128xi32, #tpu.memory_space<hbm>> -> memref<1x1x128xi32, #tpu.memory_space<hbm>>
        %dma_start3A_123 = tpu.memref_squeeze %dma_start3A_122 : memref<1x1x128xi32, #tpu.memory_space<hbm>> -> memref<128xi32, #tpu.memory_space<hbm>>
        %dma_start3A_124 = arith.constant 0 : i32
        %dma_start3A_125 = tpu.memref_slice %arg7[%run_scoped3A_116, %dma_start3A_124] : memref<79x128xi32, #tpu.memory_space<vmem>> -> memref<1x128xi32, #tpu.memory_space<vmem>>
        %dma_start3A_126 = tpu.memref_squeeze %dma_start3A_125 : memref<1x128xi32, #tpu.memory_space<vmem>> -> memref<128xi32, #tpu.memory_space<vmem>>
        %dma_start3A_127 = arith.constant 0 : i32
        %dma_start3A_128 = tpu.memref_slice %arg3[%run_scoped3A_115, %add3A_114, %dma_start3A_127] : memref<2x2500x128xi32, #tpu.memory_space<hbm>> -> memref<1x1x128xi32, #tpu.memory_space<hbm>>
        %dma_start3A_129 = tpu.memref_squeeze %dma_start3A_128 : memref<1x1x128xi32, #tpu.memory_space<hbm>> -> memref<128xi32, #tpu.memory_space<hbm>>
        tpu.enqueue_dma source(%dma_start3A_129 : memref<128xi32, #tpu.memory_space<hbm>>) target(%dma_start3A_126 : memref<128xi32, #tpu.memory_space<vmem>>) target_semaphore(%run_scoped3A_117 : memref<!tpu.dma_semaphore, #tpu.memory_space<semaphore_mem>>)
        %dma_wait3A = arith.constant 0 : i32
        %dma_wait3A_130 = tpu.memref_slice %arg7[%run_scoped3A_116, %dma_wait3A] : memref<79x128xi32, #tpu.memory_space<vmem>> -> memref<1x128xi32, #tpu.memory_space<vmem>>
        %dma_wait3A_131 = tpu.memref_squeeze %dma_wait3A_130 : memref<1x128xi32, #tpu.memory_space<vmem>> -> memref<128xi32, #tpu.memory_space<vmem>>
        %dma_wait3A_132 = arith.constant 0 : i32
        %dma_wait3A_133 = tpu.memref_slice %arg3[%run_scoped3A_115, %add3A_114, %dma_wait3A_132] : memref<2x2500x128xi32, #tpu.memory_space<hbm>> -> memref<1x1x128xi32, #tpu.memory_space<hbm>>
        %dma_wait3A_134 = tpu.memref_squeeze %dma_wait3A_133 : memref<1x1x128xi32, #tpu.memory_space<hbm>> -> memref<128xi32, #tpu.memory_space<hbm>>
        %dma_wait3A_135 = arith.constant 0 : i32
        %dma_wait3A_136 = tpu.memref_slice %arg7[%run_scoped3A_116, %dma_wait3A_135] : memref<79x128xi32, #tpu.memory_space<vmem>> -> memref<1x128xi32, #tpu.memory_space<vmem>>
        %dma_wait3A_137 = tpu.memref_squeeze %dma_wait3A_136 : memref<1x128xi32, #tpu.memory_space<vmem>> -> memref<128xi32, #tpu.memory_space<vmem>>
        %dma_wait3A_138 = arith.constant 0 : i32
        %dma_wait3A_139 = tpu.memref_slice %arg3[%run_scoped3A_115, %add3A_114, %dma_wait3A_138] : memref<2x2500x128xi32, #tpu.memory_space<hbm>> -> memref<1x1x128xi32, #tpu.memory_space<hbm>>
        %dma_wait3A_140 = tpu.memref_squeeze %dma_wait3A_139 : memref<1x1x128xi32, #tpu.memory_space<hbm>> -> memref<128xi32, #tpu.memory_space<hbm>>
        tpu.wait_dma2 semaphore(%run_scoped3A_117 : memref<!tpu.dma_semaphore, #tpu.memory_space<semaphore_mem>>) src(%dma_wait3A_140 : memref<128xi32, #tpu.memory_space<hbm>>) dst(%dma_wait3A_137 : memref<128xi32, #tpu.memory_space<vmem>>)
        tpu.yield
      }) : () -> ()
    } else {
    }
    %barrier3A = arith.constant 0 : index
    tpu.barrier barrier_id(%barrier3A)
    %dma_start3A = arith.constant 0 : i32
    %dma_start3A_10 = arith.constant 0 : i32
    %dma_start3A_11 = arith.constant 0 : i32
    %dma_start3A_12 = arith.constant 0 : i32
    %dma_start3A_13 = arith.constant 0 : i32
    %dma_start3A_14 = tpu.memref_slice %arg8[%dma_start3A_10, %dma_start3A_12, %dma_start3A_13] : memref<6x128x32xf32, #tpu.memory_space<vmem>> -> memref<1x128x32xf32, #tpu.memory_space<vmem>>
    %dma_start3A_15 = tpu.memref_squeeze %dma_start3A_14 : memref<1x128x32xf32, #tpu.memory_space<vmem>> -> memref<128x32xf32, #tpu.memory_space<vmem>>
    %dma_start3A_16 = arith.constant 0 : i32
    %dma_start3A_17 = tpu.memref_slice %arg6[%dma_start3A, %dma_start3A_16] : memref<79x128xi32, #tpu.memory_space<vmem>> -> memref<1x128xi32, #tpu.memory_space<vmem>>
    %dma_start3A_18 = tpu.memref_squeeze %dma_start3A_17 : memref<1x128xi32, #tpu.memory_space<vmem>> -> memref<128xi32, #tpu.memory_space<vmem>>
    %dma_start3A_19 = arith.constant 0 : i32
    %dma_start3A_20 = arith.constant 0 : i32
    %dma_start3A_21 = tpu.memref_slice %arg9[%dma_start3A_19, %dma_start3A_20] : memref<10240x32xf32, #tpu.memory_space<vmem_shared>> -> memref<10240x32xf32, #tpu.memory_space<vmem_shared>>
    %dma_start3A_22 = tpu.memref_slice %arg11[%dma_start3A_11] : memref<6x!tpu.dma_semaphore, #tpu.memory_space<semaphore_mem>> -> memref<1x!tpu.dma_semaphore, #tpu.memory_space<semaphore_mem>>
    %dma_start3A_23 = tpu.memref_squeeze %dma_start3A_22 : memref<1x!tpu.dma_semaphore, #tpu.memory_space<semaphore_mem>> -> memref<!tpu.dma_semaphore, #tpu.memory_space<semaphore_mem>>
    tpu.enqueue_indirect_dma source(%dma_start3A_21 : memref<10240x32xf32, #tpu.memory_space<vmem_shared>>) target(%dma_start3A_15 : memref<128x32xf32, #tpu.memory_space<vmem>>) offsets(%dma_start3A_18 : memref<128xi32, #tpu.memory_space<vmem>>) semaphore(%dma_start3A_23 : memref<!tpu.dma_semaphore, #tpu.memory_space<semaphore_mem>>)
    %dma_start3A_24 = arith.constant 1 : i32
    %dma_start3A_25 = arith.constant 1 : i32
    %dma_start3A_26 = arith.constant 1 : i32
    %dma_start3A_27 = arith.constant 0 : i32
    %dma_start3A_28 = arith.constant 0 : i32
    %dma_start3A_29 = tpu.memref_slice %arg8[%dma_start3A_25, %dma_start3A_27, %dma_start3A_28] : memref<6x128x32xf32, #tpu.memory_space<vmem>> -> memref<1x128x32xf32, #tpu.memory_space<vmem>>
    %dma_start3A_30 = tpu.memref_squeeze %dma_start3A_29 : memref<1x128x32xf32, #tpu.memory_space<vmem>> -> memref<128x32xf32, #tpu.memory_space<vmem>>
    %dma_start3A_31 = arith.constant 0 : i32
    %dma_start3A_32 = tpu.memref_slice %arg6[%dma_start3A_24, %dma_start3A_31] : memref<79x128xi32, #tpu.memory_space<vmem>> -> memref<1x128xi32, #tpu.memory_space<vmem>>
    %dma_start3A_33 = tpu.memref_squeeze %dma_start3A_32 : memref<1x128xi32, #tpu.memory_space<vmem>> -> memref<128xi32, #tpu.memory_space<vmem>>
    %dma_start3A_34 = arith.constant 0 : i32
    %dma_start3A_35 = arith.constant 0 : i32
    %dma_start3A_36 = tpu.memref_slice %arg9[%dma_start3A_34, %dma_start3A_35] : memref<10240x32xf32, #tpu.memory_space<vmem_shared>> -> memref<10240x32xf32, #tpu.memory_space<vmem_shared>>
    %dma_start3A_37 = tpu.memref_slice %arg11[%dma_start3A_26] : memref<6x!tpu.dma_semaphore, #tpu.memory_space<semaphore_mem>> -> memref<1x!tpu.dma_semaphore, #tpu.memory_space<semaphore_mem>>
    %dma_start3A_38 = tpu.memref_squeeze %dma_start3A_37 : memref<1x!tpu.dma_semaphore, #tpu.memory_space<semaphore_mem>> -> memref<!tpu.dma_semaphore, #tpu.memory_space<semaphore_mem>>
    tpu.enqueue_indirect_dma source(%dma_start3A_36 : memref<10240x32xf32, #tpu.memory_space<vmem_shared>>) target(%dma_start3A_30 : memref<128x32xf32, #tpu.memory_space<vmem>>) offsets(%dma_start3A_33 : memref<128xi32, #tpu.memory_space<vmem>>) semaphore(%dma_start3A_38 : memref<!tpu.dma_semaphore, #tpu.memory_space<semaphore_mem>>)
    %dma_start3A_39 = arith.constant 2 : i32
    %dma_start3A_40 = arith.constant 2 : i32
    %dma_start3A_41 = arith.constant 2 : i32
    %dma_start3A_42 = arith.constant 0 : i32
    %dma_start3A_43 = arith.constant 0 : i32
    %dma_start3A_44 = tpu.memref_slice %arg8[%dma_start3A_40, %dma_start3A_42, %dma_start3A_43] : memref<6x128x32xf32, #tpu.memory_space<vmem>> -> memref<1x128x32xf32, #tpu.memory_space<vmem>>
    %dma_start3A_45 = tpu.memref_squeeze %dma_start3A_44 : memref<1x128x32xf32, #tpu.memory_space<vmem>> -> memref<128x32xf32, #tpu.memory_space<vmem>>
    %dma_start3A_46 = arith.constant 0 : i32
    %dma_start3A_47 = tpu.memref_slice %arg6[%dma_start3A_39, %dma_start3A_46] : memref<79x128xi32, #tpu.memory_space<vmem>> -> memref<1x128xi32, #tpu.memory_space<vmem>>
    %dma_start3A_48 = tpu.memref_squeeze %dma_start3A_47 : memref<1x128xi32, #tpu.memory_space<vmem>> -> memref<128xi32, #tpu.memory_space<vmem>>
    %dma_start3A_49 = arith.constant 0 : i32
    %dma_start3A_50 = arith.constant 0 : i32
    %dma_start3A_51 = tpu.memref_slice %arg9[%dma_start3A_49, %dma_start3A_50] : memref<10240x32xf32, #tpu.memory_space<vmem_shared>> -> memref<10240x32xf32, #tpu.memory_space<vmem_shared>>
    %dma_start3A_52 = tpu.memref_slice %arg11[%dma_start3A_41] : memref<6x!tpu.dma_semaphore, #tpu.memory_space<semaphore_mem>> -> memref<1x!tpu.dma_semaphore, #tpu.memory_space<semaphore_mem>>
    %dma_start3A_53 = tpu.memref_squeeze %dma_start3A_52 : memref<1x!tpu.dma_semaphore, #tpu.memory_space<semaphore_mem>> -> memref<!tpu.dma_semaphore, #tpu.memory_space<semaphore_mem>>
    tpu.enqueue_indirect_dma source(%dma_start3A_51 : memref<10240x32xf32, #tpu.memory_space<vmem_shared>>) target(%dma_start3A_45 : memref<128x32xf32, #tpu.memory_space<vmem>>) offsets(%dma_start3A_48 : memref<128xi32, #tpu.memory_space<vmem>>) semaphore(%dma_start3A_53 : memref<!tpu.dma_semaphore, #tpu.memory_space<semaphore_mem>>)
    %dma_start3A_54 = arith.constant 3 : i32
    %dma_start3A_55 = arith.constant 3 : i32
    %dma_start3A_56 = arith.constant 3 : i32
    %dma_start3A_57 = arith.constant 0 : i32
    %dma_start3A_58 = arith.constant 0 : i32
    %dma_start3A_59 = tpu.memref_slice %arg8[%dma_start3A_55, %dma_start3A_57, %dma_start3A_58] : memref<6x128x32xf32, #tpu.memory_space<vmem>> -> memref<1x128x32xf32, #tpu.memory_space<vmem>>
    %dma_start3A_60 = tpu.memref_squeeze %dma_start3A_59 : memref<1x128x32xf32, #tpu.memory_space<vmem>> -> memref<128x32xf32, #tpu.memory_space<vmem>>
    %dma_start3A_61 = arith.constant 0 : i32
    %dma_start3A_62 = tpu.memref_slice %arg6[%dma_start3A_54, %dma_start3A_61] : memref<79x128xi32, #tpu.memory_space<vmem>> -> memref<1x128xi32, #tpu.memory_space<vmem>>
    %dma_start3A_63 = tpu.memref_squeeze %dma_start3A_62 : memref<1x128xi32, #tpu.memory_space<vmem>> -> memref<128xi32, #tpu.memory_space<vmem>>
    %dma_start3A_64 = arith.constant 0 : i32
    %dma_start3A_65 = arith.constant 0 : i32
    %dma_start3A_66 = tpu.memref_slice %arg9[%dma_start3A_64, %dma_start3A_65] : memref<10240x32xf32, #tpu.memory_space<vmem_shared>> -> memref<10240x32xf32, #tpu.memory_space<vmem_shared>>
    %dma_start3A_67 = tpu.memref_slice %arg11[%dma_start3A_56] : memref<6x!tpu.dma_semaphore, #tpu.memory_space<semaphore_mem>> -> memref<1x!tpu.dma_semaphore, #tpu.memory_space<semaphore_mem>>
    %dma_start3A_68 = tpu.memref_squeeze %dma_start3A_67 : memref<1x!tpu.dma_semaphore, #tpu.memory_space<semaphore_mem>> -> memref<!tpu.dma_semaphore, #tpu.memory_space<semaphore_mem>>
    tpu.enqueue_indirect_dma source(%dma_start3A_66 : memref<10240x32xf32, #tpu.memory_space<vmem_shared>>) target(%dma_start3A_60 : memref<128x32xf32, #tpu.memory_space<vmem>>) offsets(%dma_start3A_63 : memref<128xi32, #tpu.memory_space<vmem>>) semaphore(%dma_start3A_68 : memref<!tpu.dma_semaphore, #tpu.memory_space<semaphore_mem>>)
    %dma_start3A_69 = arith.constant 4 : i32
    %dma_start3A_70 = arith.constant 4 : i32
    %dma_start3A_71 = arith.constant 4 : i32
    %dma_start3A_72 = arith.constant 0 : i32
    %dma_start3A_73 = arith.constant 0 : i32
    %dma_start3A_74 = tpu.memref_slice %arg8[%dma_start3A_70, %dma_start3A_72, %dma_start3A_73] : memref<6x128x32xf32, #tpu.memory_space<vmem>> -> memref<1x128x32xf32, #tpu.memory_space<vmem>>
    %dma_start3A_75 = tpu.memref_squeeze %dma_start3A_74 : memref<1x128x32xf32, #tpu.memory_space<vmem>> -> memref<128x32xf32, #tpu.memory_space<vmem>>
    %dma_start3A_76 = arith.constant 0 : i32
    %dma_start3A_77 = tpu.memref_slice %arg6[%dma_start3A_69, %dma_start3A_76] : memref<79x128xi32, #tpu.memory_space<vmem>> -> memref<1x128xi32, #tpu.memory_space<vmem>>
    %dma_start3A_78 = tpu.memref_squeeze %dma_start3A_77 : memref<1x128xi32, #tpu.memory_space<vmem>> -> memref<128xi32, #tpu.memory_space<vmem>>
    %dma_start3A_79 = arith.constant 0 : i32
    %dma_start3A_80 = arith.constant 0 : i32
    %dma_start3A_81 = tpu.memref_slice %arg9[%dma_start3A_79, %dma_start3A_80] : memref<10240x32xf32, #tpu.memory_space<vmem_shared>> -> memref<10240x32xf32, #tpu.memory_space<vmem_shared>>
    %dma_start3A_82 = tpu.memref_slice %arg11[%dma_start3A_71] : memref<6x!tpu.dma_semaphore, #tpu.memory_space<semaphore_mem>> -> memref<1x!tpu.dma_semaphore, #tpu.memory_space<semaphore_mem>>
    %dma_start3A_83 = tpu.memref_squeeze %dma_start3A_82 : memref<1x!tpu.dma_semaphore, #tpu.memory_space<semaphore_mem>> -> memref<!tpu.dma_semaphore, #tpu.memory_space<semaphore_mem>>
    tpu.enqueue_indirect_dma source(%dma_start3A_81 : memref<10240x32xf32, #tpu.memory_space<vmem_shared>>) target(%dma_start3A_75 : memref<128x32xf32, #tpu.memory_space<vmem>>) offsets(%dma_start3A_78 : memref<128xi32, #tpu.memory_space<vmem>>) semaphore(%dma_start3A_83 : memref<!tpu.dma_semaphore, #tpu.memory_space<semaphore_mem>>)
    %dma_start3A_84 = arith.constant 5 : i32
    %dma_start3A_85 = arith.constant 5 : i32
    %dma_start3A_86 = arith.constant 5 : i32
    %dma_start3A_87 = arith.constant 0 : i32
    %dma_start3A_88 = arith.constant 0 : i32
    %dma_start3A_89 = tpu.memref_slice %arg8[%dma_start3A_85, %dma_start3A_87, %dma_start3A_88] : memref<6x128x32xf32, #tpu.memory_space<vmem>> -> memref<1x128x32xf32, #tpu.memory_space<vmem>>
    %dma_start3A_90 = tpu.memref_squeeze %dma_start3A_89 : memref<1x128x32xf32, #tpu.memory_space<vmem>> -> memref<128x32xf32, #tpu.memory_space<vmem>>
    %dma_start3A_91 = arith.constant 0 : i32
    %dma_start3A_92 = tpu.memref_slice %arg6[%dma_start3A_84, %dma_start3A_91] : memref<79x128xi32, #tpu.memory_space<vmem>> -> memref<1x128xi32, #tpu.memory_space<vmem>>
    %dma_start3A_93 = tpu.memref_squeeze %dma_start3A_92 : memref<1x128xi32, #tpu.memory_space<vmem>> -> memref<128xi32, #tpu.memory_space<vmem>>
    %dma_start3A_94 = arith.constant 0 : i32
    %dma_start3A_95 = arith.constant 0 : i32
    %dma_start3A_96 = tpu.memref_slice %arg9[%dma_start3A_94, %dma_start3A_95] : memref<10240x32xf32, #tpu.memory_space<vmem_shared>> -> memref<10240x32xf32, #tpu.memory_space<vmem_shared>>
    %dma_start3A_97 = tpu.memref_slice %arg11[%dma_start3A_86] : memref<6x!tpu.dma_semaphore, #tpu.memory_space<semaphore_mem>> -> memref<1x!tpu.dma_semaphore, #tpu.memory_space<semaphore_mem>>
    %dma_start3A_98 = tpu.memref_squeeze %dma_start3A_97 : memref<1x!tpu.dma_semaphore, #tpu.memory_space<semaphore_mem>> -> memref<!tpu.dma_semaphore, #tpu.memory_space<semaphore_mem>>
    tpu.enqueue_indirect_dma source(%dma_start3A_96 : memref<10240x32xf32, #tpu.memory_space<vmem_shared>>) target(%dma_start3A_90 : memref<128x32xf32, #tpu.memory_space<vmem>>) offsets(%dma_start3A_93 : memref<128xi32, #tpu.memory_space<vmem>>) semaphore(%dma_start3A_98 : memref<!tpu.dma_semaphore, #tpu.memory_space<semaphore_mem>>)
    %scan3A = arith.constant 0 : i32
    %scan3A_99 = arith.constant 13 : i32
    %scan3A_100 = arith.addi %scan3A, %scan3A_99 : i32
    %scan3A_101 = arith.constant 1 : i32
    scf.for %scan3A_109 = %scan3A to %scan3A_100 step %scan3A_101  : i32 {
      %mul3A_110 = arith.constant 1 : i32
      %mul3A_111 = arith.muli %scan3A_109, %mul3A_110 : i32
      %add3A_112 = arith.constant 0 : i32
      %add3A_113 = arith.addi %add3A_112, %mul3A_111 : i32
      %mul3A_114 = arith.constant 6 : i32
      %mul3A_115 = arith.muli %add3A_113, %mul3A_114 : i32
      %add3A_116 = arith.constant 0 : i32
      %add3A_117 = arith.addi %mul3A_115, %add3A_116 : i32
      %dma_wait3A = arith.constant 0 : i32
      %dma_wait3A_118 = arith.constant 0 : i32
      %dma_wait3A_119 = arith.constant 0 : i32
      %dma_wait3A_120 = arith.constant 0 : i32
      %dma_wait3A_121 = tpu.memref_slice %arg8[%dma_wait3A, %dma_wait3A_119, %dma_wait3A_120] : memref<6x128x32xf32, #tpu.memory_space<vmem>> -> memref<1x128x32xf32, #tpu.memory_space<vmem>>
      %dma_wait3A_122 = tpu.memref_squeeze %dma_wait3A_121 : memref<1x128x32xf32, #tpu.memory_space<vmem>> -> memref<128x32xf32, #tpu.memory_space<vmem>>
      %dma_wait3A_123 = arith.constant 0 : i32
      %dma_wait3A_124 = tpu.memref_slice %arg6[%add3A_117, %dma_wait3A_123] : memref<79x128xi32, #tpu.memory_space<vmem>> -> memref<1x128xi32, #tpu.memory_space<vmem>>
      %dma_wait3A_125 = tpu.memref_squeeze %dma_wait3A_124 : memref<1x128xi32, #tpu.memory_space<vmem>> -> memref<128xi32, #tpu.memory_space<vmem>>
      %dma_wait3A_126 = arith.constant 0 : i32
      %dma_wait3A_127 = arith.constant 0 : i32
      %dma_wait3A_128 = tpu.memref_slice %arg9[%dma_wait3A_126, %dma_wait3A_127] : memref<10240x32xf32, #tpu.memory_space<vmem_shared>> -> memref<10240x32xf32, #tpu.memory_space<vmem_shared>>
      %dma_wait3A_129 = tpu.memref_slice %arg11[%dma_wait3A_118] : memref<6x!tpu.dma_semaphore, #tpu.memory_space<semaphore_mem>> -> memref<1x!tpu.dma_semaphore, #tpu.memory_space<semaphore_mem>>
      %dma_wait3A_130 = tpu.memref_squeeze %dma_wait3A_129 : memref<1x!tpu.dma_semaphore, #tpu.memory_space<semaphore_mem>> -> memref<!tpu.dma_semaphore, #tpu.memory_space<semaphore_mem>>
      tpu.wait_indirect_dma semaphore(%dma_wait3A_130 : memref<!tpu.dma_semaphore, #tpu.memory_space<semaphore_mem>>) src(%dma_wait3A_128 : memref<10240x32xf32, #tpu.memory_space<vmem_shared>>) dst(%dma_wait3A_122 : memref<128x32xf32, #tpu.memory_space<vmem>>)
      %add3A_131 = arith.constant 0 : i32
      %add3A_132 = arith.addi %mul3A_115, %add3A_131 : i32
      %dma_start3A_133 = arith.constant 0 : i32
      %dma_start3A_134 = arith.constant 0 : i32
      %dma_start3A_135 = arith.constant 0 : i32
      %dma_start3A_136 = arith.constant 0 : i32
      %dma_start3A_137 = tpu.memref_slice %arg8[%dma_start3A_133, %dma_start3A_135, %dma_start3A_136] : memref<6x128x32xf32, #tpu.memory_space<vmem>> -> memref<1x128x32xf32, #tpu.memory_space<vmem>>
      %dma_start3A_138 = tpu.memref_squeeze %dma_start3A_137 : memref<1x128x32xf32, #tpu.memory_space<vmem>> -> memref<128x32xf32, #tpu.memory_space<vmem>>
      %dma_start3A_139 = arith.constant 0 : i32
      %dma_start3A_140 = tpu.memref_slice %arg7[%add3A_132, %dma_start3A_139] : memref<79x128xi32, #tpu.memory_space<vmem>> -> memref<1x128xi32, #tpu.memory_space<vmem>>
      %dma_start3A_141 = tpu.memref_squeeze %dma_start3A_140 : memref<1x128xi32, #tpu.memory_space<vmem>> -> memref<128xi32, #tpu.memory_space<vmem>>
      %dma_start3A_142 = arith.constant 0 : i32
      %dma_start3A_143 = arith.constant 0 : i32
      %dma_start3A_144 = tpu.memref_slice %arg10[%dma_start3A_142, %dma_start3A_143] : memref<10240x32xf32, #tpu.memory_space<vmem_shared>> -> memref<10240x32xf32, #tpu.memory_space<vmem_shared>>
      %dma_start3A_145 = tpu.memref_slice %arg12[%dma_start3A_134] : memref<6x!tpu.dma_semaphore, #tpu.memory_space<semaphore_mem>> -> memref<1x!tpu.dma_semaphore, #tpu.memory_space<semaphore_mem>>
      %dma_start3A_146 = tpu.memref_squeeze %dma_start3A_145 : memref<1x!tpu.dma_semaphore, #tpu.memory_space<semaphore_mem>> -> memref<!tpu.dma_semaphore, #tpu.memory_space<semaphore_mem>>
      tpu.enqueue_indirect_dma source(%dma_start3A_138 : memref<128x32xf32, #tpu.memory_space<vmem>>) target(%dma_start3A_144 : memref<10240x32xf32, #tpu.memory_space<vmem_shared>>) offsets(%dma_start3A_141 : memref<128xi32, #tpu.memory_space<vmem>>) semaphore(%dma_start3A_146 : memref<!tpu.dma_semaphore, #tpu.memory_space<semaphore_mem>>) {add = true}
      %add3A_147 = arith.constant 0 : i32
      %add3A_148 = arith.addi %mul3A_115, %add3A_147 : i32
      %dma_wait3A_149 = arith.constant 0 : i32
      %dma_wait3A_150 = arith.constant 0 : i32
      %dma_wait3A_151 = arith.constant 0 : i32
      %dma_wait3A_152 = arith.constant 0 : i32
      %dma_wait3A_153 = tpu.memref_slice %arg8[%dma_wait3A_149, %dma_wait3A_151, %dma_wait3A_152] : memref<6x128x32xf32, #tpu.memory_space<vmem>> -> memref<1x128x32xf32, #tpu.memory_space<vmem>>
      %dma_wait3A_154 = tpu.memref_squeeze %dma_wait3A_153 : memref<1x128x32xf32, #tpu.memory_space<vmem>> -> memref<128x32xf32, #tpu.memory_space<vmem>>
      %dma_wait3A_155 = arith.constant 0 : i32
      %dma_wait3A_156 = tpu.memref_slice %arg7[%add3A_148, %dma_wait3A_155] : memref<79x128xi32, #tpu.memory_space<vmem>> -> memref<1x128xi32, #tpu.memory_space<vmem>>
      %dma_wait3A_157 = tpu.memref_squeeze %dma_wait3A_156 : memref<1x128xi32, #tpu.memory_space<vmem>> -> memref<128xi32, #tpu.memory_space<vmem>>
      %dma_wait3A_158 = arith.constant 0 : i32
      %dma_wait3A_159 = arith.constant 0 : i32
      %dma_wait3A_160 = tpu.memref_slice %arg10[%dma_wait3A_158, %dma_wait3A_159] : memref<10240x32xf32, #tpu.memory_space<vmem_shared>> -> memref<10240x32xf32, #tpu.memory_space<vmem_shared>>
      %dma_wait3A_161 = tpu.memref_slice %arg12[%dma_wait3A_150] : memref<6x!tpu.dma_semaphore, #tpu.memory_space<semaphore_mem>> -> memref<1x!tpu.dma_semaphore, #tpu.memory_space<semaphore_mem>>
      %dma_wait3A_162 = tpu.memref_squeeze %dma_wait3A_161 : memref<1x!tpu.dma_semaphore, #tpu.memory_space<semaphore_mem>> -> memref<!tpu.dma_semaphore, #tpu.memory_space<semaphore_mem>>
      tpu.wait_indirect_dma semaphore(%dma_wait3A_162 : memref<!tpu.dma_semaphore, #tpu.memory_space<semaphore_mem>>) src(%dma_wait3A_154 : memref<128x32xf32, #tpu.memory_space<vmem>>) dst(%dma_wait3A_160 : memref<10240x32xf32, #tpu.memory_space<vmem_shared>>)
      %lt3A_163 = arith.constant 12 : i32
      %lt3A_164 = arith.cmpi slt, %add3A_113, %lt3A_163 : i32
      %convert_element_type3A_165 = arith.extui %lt3A_164 : i1 to i32
      %cond3A_166 = arith.constant 0 : i32
      %cond3A_167 = arith.cmpi ne, %convert_element_type3A_165, %cond3A_166 : i32
      scf.if %cond3A_167 {
        %add3A_433 = arith.constant 6 : i32
        %add3A_434 = arith.addi %mul3A_115, %add3A_433 : i32
        %add3A_435 = arith.constant 0 : i32
        %add3A_436 = arith.addi %add3A_434, %add3A_435 : i32
        %dma_start3A_437 = arith.constant 0 : i32
        %dma_start3A_438 = arith.constant 0 : i32
        %dma_start3A_439 = arith.constant 0 : i32
        %dma_start3A_440 = arith.constant 0 : i32
        %dma_start3A_441 = tpu.memref_slice %arg8[%dma_start3A_437, %dma_start3A_439, %dma_start3A_440] : memref<6x128x32xf32, #tpu.memory_space<vmem>> -> memref<1x128x32xf32, #tpu.memory_space<vmem>>
        %dma_start3A_442 = tpu.memref_squeeze %dma_start3A_441 : memref<1x128x32xf32, #tpu.memory_space<vmem>> -> memref<128x32xf32, #tpu.memory_space<vmem>>
        %dma_start3A_443 = arith.constant 0 : i32
        %dma_start3A_444 = tpu.memref_slice %arg6[%add3A_436, %dma_start3A_443] : memref<79x128xi32, #tpu.memory_space<vmem>> -> memref<1x128xi32, #tpu.memory_space<vmem>>
        %dma_start3A_445 = tpu.memref_squeeze %dma_start3A_444 : memref<1x128xi32, #tpu.memory_space<vmem>> -> memref<128xi32, #tpu.memory_space<vmem>>
        %dma_start3A_446 = arith.constant 0 : i32
        %dma_start3A_447 = arith.constant 0 : i32
        %dma_start3A_448 = tpu.memref_slice %arg9[%dma_start3A_446, %dma_start3A_447] : memref<10240x32xf32, #tpu.memory_space<vmem_shared>> -> memref<10240x32xf32, #tpu.memory_space<vmem_shared>>
        %dma_start3A_449 = tpu.memref_slice %arg11[%dma_start3A_438] : memref<6x!tpu.dma_semaphore, #tpu.memory_space<semaphore_mem>> -> memref<1x!tpu.dma_semaphore, #tpu.memory_space<semaphore_mem>>
        %dma_start3A_450 = tpu.memref_squeeze %dma_start3A_449 : memref<1x!tpu.dma_semaphore, #tpu.memory_space<semaphore_mem>> -> memref<!tpu.dma_semaphore, #tpu.memory_space<semaphore_mem>>
        tpu.enqueue_indirect_dma source(%dma_start3A_448 : memref<10240x32xf32, #tpu.memory_space<vmem_shared>>) target(%dma_start3A_442 : memref<128x32xf32, #tpu.memory_space<vmem>>) offsets(%dma_start3A_445 : memref<128xi32, #tpu.memory_space<vmem>>) semaphore(%dma_start3A_450 : memref<!tpu.dma_semaphore, #tpu.memory_space<semaphore_mem>>)
      } else {
      }
      %add3A_168 = arith.constant 1 : i32
      %add3A_169 = arith.addi %mul3A_115, %add3A_168 : i32
      %dma_wait3A_170 = arith.constant 1 : i32
      %dma_wait3A_171 = arith.constant 1 : i32
      %dma_wait3A_172 = arith.constant 0 : i32
      %dma_wait3A_173 = arith.constant 0 : i32
      %dma_wait3A_174 = tpu.memref_slice %arg8[%dma_wait3A_170, %dma_wait3A_172, %dma_wait3A_173] : memref<6x128x32xf32, #tpu.memory_space<vmem>> -> memref<1x128x32xf32, #tpu.memory_space<vmem>>
      %dma_wait3A_175 = tpu.memref_squeeze %dma_wait3A_174 : memref<1x128x32xf32, #tpu.memory_space<vmem>> -> memref<128x32xf32, #tpu.memory_space<vmem>>
      %dma_wait3A_176 = arith.constant 0 : i32
      %dma_wait3A_177 = tpu.memref_slice %arg6[%add3A_169, %dma_wait3A_176] : memref<79x128xi32, #tpu.memory_space<vmem>> -> memref<1x128xi32, #tpu.memory_space<vmem>>
      %dma_wait3A_178 = tpu.memref_squeeze %dma_wait3A_177 : memref<1x128xi32, #tpu.memory_space<vmem>> -> memref<128xi32, #tpu.memory_space<vmem>>
      %dma_wait3A_179 = arith.constant 0 : i32
      %dma_wait3A_180 = arith.constant 0 : i32
      %dma_wait3A_181 = tpu.memref_slice %arg9[%dma_wait3A_179, %dma_wait3A_180] : memref<10240x32xf32, #tpu.memory_space<vmem_shared>> -> memref<10240x32xf32, #tpu.memory_space<vmem_shared>>
      %dma_wait3A_182 = tpu.memref_slice %arg11[%dma_wait3A_171] : memref<6x!tpu.dma_semaphore, #tpu.memory_space<semaphore_mem>> -> memref<1x!tpu.dma_semaphore, #tpu.memory_space<semaphore_mem>>
      %dma_wait3A_183 = tpu.memref_squeeze %dma_wait3A_182 : memref<1x!tpu.dma_semaphore, #tpu.memory_space<semaphore_mem>> -> memref<!tpu.dma_semaphore, #tpu.memory_space<semaphore_mem>>
      tpu.wait_indirect_dma semaphore(%dma_wait3A_183 : memref<!tpu.dma_semaphore, #tpu.memory_space<semaphore_mem>>) src(%dma_wait3A_181 : memref<10240x32xf32, #tpu.memory_space<vmem_shared>>) dst(%dma_wait3A_175 : memref<128x32xf32, #tpu.memory_space<vmem>>)
      %add3A_184 = arith.constant 1 : i32
      %add3A_185 = arith.addi %mul3A_115, %add3A_184 : i32
      %dma_start3A_186 = arith.constant 1 : i32
      %dma_start3A_187 = arith.constant 1 : i32
      %dma_start3A_188 = arith.constant 0 : i32
      %dma_start3A_189 = arith.constant 0 : i32
      %dma_start3A_190 = tpu.memref_slice %arg8[%dma_start3A_186, %dma_start3A_188, %dma_start3A_189] : memref<6x128x32xf32, #tpu.memory_space<vmem>> -> memref<1x128x32xf32, #tpu.memory_space<vmem>>
      %dma_start3A_191 = tpu.memref_squeeze %dma_start3A_190 : memref<1x128x32xf32, #tpu.memory_space<vmem>> -> memref<128x32xf32, #tpu.memory_space<vmem>>
      %dma_start3A_192 = arith.constant 0 : i32
      %dma_start3A_193 = tpu.memref_slice %arg7[%add3A_185, %dma_start3A_192] : memref<79x128xi32, #tpu.memory_space<vmem>> -> memref<1x128xi32, #tpu.memory_space<vmem>>
      %dma_start3A_194 = tpu.memref_squeeze %dma_start3A_193 : memref<1x128xi32, #tpu.memory_space<vmem>> -> memref<128xi32, #tpu.memory_space<vmem>>
      %dma_start3A_195 = arith.constant 0 : i32
      %dma_start3A_196 = arith.constant 0 : i32
      %dma_start3A_197 = tpu.memref_slice %arg10[%dma_start3A_195, %dma_start3A_196] : memref<10240x32xf32, #tpu.memory_space<vmem_shared>> -> memref<10240x32xf32, #tpu.memory_space<vmem_shared>>
      %dma_start3A_198 = tpu.memref_slice %arg12[%dma_start3A_187] : memref<6x!tpu.dma_semaphore, #tpu.memory_space<semaphore_mem>> -> memref<1x!tpu.dma_semaphore, #tpu.memory_space<semaphore_mem>>
      %dma_start3A_199 = tpu.memref_squeeze %dma_start3A_198 : memref<1x!tpu.dma_semaphore, #tpu.memory_space<semaphore_mem>> -> memref<!tpu.dma_semaphore, #tpu.memory_space<semaphore_mem>>
      tpu.enqueue_indirect_dma source(%dma_start3A_191 : memref<128x32xf32, #tpu.memory_space<vmem>>) target(%dma_start3A_197 : memref<10240x32xf32, #tpu.memory_space<vmem_shared>>) offsets(%dma_start3A_194 : memref<128xi32, #tpu.memory_space<vmem>>) semaphore(%dma_start3A_199 : memref<!tpu.dma_semaphore, #tpu.memory_space<semaphore_mem>>) {add = true}
      %add3A_200 = arith.constant 1 : i32
      %add3A_201 = arith.addi %mul3A_115, %add3A_200 : i32
      %dma_wait3A_202 = arith.constant 1 : i32
      %dma_wait3A_203 = arith.constant 1 : i32
      %dma_wait3A_204 = arith.constant 0 : i32
      %dma_wait3A_205 = arith.constant 0 : i32
      %dma_wait3A_206 = tpu.memref_slice %arg8[%dma_wait3A_202, %dma_wait3A_204, %dma_wait3A_205] : memref<6x128x32xf32, #tpu.memory_space<vmem>> -> memref<1x128x32xf32, #tpu.memory_space<vmem>>
      %dma_wait3A_207 = tpu.memref_squeeze %dma_wait3A_206 : memref<1x128x32xf32, #tpu.memory_space<vmem>> -> memref<128x32xf32, #tpu.memory_space<vmem>>
      %dma_wait3A_208 = arith.constant 0 : i32
      %dma_wait3A_209 = tpu.memref_slice %arg7[%add3A_201, %dma_wait3A_208] : memref<79x128xi32, #tpu.memory_space<vmem>> -> memref<1x128xi32, #tpu.memory_space<vmem>>
      %dma_wait3A_210 = tpu.memref_squeeze %dma_wait3A_209 : memref<1x128xi32, #tpu.memory_space<vmem>> -> memref<128xi32, #tpu.memory_space<vmem>>
      %dma_wait3A_211 = arith.constant 0 : i32
      %dma_wait3A_212 = arith.constant 0 : i32
      %dma_wait3A_213 = tpu.memref_slice %arg10[%dma_wait3A_211, %dma_wait3A_212] : memref<10240x32xf32, #tpu.memory_space<vmem_shared>> -> memref<10240x32xf32, #tpu.memory_space<vmem_shared>>
      %dma_wait3A_214 = tpu.memref_slice %arg12[%dma_wait3A_203] : memref<6x!tpu.dma_semaphore, #tpu.memory_space<semaphore_mem>> -> memref<1x!tpu.dma_semaphore, #tpu.memory_space<semaphore_mem>>
      %dma_wait3A_215 = tpu.memref_squeeze %dma_wait3A_214 : memref<1x!tpu.dma_semaphore, #tpu.memory_space<semaphore_mem>> -> memref<!tpu.dma_semaphore, #tpu.memory_space<semaphore_mem>>
      tpu.wait_indirect_dma semaphore(%dma_wait3A_215 : memref<!tpu.dma_semaphore, #tpu.memory_space<semaphore_mem>>) src(%dma_wait3A_207 : memref<128x32xf32, #tpu.memory_space<vmem>>) dst(%dma_wait3A_213 : memref<10240x32xf32, #tpu.memory_space<vmem_shared>>)
      %lt3A_216 = arith.constant 12 : i32
      %lt3A_217 = arith.cmpi slt, %add3A_113, %lt3A_216 : i32
      %convert_element_type3A_218 = arith.extui %lt3A_217 : i1 to i32
      %cond3A_219 = arith.constant 0 : i32
      %cond3A_220 = arith.cmpi ne, %convert_element_type3A_218, %cond3A_219 : i32
      scf.if %cond3A_220 {
        %add3A_433 = arith.constant 6 : i32
        %add3A_434 = arith.addi %mul3A_115, %add3A_433 : i32
        %add3A_435 = arith.constant 1 : i32
        %add3A_436 = arith.addi %add3A_434, %add3A_435 : i32
        %dma_start3A_437 = arith.constant 1 : i32
        %dma_start3A_438 = arith.constant 1 : i32
        %dma_start3A_439 = arith.constant 0 : i32
        %dma_start3A_440 = arith.constant 0 : i32
        %dma_start3A_441 = tpu.memref_slice %arg8[%dma_start3A_437, %dma_start3A_439, %dma_start3A_440] : memref<6x128x32xf32, #tpu.memory_space<vmem>> -> memref<1x128x32xf32, #tpu.memory_space<vmem>>
        %dma_start3A_442 = tpu.memref_squeeze %dma_start3A_441 : memref<1x128x32xf32, #tpu.memory_space<vmem>> -> memref<128x32xf32, #tpu.memory_space<vmem>>
        %dma_start3A_443 = arith.constant 0 : i32
        %dma_start3A_444 = tpu.memref_slice %arg6[%add3A_436, %dma_start3A_443] : memref<79x128xi32, #tpu.memory_space<vmem>> -> memref<1x128xi32, #tpu.memory_space<vmem>>
        %dma_start3A_445 = tpu.memref_squeeze %dma_start3A_444 : memref<1x128xi32, #tpu.memory_space<vmem>> -> memref<128xi32, #tpu.memory_space<vmem>>
        %dma_start3A_446 = arith.constant 0 : i32
        %dma_start3A_447 = arith.constant 0 : i32
        %dma_start3A_448 = tpu.memref_slice %arg9[%dma_start3A_446, %dma_start3A_447] : memref<10240x32xf32, #tpu.memory_space<vmem_shared>> -> memref<10240x32xf32, #tpu.memory_space<vmem_shared>>
        %dma_start3A_449 = tpu.memref_slice %arg11[%dma_start3A_438] : memref<6x!tpu.dma_semaphore, #tpu.memory_space<semaphore_mem>> -> memref<1x!tpu.dma_semaphore, #tpu.memory_space<semaphore_mem>>
        %dma_start3A_450 = tpu.memref_squeeze %dma_start3A_449 : memref<1x!tpu.dma_semaphore, #tpu.memory_space<semaphore_mem>> -> memref<!tpu.dma_semaphore, #tpu.memory_space<semaphore_mem>>
        tpu.enqueue_indirect_dma source(%dma_start3A_448 : memref<10240x32xf32, #tpu.memory_space<vmem_shared>>) target(%dma_start3A_442 : memref<128x32xf32, #tpu.memory_space<vmem>>) offsets(%dma_start3A_445 : memref<128xi32, #tpu.memory_space<vmem>>) semaphore(%dma_start3A_450 : memref<!tpu.dma_semaphore, #tpu.memory_space<semaphore_mem>>)
      } else {
      }
      %add3A_221 = arith.constant 2 : i32
      %add3A_222 = arith.addi %mul3A_115, %add3A_221 : i32
      %dma_wait3A_223 = arith.constant 2 : i32
      %dma_wait3A_224 = arith.constant 2 : i32
      %dma_wait3A_225 = arith.constant 0 : i32
      %dma_wait3A_226 = arith.constant 0 : i32
      %dma_wait3A_227 = tpu.memref_slice %arg8[%dma_wait3A_223, %dma_wait3A_225, %dma_wait3A_226] : memref<6x128x32xf32, #tpu.memory_space<vmem>> -> memref<1x128x32xf32, #tpu.memory_space<vmem>>
      %dma_wait3A_228 = tpu.memref_squeeze %dma_wait3A_227 : memref<1x128x32xf32, #tpu.memory_space<vmem>> -> memref<128x32xf32, #tpu.memory_space<vmem>>
      %dma_wait3A_229 = arith.constant 0 : i32
      %dma_wait3A_230 = tpu.memref_slice %arg6[%add3A_222, %dma_wait3A_229] : memref<79x128xi32, #tpu.memory_space<vmem>> -> memref<1x128xi32, #tpu.memory_space<vmem>>
      %dma_wait3A_231 = tpu.memref_squeeze %dma_wait3A_230 : memref<1x128xi32, #tpu.memory_space<vmem>> -> memref<128xi32, #tpu.memory_space<vmem>>
      %dma_wait3A_232 = arith.constant 0 : i32
      %dma_wait3A_233 = arith.constant 0 : i32
      %dma_wait3A_234 = tpu.memref_slice %arg9[%dma_wait3A_232, %dma_wait3A_233] : memref<10240x32xf32, #tpu.memory_space<vmem_shared>> -> memref<10240x32xf32, #tpu.memory_space<vmem_shared>>
      %dma_wait3A_235 = tpu.memref_slice %arg11[%dma_wait3A_224] : memref<6x!tpu.dma_semaphore, #tpu.memory_space<semaphore_mem>> -> memref<1x!tpu.dma_semaphore, #tpu.memory_space<semaphore_mem>>
      %dma_wait3A_236 = tpu.memref_squeeze %dma_wait3A_235 : memref<1x!tpu.dma_semaphore, #tpu.memory_space<semaphore_mem>> -> memref<!tpu.dma_semaphore, #tpu.memory_space<semaphore_mem>>
      tpu.wait_indirect_dma semaphore(%dma_wait3A_236 : memref<!tpu.dma_semaphore, #tpu.memory_space<semaphore_mem>>) src(%dma_wait3A_234 : memref<10240x32xf32, #tpu.memory_space<vmem_shared>>) dst(%dma_wait3A_228 : memref<128x32xf32, #tpu.memory_space<vmem>>)
      %add3A_237 = arith.constant 2 : i32
      %add3A_238 = arith.addi %mul3A_115, %add3A_237 : i32
      %dma_start3A_239 = arith.constant 2 : i32
      %dma_start3A_240 = arith.constant 2 : i32
      %dma_start3A_241 = arith.constant 0 : i32
      %dma_start3A_242 = arith.constant 0 : i32
      %dma_start3A_243 = tpu.memref_slice %arg8[%dma_start3A_239, %dma_start3A_241, %dma_start3A_242] : memref<6x128x32xf32, #tpu.memory_space<vmem>> -> memref<1x128x32xf32, #tpu.memory_space<vmem>>
      %dma_start3A_244 = tpu.memref_squeeze %dma_start3A_243 : memref<1x128x32xf32, #tpu.memory_space<vmem>> -> memref<128x32xf32, #tpu.memory_space<vmem>>
      %dma_start3A_245 = arith.constant 0 : i32
      %dma_start3A_246 = tpu.memref_slice %arg7[%add3A_238, %dma_start3A_245] : memref<79x128xi32, #tpu.memory_space<vmem>> -> memref<1x128xi32, #tpu.memory_space<vmem>>
      %dma_start3A_247 = tpu.memref_squeeze %dma_start3A_246 : memref<1x128xi32, #tpu.memory_space<vmem>> -> memref<128xi32, #tpu.memory_space<vmem>>
      %dma_start3A_248 = arith.constant 0 : i32
      %dma_start3A_249 = arith.constant 0 : i32
      %dma_start3A_250 = tpu.memref_slice %arg10[%dma_start3A_248, %dma_start3A_249] : memref<10240x32xf32, #tpu.memory_space<vmem_shared>> -> memref<10240x32xf32, #tpu.memory_space<vmem_shared>>
      %dma_start3A_251 = tpu.memref_slice %arg12[%dma_start3A_240] : memref<6x!tpu.dma_semaphore, #tpu.memory_space<semaphore_mem>> -> memref<1x!tpu.dma_semaphore, #tpu.memory_space<semaphore_mem>>
      %dma_start3A_252 = tpu.memref_squeeze %dma_start3A_251 : memref<1x!tpu.dma_semaphore, #tpu.memory_space<semaphore_mem>> -> memref<!tpu.dma_semaphore, #tpu.memory_space<semaphore_mem>>
      tpu.enqueue_indirect_dma source(%dma_start3A_244 : memref<128x32xf32, #tpu.memory_space<vmem>>) target(%dma_start3A_250 : memref<10240x32xf32, #tpu.memory_space<vmem_shared>>) offsets(%dma_start3A_247 : memref<128xi32, #tpu.memory_space<vmem>>) semaphore(%dma_start3A_252 : memref<!tpu.dma_semaphore, #tpu.memory_space<semaphore_mem>>) {add = true}
      %add3A_253 = arith.constant 2 : i32
      %add3A_254 = arith.addi %mul3A_115, %add3A_253 : i32
      %dma_wait3A_255 = arith.constant 2 : i32
      %dma_wait3A_256 = arith.constant 2 : i32
      %dma_wait3A_257 = arith.constant 0 : i32
      %dma_wait3A_258 = arith.constant 0 : i32
      %dma_wait3A_259 = tpu.memref_slice %arg8[%dma_wait3A_255, %dma_wait3A_257, %dma_wait3A_258] : memref<6x128x32xf32, #tpu.memory_space<vmem>> -> memref<1x128x32xf32, #tpu.memory_space<vmem>>
      %dma_wait3A_260 = tpu.memref_squeeze %dma_wait3A_259 : memref<1x128x32xf32, #tpu.memory_space<vmem>> -> memref<128x32xf32, #tpu.memory_space<vmem>>
      %dma_wait3A_261 = arith.constant 0 : i32
      %dma_wait3A_262 = tpu.memref_slice %arg7[%add3A_254, %dma_wait3A_261] : memref<79x128xi32, #tpu.memory_space<vmem>> -> memref<1x128xi32, #tpu.memory_space<vmem>>
      %dma_wait3A_263 = tpu.memref_squeeze %dma_wait3A_262 : memref<1x128xi32, #tpu.memory_space<vmem>> -> memref<128xi32, #tpu.memory_space<vmem>>
      %dma_wait3A_264 = arith.constant 0 : i32
      %dma_wait3A_265 = arith.constant 0 : i32
      %dma_wait3A_266 = tpu.memref_slice %arg10[%dma_wait3A_264, %dma_wait3A_265] : memref<10240x32xf32, #tpu.memory_space<vmem_shared>> -> memref<10240x32xf32, #tpu.memory_space<vmem_shared>>
      %dma_wait3A_267 = tpu.memref_slice %arg12[%dma_wait3A_256] : memref<6x!tpu.dma_semaphore, #tpu.memory_space<semaphore_mem>> -> memref<1x!tpu.dma_semaphore, #tpu.memory_space<semaphore_mem>>
      %dma_wait3A_268 = tpu.memref_squeeze %dma_wait3A_267 : memref<1x!tpu.dma_semaphore, #tpu.memory_space<semaphore_mem>> -> memref<!tpu.dma_semaphore, #tpu.memory_space<semaphore_mem>>
      tpu.wait_indirect_dma semaphore(%dma_wait3A_268 : memref<!tpu.dma_semaphore, #tpu.memory_space<semaphore_mem>>) src(%dma_wait3A_260 : memref<128x32xf32, #tpu.memory_space<vmem>>) dst(%dma_wait3A_266 : memref<10240x32xf32, #tpu.memory_space<vmem_shared>>)
      %lt3A_269 = arith.constant 12 : i32
      %lt3A_270 = arith.cmpi slt, %add3A_113, %lt3A_269 : i32
      %convert_element_type3A_271 = arith.extui %lt3A_270 : i1 to i32
      %cond3A_272 = arith.constant 0 : i32
      %cond3A_273 = arith.cmpi ne, %convert_element_type3A_271, %cond3A_272 : i32
      scf.if %cond3A_273 {
        %add3A_433 = arith.constant 6 : i32
        %add3A_434 = arith.addi %mul3A_115, %add3A_433 : i32
        %add3A_435 = arith.constant 2 : i32
        %add3A_436 = arith.addi %add3A_434, %add3A_435 : i32
        %dma_start3A_437 = arith.constant 2 : i32
        %dma_start3A_438 = arith.constant 2 : i32
        %dma_start3A_439 = arith.constant 0 : i32
        %dma_start3A_440 = arith.constant 0 : i32
        %dma_start3A_441 = tpu.memref_slice %arg8[%dma_start3A_437, %dma_start3A_439, %dma_start3A_440] : memref<6x128x32xf32, #tpu.memory_space<vmem>> -> memref<1x128x32xf32, #tpu.memory_space<vmem>>
        %dma_start3A_442 = tpu.memref_squeeze %dma_start3A_441 : memref<1x128x32xf32, #tpu.memory_space<vmem>> -> memref<128x32xf32, #tpu.memory_space<vmem>>
        %dma_start3A_443 = arith.constant 0 : i32
        %dma_start3A_444 = tpu.memref_slice %arg6[%add3A_436, %dma_start3A_443] : memref<79x128xi32, #tpu.memory_space<vmem>> -> memref<1x128xi32, #tpu.memory_space<vmem>>
        %dma_start3A_445 = tpu.memref_squeeze %dma_start3A_444 : memref<1x128xi32, #tpu.memory_space<vmem>> -> memref<128xi32, #tpu.memory_space<vmem>>
        %dma_start3A_446 = arith.constant 0 : i32
        %dma_start3A_447 = arith.constant 0 : i32
        %dma_start3A_448 = tpu.memref_slice %arg9[%dma_start3A_446, %dma_start3A_447] : memref<10240x32xf32, #tpu.memory_space<vmem_shared>> -> memref<10240x32xf32, #tpu.memory_space<vmem_shared>>
        %dma_start3A_449 = tpu.memref_slice %arg11[%dma_start3A_438] : memref<6x!tpu.dma_semaphore, #tpu.memory_space<semaphore_mem>> -> memref<1x!tpu.dma_semaphore, #tpu.memory_space<semaphore_mem>>
        %dma_start3A_450 = tpu.memref_squeeze %dma_start3A_449 : memref<1x!tpu.dma_semaphore, #tpu.memory_space<semaphore_mem>> -> memref<!tpu.dma_semaphore, #tpu.memory_space<semaphore_mem>>
        tpu.enqueue_indirect_dma source(%dma_start3A_448 : memref<10240x32xf32, #tpu.memory_space<vmem_shared>>) target(%dma_start3A_442 : memref<128x32xf32, #tpu.memory_space<vmem>>) offsets(%dma_start3A_445 : memref<128xi32, #tpu.memory_space<vmem>>) semaphore(%dma_start3A_450 : memref<!tpu.dma_semaphore, #tpu.memory_space<semaphore_mem>>)
      } else {
      }
      %add3A_274 = arith.constant 3 : i32
      %add3A_275 = arith.addi %mul3A_115, %add3A_274 : i32
      %dma_wait3A_276 = arith.constant 3 : i32
      %dma_wait3A_277 = arith.constant 3 : i32
      %dma_wait3A_278 = arith.constant 0 : i32
      %dma_wait3A_279 = arith.constant 0 : i32
      %dma_wait3A_280 = tpu.memref_slice %arg8[%dma_wait3A_276, %dma_wait3A_278, %dma_wait3A_279] : memref<6x128x32xf32, #tpu.memory_space<vmem>> -> memref<1x128x32xf32, #tpu.memory_space<vmem>>
      %dma_wait3A_281 = tpu.memref_squeeze %dma_wait3A_280 : memref<1x128x32xf32, #tpu.memory_space<vmem>> -> memref<128x32xf32, #tpu.memory_space<vmem>>
      %dma_wait3A_282 = arith.constant 0 : i32
      %dma_wait3A_283 = tpu.memref_slice %arg6[%add3A_275, %dma_wait3A_282] : memref<79x128xi32, #tpu.memory_space<vmem>> -> memref<1x128xi32, #tpu.memory_space<vmem>>
      %dma_wait3A_284 = tpu.memref_squeeze %dma_wait3A_283 : memref<1x128xi32, #tpu.memory_space<vmem>> -> memref<128xi32, #tpu.memory_space<vmem>>
      %dma_wait3A_285 = arith.constant 0 : i32
      %dma_wait3A_286 = arith.constant 0 : i32
      %dma_wait3A_287 = tpu.memref_slice %arg9[%dma_wait3A_285, %dma_wait3A_286] : memref<10240x32xf32, #tpu.memory_space<vmem_shared>> -> memref<10240x32xf32, #tpu.memory_space<vmem_shared>>
      %dma_wait3A_288 = tpu.memref_slice %arg11[%dma_wait3A_277] : memref<6x!tpu.dma_semaphore, #tpu.memory_space<semaphore_mem>> -> memref<1x!tpu.dma_semaphore, #tpu.memory_space<semaphore_mem>>
      %dma_wait3A_289 = tpu.memref_squeeze %dma_wait3A_288 : memref<1x!tpu.dma_semaphore, #tpu.memory_space<semaphore_mem>> -> memref<!tpu.dma_semaphore, #tpu.memory_space<semaphore_mem>>
      tpu.wait_indirect_dma semaphore(%dma_wait3A_289 : memref<!tpu.dma_semaphore, #tpu.memory_space<semaphore_mem>>) src(%dma_wait3A_287 : memref<10240x32xf32, #tpu.memory_space<vmem_shared>>) dst(%dma_wait3A_281 : memref<128x32xf32, #tpu.memory_space<vmem>>)
      %add3A_290 = arith.constant 3 : i32
      %add3A_291 = arith.addi %mul3A_115, %add3A_290 : i32
      %dma_start3A_292 = arith.constant 3 : i32
      %dma_start3A_293 = arith.constant 3 : i32
      %dma_start3A_294 = arith.constant 0 : i32
      %dma_start3A_295 = arith.constant 0 : i32
      %dma_start3A_296 = tpu.memref_slice %arg8[%dma_start3A_292, %dma_start3A_294, %dma_start3A_295] : memref<6x128x32xf32, #tpu.memory_space<vmem>> -> memref<1x128x32xf32, #tpu.memory_space<vmem>>
      %dma_start3A_297 = tpu.memref_squeeze %dma_start3A_296 : memref<1x128x32xf32, #tpu.memory_space<vmem>> -> memref<128x32xf32, #tpu.memory_space<vmem>>
      %dma_start3A_298 = arith.constant 0 : i32
      %dma_start3A_299 = tpu.memref_slice %arg7[%add3A_291, %dma_start3A_298] : memref<79x128xi32, #tpu.memory_space<vmem>> -> memref<1x128xi32, #tpu.memory_space<vmem>>
      %dma_start3A_300 = tpu.memref_squeeze %dma_start3A_299 : memref<1x128xi32, #tpu.memory_space<vmem>> -> memref<128xi32, #tpu.memory_space<vmem>>
      %dma_start3A_301 = arith.constant 0 : i32
      %dma_start3A_302 = arith.constant 0 : i32
      %dma_start3A_303 = tpu.memref_slice %arg10[%dma_start3A_301, %dma_start3A_302] : memref<10240x32xf32, #tpu.memory_space<vmem_shared>> -> memref<10240x32xf32, #tpu.memory_space<vmem_shared>>
      %dma_start3A_304 = tpu.memref_slice %arg12[%dma_start3A_293] : memref<6x!tpu.dma_semaphore, #tpu.memory_space<semaphore_mem>> -> memref<1x!tpu.dma_semaphore, #tpu.memory_space<semaphore_mem>>
      %dma_start3A_305 = tpu.memref_squeeze %dma_start3A_304 : memref<1x!tpu.dma_semaphore, #tpu.memory_space<semaphore_mem>> -> memref<!tpu.dma_semaphore, #tpu.memory_space<semaphore_mem>>
      tpu.enqueue_indirect_dma source(%dma_start3A_297 : memref<128x32xf32, #tpu.memory_space<vmem>>) target(%dma_start3A_303 : memref<10240x32xf32, #tpu.memory_space<vmem_shared>>) offsets(%dma_start3A_300 : memref<128xi32, #tpu.memory_space<vmem>>) semaphore(%dma_start3A_305 : memref<!tpu.dma_semaphore, #tpu.memory_space<semaphore_mem>>) {add = true}
      %add3A_306 = arith.constant 3 : i32
      %add3A_307 = arith.addi %mul3A_115, %add3A_306 : i32
      %dma_wait3A_308 = arith.constant 3 : i32
      %dma_wait3A_309 = arith.constant 3 : i32
      %dma_wait3A_310 = arith.constant 0 : i32
      %dma_wait3A_311 = arith.constant 0 : i32
      %dma_wait3A_312 = tpu.memref_slice %arg8[%dma_wait3A_308, %dma_wait3A_310, %dma_wait3A_311] : memref<6x128x32xf32, #tpu.memory_space<vmem>> -> memref<1x128x32xf32, #tpu.memory_space<vmem>>
      %dma_wait3A_313 = tpu.memref_squeeze %dma_wait3A_312 : memref<1x128x32xf32, #tpu.memory_space<vmem>> -> memref<128x32xf32, #tpu.memory_space<vmem>>
      %dma_wait3A_314 = arith.constant 0 : i32
      %dma_wait3A_315 = tpu.memref_slice %arg7[%add3A_307, %dma_wait3A_314] : memref<79x128xi32, #tpu.memory_space<vmem>> -> memref<1x128xi32, #tpu.memory_space<vmem>>
      %dma_wait3A_316 = tpu.memref_squeeze %dma_wait3A_315 : memref<1x128xi32, #tpu.memory_space<vmem>> -> memref<128xi32, #tpu.memory_space<vmem>>
      %dma_wait3A_317 = arith.constant 0 : i32
      %dma_wait3A_318 = arith.constant 0 : i32
      %dma_wait3A_319 = tpu.memref_slice %arg10[%dma_wait3A_317, %dma_wait3A_318] : memref<10240x32xf32, #tpu.memory_space<vmem_shared>> -> memref<10240x32xf32, #tpu.memory_space<vmem_shared>>
      %dma_wait3A_320 = tpu.memref_slice %arg12[%dma_wait3A_309] : memref<6x!tpu.dma_semaphore, #tpu.memory_space<semaphore_mem>> -> memref<1x!tpu.dma_semaphore, #tpu.memory_space<semaphore_mem>>
      %dma_wait3A_321 = tpu.memref_squeeze %dma_wait3A_320 : memref<1x!tpu.dma_semaphore, #tpu.memory_space<semaphore_mem>> -> memref<!tpu.dma_semaphore, #tpu.memory_space<semaphore_mem>>
      tpu.wait_indirect_dma semaphore(%dma_wait3A_321 : memref<!tpu.dma_semaphore, #tpu.memory_space<semaphore_mem>>) src(%dma_wait3A_313 : memref<128x32xf32, #tpu.memory_space<vmem>>) dst(%dma_wait3A_319 : memref<10240x32xf32, #tpu.memory_space<vmem_shared>>)
      %lt3A_322 = arith.constant 12 : i32
      %lt3A_323 = arith.cmpi slt, %add3A_113, %lt3A_322 : i32
      %convert_element_type3A_324 = arith.extui %lt3A_323 : i1 to i32
      %cond3A_325 = arith.constant 0 : i32
      %cond3A_326 = arith.cmpi ne, %convert_element_type3A_324, %cond3A_325 : i32
      scf.if %cond3A_326 {
        %add3A_433 = arith.constant 6 : i32
        %add3A_434 = arith.addi %mul3A_115, %add3A_433 : i32
        %add3A_435 = arith.constant 3 : i32
        %add3A_436 = arith.addi %add3A_434, %add3A_435 : i32
        %dma_start3A_437 = arith.constant 3 : i32
        %dma_start3A_438 = arith.constant 3 : i32
        %dma_start3A_439 = arith.constant 0 : i32
        %dma_start3A_440 = arith.constant 0 : i32
        %dma_start3A_441 = tpu.memref_slice %arg8[%dma_start3A_437, %dma_start3A_439, %dma_start3A_440] : memref<6x128x32xf32, #tpu.memory_space<vmem>> -> memref<1x128x32xf32, #tpu.memory_space<vmem>>
        %dma_start3A_442 = tpu.memref_squeeze %dma_start3A_441 : memref<1x128x32xf32, #tpu.memory_space<vmem>> -> memref<128x32xf32, #tpu.memory_space<vmem>>
        %dma_start3A_443 = arith.constant 0 : i32
        %dma_start3A_444 = tpu.memref_slice %arg6[%add3A_436, %dma_start3A_443] : memref<79x128xi32, #tpu.memory_space<vmem>> -> memref<1x128xi32, #tpu.memory_space<vmem>>
        %dma_start3A_445 = tpu.memref_squeeze %dma_start3A_444 : memref<1x128xi32, #tpu.memory_space<vmem>> -> memref<128xi32, #tpu.memory_space<vmem>>
        %dma_start3A_446 = arith.constant 0 : i32
        %dma_start3A_447 = arith.constant 0 : i32
        %dma_start3A_448 = tpu.memref_slice %arg9[%dma_start3A_446, %dma_start3A_447] : memref<10240x32xf32, #tpu.memory_space<vmem_shared>> -> memref<10240x32xf32, #tpu.memory_space<vmem_shared>>
        %dma_start3A_449 = tpu.memref_slice %arg11[%dma_start3A_438] : memref<6x!tpu.dma_semaphore, #tpu.memory_space<semaphore_mem>> -> memref<1x!tpu.dma_semaphore, #tpu.memory_space<semaphore_mem>>
        %dma_start3A_450 = tpu.memref_squeeze %dma_start3A_449 : memref<1x!tpu.dma_semaphore, #tpu.memory_space<semaphore_mem>> -> memref<!tpu.dma_semaphore, #tpu.memory_space<semaphore_mem>>
        tpu.enqueue_indirect_dma source(%dma_start3A_448 : memref<10240x32xf32, #tpu.memory_space<vmem_shared>>) target(%dma_start3A_442 : memref<128x32xf32, #tpu.memory_space<vmem>>) offsets(%dma_start3A_445 : memref<128xi32, #tpu.memory_space<vmem>>) semaphore(%dma_start3A_450 : memref<!tpu.dma_semaphore, #tpu.memory_space<semaphore_mem>>)
      } else {
      }
      %add3A_327 = arith.constant 4 : i32
      %add3A_328 = arith.addi %mul3A_115, %add3A_327 : i32
      %dma_wait3A_329 = arith.constant 4 : i32
      %dma_wait3A_330 = arith.constant 4 : i32
      %dma_wait3A_331 = arith.constant 0 : i32
      %dma_wait3A_332 = arith.constant 0 : i32
      %dma_wait3A_333 = tpu.memref_slice %arg8[%dma_wait3A_329, %dma_wait3A_331, %dma_wait3A_332] : memref<6x128x32xf32, #tpu.memory_space<vmem>> -> memref<1x128x32xf32, #tpu.memory_space<vmem>>
      %dma_wait3A_334 = tpu.memref_squeeze %dma_wait3A_333 : memref<1x128x32xf32, #tpu.memory_space<vmem>> -> memref<128x32xf32, #tpu.memory_space<vmem>>
      %dma_wait3A_335 = arith.constant 0 : i32
      %dma_wait3A_336 = tpu.memref_slice %arg6[%add3A_328, %dma_wait3A_335] : memref<79x128xi32, #tpu.memory_space<vmem>> -> memref<1x128xi32, #tpu.memory_space<vmem>>
      %dma_wait3A_337 = tpu.memref_squeeze %dma_wait3A_336 : memref<1x128xi32, #tpu.memory_space<vmem>> -> memref<128xi32, #tpu.memory_space<vmem>>
      %dma_wait3A_338 = arith.constant 0 : i32
      %dma_wait3A_339 = arith.constant 0 : i32
      %dma_wait3A_340 = tpu.memref_slice %arg9[%dma_wait3A_338, %dma_wait3A_339] : memref<10240x32xf32, #tpu.memory_space<vmem_shared>> -> memref<10240x32xf32, #tpu.memory_space<vmem_shared>>
      %dma_wait3A_341 = tpu.memref_slice %arg11[%dma_wait3A_330] : memref<6x!tpu.dma_semaphore, #tpu.memory_space<semaphore_mem>> -> memref<1x!tpu.dma_semaphore, #tpu.memory_space<semaphore_mem>>
      %dma_wait3A_342 = tpu.memref_squeeze %dma_wait3A_341 : memref<1x!tpu.dma_semaphore, #tpu.memory_space<semaphore_mem>> -> memref<!tpu.dma_semaphore, #tpu.memory_space<semaphore_mem>>
      tpu.wait_indirect_dma semaphore(%dma_wait3A_342 : memref<!tpu.dma_semaphore, #tpu.memory_space<semaphore_mem>>) src(%dma_wait3A_340 : memref<10240x32xf32, #tpu.memory_space<vmem_shared>>) dst(%dma_wait3A_334 : memref<128x32xf32, #tpu.memory_space<vmem>>)
      %add3A_343 = arith.constant 4 : i32
      %add3A_344 = arith.addi %mul3A_115, %add3A_343 : i32
      %dma_start3A_345 = arith.constant 4 : i32
      %dma_start3A_346 = arith.constant 4 : i32
      %dma_start3A_347 = arith.constant 0 : i32
      %dma_start3A_348 = arith.constant 0 : i32
      %dma_start3A_349 = tpu.memref_slice %arg8[%dma_start3A_345, %dma_start3A_347, %dma_start3A_348] : memref<6x128x32xf32, #tpu.memory_space<vmem>> -> memref<1x128x32xf32, #tpu.memory_space<vmem>>
      %dma_start3A_350 = tpu.memref_squeeze %dma_start3A_349 : memref<1x128x32xf32, #tpu.memory_space<vmem>> -> memref<128x32xf32, #tpu.memory_space<vmem>>
      %dma_start3A_351 = arith.constant 0 : i32
      %dma_start3A_352 = tpu.memref_slice %arg7[%add3A_344, %dma_start3A_351] : memref<79x128xi32, #tpu.memory_space<vmem>> -> memref<1x128xi32, #tpu.memory_space<vmem>>
      %dma_start3A_353 = tpu.memref_squeeze %dma_start3A_352 : memref<1x128xi32, #tpu.memory_space<vmem>> -> memref<128xi32, #tpu.memory_space<vmem>>
      %dma_start3A_354 = arith.constant 0 : i32
      %dma_start3A_355 = arith.constant 0 : i32
      %dma_start3A_356 = tpu.memref_slice %arg10[%dma_start3A_354, %dma_start3A_355] : memref<10240x32xf32, #tpu.memory_space<vmem_shared>> -> memref<10240x32xf32, #tpu.memory_space<vmem_shared>>
      %dma_start3A_357 = tpu.memref_slice %arg12[%dma_start3A_346] : memref<6x!tpu.dma_semaphore, #tpu.memory_space<semaphore_mem>> -> memref<1x!tpu.dma_semaphore, #tpu.memory_space<semaphore_mem>>
      %dma_start3A_358 = tpu.memref_squeeze %dma_start3A_357 : memref<1x!tpu.dma_semaphore, #tpu.memory_space<semaphore_mem>> -> memref<!tpu.dma_semaphore, #tpu.memory_space<semaphore_mem>>
      tpu.enqueue_indirect_dma source(%dma_start3A_350 : memref<128x32xf32, #tpu.memory_space<vmem>>) target(%dma_start3A_356 : memref<10240x32xf32, #tpu.memory_space<vmem_shared>>) offsets(%dma_start3A_353 : memref<128xi32, #tpu.memory_space<vmem>>) semaphore(%dma_start3A_358 : memref<!tpu.dma_semaphore, #tpu.memory_space<semaphore_mem>>) {add = true}
      %add3A_359 = arith.constant 4 : i32
      %add3A_360 = arith.addi %mul3A_115, %add3A_359 : i32
      %dma_wait3A_361 = arith.constant 4 : i32
      %dma_wait3A_362 = arith.constant 4 : i32
      %dma_wait3A_363 = arith.constant 0 : i32
      %dma_wait3A_364 = arith.constant 0 : i32
      %dma_wait3A_365 = tpu.memref_slice %arg8[%dma_wait3A_361, %dma_wait3A_363, %dma_wait3A_364] : memref<6x128x32xf32, #tpu.memory_space<vmem>> -> memref<1x128x32xf32, #tpu.memory_space<vmem>>
      %dma_wait3A_366 = tpu.memref_squeeze %dma_wait3A_365 : memref<1x128x32xf32, #tpu.memory_space<vmem>> -> memref<128x32xf32, #tpu.memory_space<vmem>>
      %dma_wait3A_367 = arith.constant 0 : i32
      %dma_wait3A_368 = tpu.memref_slice %arg7[%add3A_360, %dma_wait3A_367] : memref<79x128xi32, #tpu.memory_space<vmem>> -> memref<1x128xi32, #tpu.memory_space<vmem>>
      %dma_wait3A_369 = tpu.memref_squeeze %dma_wait3A_368 : memref<1x128xi32, #tpu.memory_space<vmem>> -> memref<128xi32, #tpu.memory_space<vmem>>
      %dma_wait3A_370 = arith.constant 0 : i32
      %dma_wait3A_371 = arith.constant 0 : i32
      %dma_wait3A_372 = tpu.memref_slice %arg10[%dma_wait3A_370, %dma_wait3A_371] : memref<10240x32xf32, #tpu.memory_space<vmem_shared>> -> memref<10240x32xf32, #tpu.memory_space<vmem_shared>>
      %dma_wait3A_373 = tpu.memref_slice %arg12[%dma_wait3A_362] : memref<6x!tpu.dma_semaphore, #tpu.memory_space<semaphore_mem>> -> memref<1x!tpu.dma_semaphore, #tpu.memory_space<semaphore_mem>>
      %dma_wait3A_374 = tpu.memref_squeeze %dma_wait3A_373 : memref<1x!tpu.dma_semaphore, #tpu.memory_space<semaphore_mem>> -> memref<!tpu.dma_semaphore, #tpu.memory_space<semaphore_mem>>
      tpu.wait_indirect_dma semaphore(%dma_wait3A_374 : memref<!tpu.dma_semaphore, #tpu.memory_space<semaphore_mem>>) src(%dma_wait3A_366 : memref<128x32xf32, #tpu.memory_space<vmem>>) dst(%dma_wait3A_372 : memref<10240x32xf32, #tpu.memory_space<vmem_shared>>)
      %lt3A_375 = arith.constant 12 : i32
      %lt3A_376 = arith.cmpi slt, %add3A_113, %lt3A_375 : i32
      %convert_element_type3A_377 = arith.extui %lt3A_376 : i1 to i32
      %cond3A_378 = arith.constant 0 : i32
      %cond3A_379 = arith.cmpi ne, %convert_element_type3A_377, %cond3A_378 : i32
      scf.if %cond3A_379 {
        %add3A_433 = arith.constant 6 : i32
        %add3A_434 = arith.addi %mul3A_115, %add3A_433 : i32
        %add3A_435 = arith.constant 4 : i32
        %add3A_436 = arith.addi %add3A_434, %add3A_435 : i32
        %dma_start3A_437 = arith.constant 4 : i32
        %dma_start3A_438 = arith.constant 4 : i32
        %dma_start3A_439 = arith.constant 0 : i32
        %dma_start3A_440 = arith.constant 0 : i32
        %dma_start3A_441 = tpu.memref_slice %arg8[%dma_start3A_437, %dma_start3A_439, %dma_start3A_440] : memref<6x128x32xf32, #tpu.memory_space<vmem>> -> memref<1x128x32xf32, #tpu.memory_space<vmem>>
        %dma_start3A_442 = tpu.memref_squeeze %dma_start3A_441 : memref<1x128x32xf32, #tpu.memory_space<vmem>> -> memref<128x32xf32, #tpu.memory_space<vmem>>
        %dma_start3A_443 = arith.constant 0 : i32
        %dma_start3A_444 = tpu.memref_slice %arg6[%add3A_436, %dma_start3A_443] : memref<79x128xi32, #tpu.memory_space<vmem>> -> memref<1x128xi32, #tpu.memory_space<vmem>>
        %dma_start3A_445 = tpu.memref_squeeze %dma_start3A_444 : memref<1x128xi32, #tpu.memory_space<vmem>> -> memref<128xi32, #tpu.memory_space<vmem>>
        %dma_start3A_446 = arith.constant 0 : i32
        %dma_start3A_447 = arith.constant 0 : i32
        %dma_start3A_448 = tpu.memref_slice %arg9[%dma_start3A_446, %dma_start3A_447] : memref<10240x32xf32, #tpu.memory_space<vmem_shared>> -> memref<10240x32xf32, #tpu.memory_space<vmem_shared>>
        %dma_start3A_449 = tpu.memref_slice %arg11[%dma_start3A_438] : memref<6x!tpu.dma_semaphore, #tpu.memory_space<semaphore_mem>> -> memref<1x!tpu.dma_semaphore, #tpu.memory_space<semaphore_mem>>
        %dma_start3A_450 = tpu.memref_squeeze %dma_start3A_449 : memref<1x!tpu.dma_semaphore, #tpu.memory_space<semaphore_mem>> -> memref<!tpu.dma_semaphore, #tpu.memory_space<semaphore_mem>>
        tpu.enqueue_indirect_dma source(%dma_start3A_448 : memref<10240x32xf32, #tpu.memory_space<vmem_shared>>) target(%dma_start3A_442 : memref<128x32xf32, #tpu.memory_space<vmem>>) offsets(%dma_start3A_445 : memref<128xi32, #tpu.memory_space<vmem>>) semaphore(%dma_start3A_450 : memref<!tpu.dma_semaphore, #tpu.memory_space<semaphore_mem>>)
      } else {
      }
      %add3A_380 = arith.constant 5 : i32
      %add3A_381 = arith.addi %mul3A_115, %add3A_380 : i32
      %dma_wait3A_382 = arith.constant 5 : i32
      %dma_wait3A_383 = arith.constant 5 : i32
      %dma_wait3A_384 = arith.constant 0 : i32
      %dma_wait3A_385 = arith.constant 0 : i32
      %dma_wait3A_386 = tpu.memref_slice %arg8[%dma_wait3A_382, %dma_wait3A_384, %dma_wait3A_385] : memref<6x128x32xf32, #tpu.memory_space<vmem>> -> memref<1x128x32xf32, #tpu.memory_space<vmem>>
      %dma_wait3A_387 = tpu.memref_squeeze %dma_wait3A_386 : memref<1x128x32xf32, #tpu.memory_space<vmem>> -> memref<128x32xf32, #tpu.memory_space<vmem>>
      %dma_wait3A_388 = arith.constant 0 : i32
      %dma_wait3A_389 = tpu.memref_slice %arg6[%add3A_381, %dma_wait3A_388] : memref<79x128xi32, #tpu.memory_space<vmem>> -> memref<1x128xi32, #tpu.memory_space<vmem>>
      %dma_wait3A_390 = tpu.memref_squeeze %dma_wait3A_389 : memref<1x128xi32, #tpu.memory_space<vmem>> -> memref<128xi32, #tpu.memory_space<vmem>>
      %dma_wait3A_391 = arith.constant 0 : i32
      %dma_wait3A_392 = arith.constant 0 : i32
      %dma_wait3A_393 = tpu.memref_slice %arg9[%dma_wait3A_391, %dma_wait3A_392] : memref<10240x32xf32, #tpu.memory_space<vmem_shared>> -> memref<10240x32xf32, #tpu.memory_space<vmem_shared>>
      %dma_wait3A_394 = tpu.memref_slice %arg11[%dma_wait3A_383] : memref<6x!tpu.dma_semaphore, #tpu.memory_space<semaphore_mem>> -> memref<1x!tpu.dma_semaphore, #tpu.memory_space<semaphore_mem>>
      %dma_wait3A_395 = tpu.memref_squeeze %dma_wait3A_394 : memref<1x!tpu.dma_semaphore, #tpu.memory_space<semaphore_mem>> -> memref<!tpu.dma_semaphore, #tpu.memory_space<semaphore_mem>>
      tpu.wait_indirect_dma semaphore(%dma_wait3A_395 : memref<!tpu.dma_semaphore, #tpu.memory_space<semaphore_mem>>) src(%dma_wait3A_393 : memref<10240x32xf32, #tpu.memory_space<vmem_shared>>) dst(%dma_wait3A_387 : memref<128x32xf32, #tpu.memory_space<vmem>>)
      %add3A_396 = arith.constant 5 : i32
      %add3A_397 = arith.addi %mul3A_115, %add3A_396 : i32
      %dma_start3A_398 = arith.constant 5 : i32
      %dma_start3A_399 = arith.constant 5 : i32
      %dma_start3A_400 = arith.constant 0 : i32
      %dma_start3A_401 = arith.constant 0 : i32
      %dma_start3A_402 = tpu.memref_slice %arg8[%dma_start3A_398, %dma_start3A_400, %dma_start3A_401] : memref<6x128x32xf32, #tpu.memory_space<vmem>> -> memref<1x128x32xf32, #tpu.memory_space<vmem>>
      %dma_start3A_403 = tpu.memref_squeeze %dma_start3A_402 : memref<1x128x32xf32, #tpu.memory_space<vmem>> -> memref<128x32xf32, #tpu.memory_space<vmem>>
      %dma_start3A_404 = arith.constant 0 : i32
      %dma_start3A_405 = tpu.memref_slice %arg7[%add3A_397, %dma_start3A_404] : memref<79x128xi32, #tpu.memory_space<vmem>> -> memref<1x128xi32, #tpu.memory_space<vmem>>
      %dma_start3A_406 = tpu.memref_squeeze %dma_start3A_405 : memref<1x128xi32, #tpu.memory_space<vmem>> -> memref<128xi32, #tpu.memory_space<vmem>>
      %dma_start3A_407 = arith.constant 0 : i32
      %dma_start3A_408 = arith.constant 0 : i32
      %dma_start3A_409 = tpu.memref_slice %arg10[%dma_start3A_407, %dma_start3A_408] : memref<10240x32xf32, #tpu.memory_space<vmem_shared>> -> memref<10240x32xf32, #tpu.memory_space<vmem_shared>>
      %dma_start3A_410 = tpu.memref_slice %arg12[%dma_start3A_399] : memref<6x!tpu.dma_semaphore, #tpu.memory_space<semaphore_mem>> -> memref<1x!tpu.dma_semaphore, #tpu.memory_space<semaphore_mem>>
      %dma_start3A_411 = tpu.memref_squeeze %dma_start3A_410 : memref<1x!tpu.dma_semaphore, #tpu.memory_space<semaphore_mem>> -> memref<!tpu.dma_semaphore, #tpu.memory_space<semaphore_mem>>
      tpu.enqueue_indirect_dma source(%dma_start3A_403 : memref<128x32xf32, #tpu.memory_space<vmem>>) target(%dma_start3A_409 : memref<10240x32xf32, #tpu.memory_space<vmem_shared>>) offsets(%dma_start3A_406 : memref<128xi32, #tpu.memory_space<vmem>>) semaphore(%dma_start3A_411 : memref<!tpu.dma_semaphore, #tpu.memory_space<semaphore_mem>>) {add = true}
      %add3A_412 = arith.constant 5 : i32
      %add3A_413 = arith.addi %mul3A_115, %add3A_412 : i32
      %dma_wait3A_414 = arith.constant 5 : i32
      %dma_wait3A_415 = arith.constant 5 : i32
      %dma_wait3A_416 = arith.constant 0 : i32
      %dma_wait3A_417 = arith.constant 0 : i32
      %dma_wait3A_418 = tpu.memref_slice %arg8[%dma_wait3A_414, %dma_wait3A_416, %dma_wait3A_417] : memref<6x128x32xf32, #tpu.memory_space<vmem>> -> memref<1x128x32xf32, #tpu.memory_space<vmem>>
      %dma_wait3A_419 = tpu.memref_squeeze %dma_wait3A_418 : memref<1x128x32xf32, #tpu.memory_space<vmem>> -> memref<128x32xf32, #tpu.memory_space<vmem>>
      %dma_wait3A_420 = arith.constant 0 : i32
      %dma_wait3A_421 = tpu.memref_slice %arg7[%add3A_413, %dma_wait3A_420] : memref<79x128xi32, #tpu.memory_space<vmem>> -> memref<1x128xi32, #tpu.memory_space<vmem>>
      %dma_wait3A_422 = tpu.memref_squeeze %dma_wait3A_421 : memref<1x128xi32, #tpu.memory_space<vmem>> -> memref<128xi32, #tpu.memory_space<vmem>>
      %dma_wait3A_423 = arith.constant 0 : i32
      %dma_wait3A_424 = arith.constant 0 : i32
      %dma_wait3A_425 = tpu.memref_slice %arg10[%dma_wait3A_423, %dma_wait3A_424] : memref<10240x32xf32, #tpu.memory_space<vmem_shared>> -> memref<10240x32xf32, #tpu.memory_space<vmem_shared>>
      %dma_wait3A_426 = tpu.memref_slice %arg12[%dma_wait3A_415] : memref<6x!tpu.dma_semaphore, #tpu.memory_space<semaphore_mem>> -> memref<1x!tpu.dma_semaphore, #tpu.memory_space<semaphore_mem>>
      %dma_wait3A_427 = tpu.memref_squeeze %dma_wait3A_426 : memref<1x!tpu.dma_semaphore, #tpu.memory_space<semaphore_mem>> -> memref<!tpu.dma_semaphore, #tpu.memory_space<semaphore_mem>>
      tpu.wait_indirect_dma semaphore(%dma_wait3A_427 : memref<!tpu.dma_semaphore, #tpu.memory_space<semaphore_mem>>) src(%dma_wait3A_419 : memref<128x32xf32, #tpu.memory_space<vmem>>) dst(%dma_wait3A_425 : memref<10240x32xf32, #tpu.memory_space<vmem_shared>>)
      %lt3A_428 = arith.constant 12 : i32
      %lt3A_429 = arith.cmpi slt, %add3A_113, %lt3A_428 : i32
      %convert_element_type3A_430 = arith.extui %lt3A_429 : i1 to i32
      %cond3A_431 = arith.constant 0 : i32
      %cond3A_432 = arith.cmpi ne, %convert_element_type3A_430, %cond3A_431 : i32
      scf.if %cond3A_432 {
        %add3A_433 = arith.constant 6 : i32
        %add3A_434 = arith.addi %mul3A_115, %add3A_433 : i32
        %add3A_435 = arith.constant 5 : i32
        %add3A_436 = arith.addi %add3A_434, %add3A_435 : i32
        %dma_start3A_437 = arith.constant 5 : i32
        %dma_start3A_438 = arith.constant 5 : i32
        %dma_start3A_439 = arith.constant 0 : i32
        %dma_start3A_440 = arith.constant 0 : i32
        %dma_start3A_441 = tpu.memref_slice %arg8[%dma_start3A_437, %dma_start3A_439, %dma_start3A_440] : memref<6x128x32xf32, #tpu.memory_space<vmem>> -> memref<1x128x32xf32, #tpu.memory_space<vmem>>
        %dma_start3A_442 = tpu.memref_squeeze %dma_start3A_441 : memref<1x128x32xf32, #tpu.memory_space<vmem>> -> memref<128x32xf32, #tpu.memory_space<vmem>>
        %dma_start3A_443 = arith.constant 0 : i32
        %dma_start3A_444 = tpu.memref_slice %arg6[%add3A_436, %dma_start3A_443] : memref<79x128xi32, #tpu.memory_space<vmem>> -> memref<1x128xi32, #tpu.memory_space<vmem>>
        %dma_start3A_445 = tpu.memref_squeeze %dma_start3A_444 : memref<1x128xi32, #tpu.memory_space<vmem>> -> memref<128xi32, #tpu.memory_space<vmem>>
        %dma_start3A_446 = arith.constant 0 : i32
        %dma_start3A_447 = arith.constant 0 : i32
        %dma_start3A_448 = tpu.memref_slice %arg9[%dma_start3A_446, %dma_start3A_447] : memref<10240x32xf32, #tpu.memory_space<vmem_shared>> -> memref<10240x32xf32, #tpu.memory_space<vmem_shared>>
        %dma_start3A_449 = tpu.memref_slice %arg11[%dma_start3A_438] : memref<6x!tpu.dma_semaphore, #tpu.memory_space<semaphore_mem>> -> memref<1x!tpu.dma_semaphore, #tpu.memory_space<semaphore_mem>>
        %dma_start3A_450 = tpu.memref_squeeze %dma_start3A_449 : memref<1x!tpu.dma_semaphore, #tpu.memory_space<semaphore_mem>> -> memref<!tpu.dma_semaphore, #tpu.memory_space<semaphore_mem>>
        tpu.enqueue_indirect_dma source(%dma_start3A_448 : memref<10240x32xf32, #tpu.memory_space<vmem_shared>>) target(%dma_start3A_442 : memref<128x32xf32, #tpu.memory_space<vmem>>) offsets(%dma_start3A_445 : memref<128xi32, #tpu.memory_space<vmem>>) semaphore(%dma_start3A_450 : memref<!tpu.dma_semaphore, #tpu.memory_space<semaphore_mem>>)
      } else {
      }
    }
    %scan3A_102 = arith.constant 13 : i32
    %lt3A_103 = arith.constant 4 : i32
    %lt3A_104 = arith.cmpi slt, %add3A, %lt3A_103 : i32
    %convert_element_type3A_105 = arith.extui %lt3A_104 : i1 to i32
    %cond3A_106 = arith.constant 0 : i32
    %cond3A_107 = arith.cmpi ne, %convert_element_type3A_105, %cond3A_106 : i32
    scf.if %cond3A_107 {
      %run_scoped3A_109 = arith.constant 78 : i32
      %run_scoped3A_110 = arith.constant 0 : i32
      "tpu.region"() ({
        %run_scoped3A_113 = tpu.sem_alloc : memref<!tpu.dma_semaphore, #tpu.memory_space<semaphore_mem>>
        %dma_start3A_114 = arith.constant 0 : i32
        %dma_start3A_115 = arith.constant 0 : i32
        %dma_start3A_116 = tpu.memref_slice %arg8[%run_scoped3A_110, %dma_start3A_114, %dma_start3A_115] : memref<6x128x32xf32, #tpu.memory_space<vmem>> -> memref<1x128x32xf32, #tpu.memory_space<vmem>>
        %dma_start3A_117 = tpu.memref_squeeze %dma_start3A_116 : memref<1x128x32xf32, #tpu.memory_space<vmem>> -> memref<128x32xf32, #tpu.memory_space<vmem>>
        %dma_start3A_118 = arith.constant 0 : i32
        %dma_start3A_119 = tpu.memref_slice %arg6[%run_scoped3A_109, %dma_start3A_118] : memref<79x128xi32, #tpu.memory_space<vmem>> -> memref<1x128xi32, #tpu.memory_space<vmem>>
        %dma_start3A_120 = tpu.memref_squeeze %dma_start3A_119 : memref<1x128xi32, #tpu.memory_space<vmem>> -> memref<128xi32, #tpu.memory_space<vmem>>
        %dma_start3A_121 = arith.constant 0 : i32
        %dma_start3A_122 = arith.constant 0 : i32
        %dma_start3A_123 = tpu.memref_slice %arg9[%dma_start3A_121, %dma_start3A_122] : memref<10240x32xf32, #tpu.memory_space<vmem_shared>> -> memref<10240x32xf32, #tpu.memory_space<vmem_shared>>
        tpu.enqueue_indirect_dma source(%dma_start3A_123 : memref<10240x32xf32, #tpu.memory_space<vmem_shared>>) target(%dma_start3A_117 : memref<128x32xf32, #tpu.memory_space<vmem>>) offsets(%dma_start3A_120 : memref<128xi32, #tpu.memory_space<vmem>>) semaphore(%run_scoped3A_113 : memref<!tpu.dma_semaphore, #tpu.memory_space<semaphore_mem>>)
        %dma_wait3A = arith.constant 0 : i32
        %dma_wait3A_124 = arith.constant 0 : i32
        %dma_wait3A_125 = tpu.memref_slice %arg8[%run_scoped3A_110, %dma_wait3A, %dma_wait3A_124] : memref<6x128x32xf32, #tpu.memory_space<vmem>> -> memref<1x128x32xf32, #tpu.memory_space<vmem>>
        %dma_wait3A_126 = tpu.memref_squeeze %dma_wait3A_125 : memref<1x128x32xf32, #tpu.memory_space<vmem>> -> memref<128x32xf32, #tpu.memory_space<vmem>>
        %dma_wait3A_127 = arith.constant 0 : i32
        %dma_wait3A_128 = tpu.memref_slice %arg6[%run_scoped3A_109, %dma_wait3A_127] : memref<79x128xi32, #tpu.memory_space<vmem>> -> memref<1x128xi32, #tpu.memory_space<vmem>>
        %dma_wait3A_129 = tpu.memref_squeeze %dma_wait3A_128 : memref<1x128xi32, #tpu.memory_space<vmem>> -> memref<128xi32, #tpu.memory_space<vmem>>
        %dma_wait3A_130 = arith.constant 0 : i32
        %dma_wait3A_131 = arith.constant 0 : i32
        %dma_wait3A_132 = tpu.memref_slice %arg9[%dma_wait3A_130, %dma_wait3A_131] : memref<10240x32xf32, #tpu.memory_space<vmem_shared>> -> memref<10240x32xf32, #tpu.memory_space<vmem_shared>>
        tpu.wait_indirect_dma semaphore(%run_scoped3A_113 : memref<!tpu.dma_semaphore, #tpu.memory_space<semaphore_mem>>) src(%dma_wait3A_132 : memref<10240x32xf32, #tpu.memory_space<vmem_shared>>) dst(%dma_wait3A_126 : memref<128x32xf32, #tpu.memory_space<vmem>>)
        tpu.yield
      }) : () -> ()
      %run_scoped3A_111 = arith.constant 0 : i32
      %run_scoped3A_112 = arith.constant 78 : i32
      "tpu.region"() ({
        %run_scoped3A_113 = tpu.sem_alloc : memref<!tpu.dma_semaphore, #tpu.memory_space<semaphore_mem>>
        %dma_start3A_114 = arith.constant 0 : i32
        %dma_start3A_115 = arith.constant 0 : i32
        %dma_start3A_116 = tpu.memref_slice %arg8[%run_scoped3A_111, %dma_start3A_114, %dma_start3A_115] : memref<6x128x32xf32, #tpu.memory_space<vmem>> -> memref<1x128x32xf32, #tpu.memory_space<vmem>>
        %dma_start3A_117 = tpu.memref_squeeze %dma_start3A_116 : memref<1x128x32xf32, #tpu.memory_space<vmem>> -> memref<128x32xf32, #tpu.memory_space<vmem>>
        %dma_start3A_118 = arith.constant 0 : i32
        %dma_start3A_119 = tpu.memref_slice %arg7[%run_scoped3A_112, %dma_start3A_118] : memref<79x128xi32, #tpu.memory_space<vmem>> -> memref<1x128xi32, #tpu.memory_space<vmem>>
        %dma_start3A_120 = tpu.memref_squeeze %dma_start3A_119 : memref<1x128xi32, #tpu.memory_space<vmem>> -> memref<128xi32, #tpu.memory_space<vmem>>
        %dma_start3A_121 = arith.constant 0 : i32
        %dma_start3A_122 = arith.constant 0 : i32
        %dma_start3A_123 = tpu.memref_slice %arg10[%dma_start3A_121, %dma_start3A_122] : memref<10240x32xf32, #tpu.memory_space<vmem_shared>> -> memref<10240x32xf32, #tpu.memory_space<vmem_shared>>
        tpu.enqueue_indirect_dma source(%dma_start3A_117 : memref<128x32xf32, #tpu.memory_space<vmem>>) target(%dma_start3A_123 : memref<10240x32xf32, #tpu.memory_space<vmem_shared>>) offsets(%dma_start3A_120 : memref<128xi32, #tpu.memory_space<vmem>>) semaphore(%run_scoped3A_113 : memref<!tpu.dma_semaphore, #tpu.memory_space<semaphore_mem>>) {add = true}
        %dma_wait3A = arith.constant 0 : i32
        %dma_wait3A_124 = arith.constant 0 : i32
        %dma_wait3A_125 = tpu.memref_slice %arg8[%run_scoped3A_111, %dma_wait3A, %dma_wait3A_124] : memref<6x128x32xf32, #tpu.memory_space<vmem>> -> memref<1x128x32xf32, #tpu.memory_space<vmem>>
        %dma_wait3A_126 = tpu.memref_squeeze %dma_wait3A_125 : memref<1x128x32xf32, #tpu.memory_space<vmem>> -> memref<128x32xf32, #tpu.memory_space<vmem>>
        %dma_wait3A_127 = arith.constant 0 : i32
        %dma_wait3A_128 = tpu.memref_slice %arg7[%run_scoped3A_112, %dma_wait3A_127] : memref<79x128xi32, #tpu.memory_space<vmem>> -> memref<1x128xi32, #tpu.memory_space<vmem>>
        %dma_wait3A_129 = tpu.memref_squeeze %dma_wait3A_128 : memref<1x128xi32, #tpu.memory_space<vmem>> -> memref<128xi32, #tpu.memory_space<vmem>>
        %dma_wait3A_130 = arith.constant 0 : i32
        %dma_wait3A_131 = arith.constant 0 : i32
        %dma_wait3A_132 = tpu.memref_slice %arg10[%dma_wait3A_130, %dma_wait3A_131] : memref<10240x32xf32, #tpu.memory_space<vmem_shared>> -> memref<10240x32xf32, #tpu.memory_space<vmem_shared>>
        tpu.wait_indirect_dma semaphore(%run_scoped3A_113 : memref<!tpu.dma_semaphore, #tpu.memory_space<semaphore_mem>>) src(%dma_wait3A_126 : memref<128x32xf32, #tpu.memory_space<vmem>>) dst(%dma_wait3A_132 : memref<10240x32xf32, #tpu.memory_space<vmem_shared>>)
        tpu.yield
      }) : () -> ()
    } else {
    }
    %barrier3A_108 = arith.constant 0 : index
    tpu.barrier barrier_id(%barrier3A_108)
    "tpu.region"() ({
      %run_scoped3A_109 = tpu.sem_alloc : memref<!tpu.dma_semaphore, #tpu.memory_space<semaphore_mem>>
      %dma_start3A_110 = arith.constant 0 : i32
      %dma_start3A_111 = tpu.memref_slice %arg5[%arg0, %mul3A_2, %dma_start3A_110] : memref<2x10240x32xf32, #tpu.memory_space<hbm>> -> memref<1x640x32xf32, #tpu.memory_space<hbm>>
      %dma_start3A_112 = tpu.memref_squeeze %dma_start3A_111 : memref<1x640x32xf32, #tpu.memory_space<hbm>> -> memref<640x32xf32, #tpu.memory_space<hbm>>
      %dma_start3A_113 = arith.constant 0 : i32
      %dma_start3A_114 = tpu.memref_slice %arg10[%mul3A_2, %dma_start3A_113] : memref<10240x32xf32, #tpu.memory_space<vmem_shared>> -> memref<640x32xf32, #tpu.memory_space<vmem_shared>>
      tpu.enqueue_dma source(%dma_start3A_114 : memref<640x32xf32, #tpu.memory_space<vmem_shared>>) target(%dma_start3A_112 : memref<640x32xf32, #tpu.memory_space<hbm>>) target_semaphore(%run_scoped3A_109 : memref<!tpu.dma_semaphore, #tpu.memory_space<semaphore_mem>>)
      %dma_wait3A = arith.constant 0 : i32
      %dma_wait3A_115 = tpu.memref_slice %arg5[%arg0, %mul3A_2, %dma_wait3A] : memref<2x10240x32xf32, #tpu.memory_space<hbm>> -> memref<1x640x32xf32, #tpu.memory_space<hbm>>
      %dma_wait3A_116 = tpu.memref_squeeze %dma_wait3A_115 : memref<1x640x32xf32, #tpu.memory_space<hbm>> -> memref<640x32xf32, #tpu.memory_space<hbm>>
      %dma_wait3A_117 = arith.constant 0 : i32
      %dma_wait3A_118 = tpu.memref_slice %arg10[%mul3A_2, %dma_wait3A_117] : memref<10240x32xf32, #tpu.memory_space<vmem_shared>> -> memref<640x32xf32, #tpu.memory_space<vmem_shared>>
      tpu.wait_dma2 semaphore(%run_scoped3A_109 : memref<!tpu.dma_semaphore, #tpu.memory_space<semaphore_mem>>) src(%dma_wait3A_118 : memref<640x32xf32, #tpu.memory_space<vmem_shared>>) dst(%dma_wait3A_116 : memref<640x32xf32, #tpu.memory_space<hbm>>)
      tpu.yield
    }) : () -> ()
    return
  }
}

#map = affine_map<(d0, d1) -> (0, 0)>
#map1 = affine_map<(d0, d1) -> (0, 0, 0)>
module attributes {stable_mosaic.version = 14 : i64} {
  func.func @_agg_body(%arg0: i32, %arg1: i32, %arg2: memref<10240x32xf32, #tpu.memory_space<hbm>>, %arg3: memref<2x2500x128xi32, #tpu.memory_space<hbm>>, %arg4: memref<10240x32xf32, #tpu.memory_space<hbm>>, %arg5: memref<2x10240x32xf32, #tpu.memory_space<hbm>>, %arg6: memref<79x128xi32, #tpu.memory_space<vmem>>, %arg7: memref<79x128xi32, #tpu.memory_space<vmem>>, %arg8: memref<6x128x32xf32, #tpu.memory_space<vmem>>, %arg9: memref<10240x32xf32, #tpu.memory_space<vmem_shared>>, %arg10: memref<10240x32xf32, #tpu.memory_space<vmem_shared>>, %arg11: memref<6x!tpu.dma_semaphore, #tpu.memory_space<semaphore_mem>>, %arg12: memref<6x!tpu.dma_semaphore, #tpu.memory_space<semaphore_mem>>) attributes {dimension_semantics = [#tpu.dimension_semantics<core_parallel>, #tpu.dimension_semantics<subcore_parallel>], iteration_bounds = array<i64: 2, 16>, scalar_prefetch = 0 : i64, scratch_operands = 7 : i64, tpu.core_type = #tpu.core_type<sc_vector_subcore>, window_params = [{transform_indices = #map}, {transform_indices = #map1}, {transform_indices = #map}, {transform_indices = #map1}]} {
    %mul3A = arith.constant 2 : i32
    %mul3A_0 = arith.muli %arg1, %mul3A : i32
    %add3A = arith.addi %mul3A_0, %arg0 : i32
    %mul3A_1 = arith.constant 640 : i32
    %mul3A_2 = arith.muli %arg1, %mul3A_1 : i32
    %mul3A_3 = arith.constant 78 : i32
    %mul3A_4 = arith.muli %mul3A_3, %add3A : i32
    %min3A = arith.constant 4 : i32
    %min3A_5 = arith.minsi %add3A, %min3A : i32
    %add3A_6 = arith.addi %mul3A_4, %min3A_5 : i32
    "tpu.region"() ({
      %run_scoped3A_109 = tpu.sem_alloc : memref<!tpu.dma_semaphore, #tpu.memory_space<semaphore_mem>>
      %dma_start3A_110 = arith.constant 0 : i32
      %dma_start3A_111 = tpu.memref_slice %arg10[%mul3A_2, %dma_start3A_110] : memref<10240x32xf32, #tpu.memory_space<vmem_shared>> -> memref<640x32xf32, #tpu.memory_space<vmem_shared>>
      %dma_start3A_112 = arith.constant 0 : i32
      %dma_start3A_113 = tpu.memref_slice %arg4[%mul3A_2, %dma_start3A_112] : memref<10240x32xf32, #tpu.memory_space<hbm>> -> memref<640x32xf32, #tpu.memory_space<hbm>>
      tpu.enqueue_dma source(%dma_start3A_113 : memref<640x32xf32, #tpu.memory_space<hbm>>) target(%dma_start3A_111 : memref<640x32xf32, #tpu.memory_space<vmem_shared>>) target_semaphore(%run_scoped3A_109 : memref<!tpu.dma_semaphore, #tpu.memory_space<semaphore_mem>>)
      %dma_wait3A = arith.constant 0 : i32
      %dma_wait3A_114 = tpu.memref_slice %arg10[%mul3A_2, %dma_wait3A] : memref<10240x32xf32, #tpu.memory_space<vmem_shared>> -> memref<640x32xf32, #tpu.memory_space<vmem_shared>>
      %dma_wait3A_115 = arith.constant 0 : i32
      %dma_wait3A_116 = tpu.memref_slice %arg4[%mul3A_2, %dma_wait3A_115] : memref<10240x32xf32, #tpu.memory_space<hbm>> -> memref<640x32xf32, #tpu.memory_space<hbm>>
      tpu.wait_dma2 semaphore(%run_scoped3A_109 : memref<!tpu.dma_semaphore, #tpu.memory_space<semaphore_mem>>) src(%dma_wait3A_116 : memref<640x32xf32, #tpu.memory_space<hbm>>) dst(%dma_wait3A_114 : memref<640x32xf32, #tpu.memory_space<vmem_shared>>)
      tpu.yield
    }) : () -> ()
    "tpu.region"() ({
      %run_scoped3A_109 = tpu.sem_alloc : memref<!tpu.dma_semaphore, #tpu.memory_space<semaphore_mem>>
      %dma_start3A_110 = arith.constant 0 : i32
      %dma_start3A_111 = tpu.memref_slice %arg9[%mul3A_2, %dma_start3A_110] : memref<10240x32xf32, #tpu.memory_space<vmem_shared>> -> memref<640x32xf32, #tpu.memory_space<vmem_shared>>
      %dma_start3A_112 = arith.constant 0 : i32
      %dma_start3A_113 = tpu.memref_slice %arg2[%mul3A_2, %dma_start3A_112] : memref<10240x32xf32, #tpu.memory_space<hbm>> -> memref<640x32xf32, #tpu.memory_space<hbm>>
      tpu.enqueue_dma source(%dma_start3A_113 : memref<640x32xf32, #tpu.memory_space<hbm>>) target(%dma_start3A_111 : memref<640x32xf32, #tpu.memory_space<vmem_shared>>) target_semaphore(%run_scoped3A_109 : memref<!tpu.dma_semaphore, #tpu.memory_space<semaphore_mem>>)
      %dma_wait3A = arith.constant 0 : i32
      %dma_wait3A_114 = tpu.memref_slice %arg9[%mul3A_2, %dma_wait3A] : memref<10240x32xf32, #tpu.memory_space<vmem_shared>> -> memref<640x32xf32, #tpu.memory_space<vmem_shared>>
      %dma_wait3A_115 = arith.constant 0 : i32
      %dma_wait3A_116 = tpu.memref_slice %arg2[%mul3A_2, %dma_wait3A_115] : memref<10240x32xf32, #tpu.memory_space<hbm>> -> memref<640x32xf32, #tpu.memory_space<hbm>>
      tpu.wait_dma2 semaphore(%run_scoped3A_109 : memref<!tpu.dma_semaphore, #tpu.memory_space<semaphore_mem>>) src(%dma_wait3A_116 : memref<640x32xf32, #tpu.memory_space<hbm>>) dst(%dma_wait3A_114 : memref<640x32xf32, #tpu.memory_space<vmem_shared>>)
      tpu.yield
    }) : () -> ()
    %run_scoped3A = arith.constant 0 : i32
    "tpu.region"() ({
      %run_scoped3A_109 = tpu.sem_alloc : memref<!tpu.dma_semaphore, #tpu.memory_space<semaphore_mem>>
      %dma_start3A_110 = arith.constant 0 : i32
      %dma_start3A_111 = arith.constant 0 : i32
      %dma_start3A_112 = tpu.memref_slice %arg6[%dma_start3A_110, %dma_start3A_111] : memref<79x128xi32, #tpu.memory_space<vmem>> -> memref<78x128xi32, #tpu.memory_space<vmem>>
      %dma_start3A_113 = arith.constant 0 : i32
      %dma_start3A_114 = tpu.memref_slice %arg3[%run_scoped3A, %add3A_6, %dma_start3A_113] : memref<2x2500x128xi32, #tpu.memory_space<hbm>> -> memref<1x78x128xi32, #tpu.memory_space<hbm>>
      %dma_start3A_115 = tpu.memref_squeeze %dma_start3A_114 : memref<1x78x128xi32, #tpu.memory_space<hbm>> -> memref<78x128xi32, #tpu.memory_space<hbm>>
      %dma_start3A_116 = arith.constant 0 : i32
      %dma_start3A_117 = arith.constant 0 : i32
      %dma_start3A_118 = tpu.memref_slice %arg6[%dma_start3A_116, %dma_start3A_117] : memref<79x128xi32, #tpu.memory_space<vmem>> -> memref<78x128xi32, #tpu.memory_space<vmem>>
      %dma_start3A_119 = arith.constant 0 : i32
      %dma_start3A_120 = tpu.memref_slice %arg3[%run_scoped3A, %add3A_6, %dma_start3A_119] : memref<2x2500x128xi32, #tpu.memory_space<hbm>> -> memref<1x78x128xi32, #tpu.memory_space<hbm>>
      %dma_start3A_121 = tpu.memref_squeeze %dma_start3A_120 : memref<1x78x128xi32, #tpu.memory_space<hbm>> -> memref<78x128xi32, #tpu.memory_space<hbm>>
      tpu.enqueue_dma source(%dma_start3A_121 : memref<78x128xi32, #tpu.memory_space<hbm>>) target(%dma_start3A_118 : memref<78x128xi32, #tpu.memory_space<vmem>>) target_semaphore(%run_scoped3A_109 : memref<!tpu.dma_semaphore, #tpu.memory_space<semaphore_mem>>)
      %dma_wait3A = arith.constant 0 : i32
      %dma_wait3A_122 = arith.constant 0 : i32
      %dma_wait3A_123 = tpu.memref_slice %arg6[%dma_wait3A, %dma_wait3A_122] : memref<79x128xi32, #tpu.memory_space<vmem>> -> memref<78x128xi32, #tpu.memory_space<vmem>>
      %dma_wait3A_124 = arith.constant 0 : i32
      %dma_wait3A_125 = tpu.memref_slice %arg3[%run_scoped3A, %add3A_6, %dma_wait3A_124] : memref<2x2500x128xi32, #tpu.memory_space<hbm>> -> memref<1x78x128xi32, #tpu.memory_space<hbm>>
      %dma_wait3A_126 = tpu.memref_squeeze %dma_wait3A_125 : memref<1x78x128xi32, #tpu.memory_space<hbm>> -> memref<78x128xi32, #tpu.memory_space<hbm>>
      %dma_wait3A_127 = arith.constant 0 : i32
      %dma_wait3A_128 = arith.constant 0 : i32
      %dma_wait3A_129 = tpu.memref_slice %arg6[%dma_wait3A_127, %dma_wait3A_128] : memref<79x128xi32, #tpu.memory_space<vmem>> -> memref<78x128xi32, #tpu.memory_space<vmem>>
      %dma_wait3A_130 = arith.constant 0 : i32
      %dma_wait3A_131 = tpu.memref_slice %arg3[%run_scoped3A, %add3A_6, %dma_wait3A_130] : memref<2x2500x128xi32, #tpu.memory_space<hbm>> -> memref<1x78x128xi32, #tpu.memory_space<hbm>>
      %dma_wait3A_132 = tpu.memref_squeeze %dma_wait3A_131 : memref<1x78x128xi32, #tpu.memory_space<hbm>> -> memref<78x128xi32, #tpu.memory_space<hbm>>
      tpu.wait_dma2 semaphore(%run_scoped3A_109 : memref<!tpu.dma_semaphore, #tpu.memory_space<semaphore_mem>>) src(%dma_wait3A_132 : memref<78x128xi32, #tpu.memory_space<hbm>>) dst(%dma_wait3A_129 : memref<78x128xi32, #tpu.memory_space<vmem>>)
      tpu.yield
    }) : () -> ()
    %run_scoped3A_7 = arith.constant 1 : i32
    "tpu.region"() ({
      %run_scoped3A_109 = tpu.sem_alloc : memref<!tpu.dma_semaphore, #tpu.memory_space<semaphore_mem>>
      %dma_start3A_110 = arith.constant 0 : i32
      %dma_start3A_111 = arith.constant 0 : i32
      %dma_start3A_112 = tpu.memref_slice %arg7[%dma_start3A_110, %dma_start3A_111] : memref<79x128xi32, #tpu.memory_space<vmem>> -> memref<78x128xi32, #tpu.memory_space<vmem>>
      %dma_start3A_113 = arith.constant 0 : i32
      %dma_start3A_114 = tpu.memref_slice %arg3[%run_scoped3A_7, %add3A_6, %dma_start3A_113] : memref<2x2500x128xi32, #tpu.memory_space<hbm>> -> memref<1x78x128xi32, #tpu.memory_space<hbm>>
      %dma_start3A_115 = tpu.memref_squeeze %dma_start3A_114 : memref<1x78x128xi32, #tpu.memory_space<hbm>> -> memref<78x128xi32, #tpu.memory_space<hbm>>
      %dma_start3A_116 = arith.constant 0 : i32
      %dma_start3A_117 = arith.constant 0 : i32
      %dma_start3A_118 = tpu.memref_slice %arg7[%dma_start3A_116, %dma_start3A_117] : memref<79x128xi32, #tpu.memory_space<vmem>> -> memref<78x128xi32, #tpu.memory_space<vmem>>
      %dma_start3A_119 = arith.constant 0 : i32
      %dma_start3A_120 = tpu.memref_slice %arg3[%run_scoped3A_7, %add3A_6, %dma_start3A_119] : memref<2x2500x128xi32, #tpu.memory_space<hbm>> -> memref<1x78x128xi32, #tpu.memory_space<hbm>>
      %dma_start3A_121 = tpu.memref_squeeze %dma_start3A_120 : memref<1x78x128xi32, #tpu.memory_space<hbm>> -> memref<78x128xi32, #tpu.memory_space<hbm>>
      tpu.enqueue_dma source(%dma_start3A_121 : memref<78x128xi32, #tpu.memory_space<hbm>>) target(%dma_start3A_118 : memref<78x128xi32, #tpu.memory_space<vmem>>) target_semaphore(%run_scoped3A_109 : memref<!tpu.dma_semaphore, #tpu.memory_space<semaphore_mem>>)
      %dma_wait3A = arith.constant 0 : i32
      %dma_wait3A_122 = arith.constant 0 : i32
      %dma_wait3A_123 = tpu.memref_slice %arg7[%dma_wait3A, %dma_wait3A_122] : memref<79x128xi32, #tpu.memory_space<vmem>> -> memref<78x128xi32, #tpu.memory_space<vmem>>
      %dma_wait3A_124 = arith.constant 0 : i32
      %dma_wait3A_125 = tpu.memref_slice %arg3[%run_scoped3A_7, %add3A_6, %dma_wait3A_124] : memref<2x2500x128xi32, #tpu.memory_space<hbm>> -> memref<1x78x128xi32, #tpu.memory_space<hbm>>
      %dma_wait3A_126 = tpu.memref_squeeze %dma_wait3A_125 : memref<1x78x128xi32, #tpu.memory_space<hbm>> -> memref<78x128xi32, #tpu.memory_space<hbm>>
      %dma_wait3A_127 = arith.constant 0 : i32
      %dma_wait3A_128 = arith.constant 0 : i32
      %dma_wait3A_129 = tpu.memref_slice %arg7[%dma_wait3A_127, %dma_wait3A_128] : memref<79x128xi32, #tpu.memory_space<vmem>> -> memref<78x128xi32, #tpu.memory_space<vmem>>
      %dma_wait3A_130 = arith.constant 0 : i32
      %dma_wait3A_131 = tpu.memref_slice %arg3[%run_scoped3A_7, %add3A_6, %dma_wait3A_130] : memref<2x2500x128xi32, #tpu.memory_space<hbm>> -> memref<1x78x128xi32, #tpu.memory_space<hbm>>
      %dma_wait3A_132 = tpu.memref_squeeze %dma_wait3A_131 : memref<1x78x128xi32, #tpu.memory_space<hbm>> -> memref<78x128xi32, #tpu.memory_space<hbm>>
      tpu.wait_dma2 semaphore(%run_scoped3A_109 : memref<!tpu.dma_semaphore, #tpu.memory_space<semaphore_mem>>) src(%dma_wait3A_132 : memref<78x128xi32, #tpu.memory_space<hbm>>) dst(%dma_wait3A_129 : memref<78x128xi32, #tpu.memory_space<vmem>>)
      tpu.yield
    }) : () -> ()
    %lt3A = arith.constant 4 : i32
    %lt3A_8 = arith.cmpi slt, %add3A, %lt3A : i32
    %convert_element_type3A = arith.extui %lt3A_8 : i1 to i32
    %cond3A = arith.constant 0 : i32
    %cond3A_9 = arith.cmpi ne, %convert_element_type3A, %cond3A : i32
    scf.if %cond3A_9 {
      %add3A_109 = arith.constant 78 : i32
      %add3A_110 = arith.addi %add3A_6, %add3A_109 : i32
      %run_scoped3A_111 = arith.constant 0 : i32
      %run_scoped3A_112 = arith.constant 78 : i32
      "tpu.region"() ({
        %run_scoped3A_117 = tpu.sem_alloc : memref<!tpu.dma_semaphore, #tpu.memory_space<semaphore_mem>>
        %dma_start3A_118 = arith.constant 0 : i32
        %dma_start3A_119 = tpu.memref_slice %arg6[%run_scoped3A_112, %dma_start3A_118] : memref<79x128xi32, #tpu.memory_space<vmem>> -> memref<1x128xi32, #tpu.memory_space<vmem>>
        %dma_start3A_120 = tpu.memref_squeeze %dma_start3A_119 : memref<1x128xi32, #tpu.memory_space<vmem>> -> memref<128xi32, #tpu.memory_space<vmem>>
        %dma_start3A_121 = arith.constant 0 : i32
        %dma_start3A_122 = tpu.memref_slice %arg3[%run_scoped3A_111, %add3A_110, %dma_start3A_121] : memref<2x2500x128xi32, #tpu.memory_space<hbm>> -> memref<1x1x128xi32, #tpu.memory_space<hbm>>
        %dma_start3A_123 = tpu.memref_squeeze %dma_start3A_122 : memref<1x1x128xi32, #tpu.memory_space<hbm>> -> memref<128xi32, #tpu.memory_space<hbm>>
        %dma_start3A_124 = arith.constant 0 : i32
        %dma_start3A_125 = tpu.memref_slice %arg6[%run_scoped3A_112, %dma_start3A_124] : memref<79x128xi32, #tpu.memory_space<vmem>> -> memref<1x128xi32, #tpu.memory_space<vmem>>
        %dma_start3A_126 = tpu.memref_squeeze %dma_start3A_125 : memref<1x128xi32, #tpu.memory_space<vmem>> -> memref<128xi32, #tpu.memory_space<vmem>>
        %dma_start3A_127 = arith.constant 0 : i32
        %dma_start3A_128 = tpu.memref_slice %arg3[%run_scoped3A_111, %add3A_110, %dma_start3A_127] : memref<2x2500x128xi32, #tpu.memory_space<hbm>> -> memref<1x1x128xi32, #tpu.memory_space<hbm>>
        %dma_start3A_129 = tpu.memref_squeeze %dma_start3A_128 : memref<1x1x128xi32, #tpu.memory_space<hbm>> -> memref<128xi32, #tpu.memory_space<hbm>>
        tpu.enqueue_dma source(%dma_start3A_129 : memref<128xi32, #tpu.memory_space<hbm>>) target(%dma_start3A_126 : memref<128xi32, #tpu.memory_space<vmem>>) target_semaphore(%run_scoped3A_117 : memref<!tpu.dma_semaphore, #tpu.memory_space<semaphore_mem>>)
        %dma_wait3A = arith.constant 0 : i32
        %dma_wait3A_130 = tpu.memref_slice %arg6[%run_scoped3A_112, %dma_wait3A] : memref<79x128xi32, #tpu.memory_space<vmem>> -> memref<1x128xi32, #tpu.memory_space<vmem>>
        %dma_wait3A_131 = tpu.memref_squeeze %dma_wait3A_130 : memref<1x128xi32, #tpu.memory_space<vmem>> -> memref<128xi32, #tpu.memory_space<vmem>>
        %dma_wait3A_132 = arith.constant 0 : i32
        %dma_wait3A_133 = tpu.memref_slice %arg3[%run_scoped3A_111, %add3A_110, %dma_wait3A_132] : memref<2x2500x128xi32, #tpu.memory_space<hbm>> -> memref<1x1x128xi32, #tpu.memory_space<hbm>>
        %dma_wait3A_134 = tpu.memref_squeeze %dma_wait3A_133 : memref<1x1x128xi32, #tpu.memory_space<hbm>> -> memref<128xi32, #tpu.memory_space<hbm>>
        %dma_wait3A_135 = arith.constant 0 : i32
        %dma_wait3A_136 = tpu.memref_slice %arg6[%run_scoped3A_112, %dma_wait3A_135] : memref<79x128xi32, #tpu.memory_space<vmem>> -> memref<1x128xi32, #tpu.memory_space<vmem>>
        %dma_wait3A_137 = tpu.memref_squeeze %dma_wait3A_136 : memref<1x128xi32, #tpu.memory_space<vmem>> -> memref<128xi32, #tpu.memory_space<vmem>>
        %dma_wait3A_138 = arith.constant 0 : i32
        %dma_wait3A_139 = tpu.memref_slice %arg3[%run_scoped3A_111, %add3A_110, %dma_wait3A_138] : memref<2x2500x128xi32, #tpu.memory_space<hbm>> -> memref<1x1x128xi32, #tpu.memory_space<hbm>>
        %dma_wait3A_140 = tpu.memref_squeeze %dma_wait3A_139 : memref<1x1x128xi32, #tpu.memory_space<hbm>> -> memref<128xi32, #tpu.memory_space<hbm>>
        tpu.wait_dma2 semaphore(%run_scoped3A_117 : memref<!tpu.dma_semaphore, #tpu.memory_space<semaphore_mem>>) src(%dma_wait3A_140 : memref<128xi32, #tpu.memory_space<hbm>>) dst(%dma_wait3A_137 : memref<128xi32, #tpu.memory_space<vmem>>)
        tpu.yield
      }) : () -> ()
      %add3A_113 = arith.constant 78 : i32
      %add3A_114 = arith.addi %add3A_6, %add3A_113 : i32
      %run_scoped3A_115 = arith.constant 1 : i32
      %run_scoped3A_116 = arith.constant 78 : i32
      "tpu.region"() ({
        %run_scoped3A_117 = tpu.sem_alloc : memref<!tpu.dma_semaphore, #tpu.memory_space<semaphore_mem>>
        %dma_start3A_118 = arith.constant 0 : i32
        %dma_start3A_119 = tpu.memref_slice %arg7[%run_scoped3A_116, %dma_start3A_118] : memref<79x128xi32, #tpu.memory_space<vmem>> -> memref<1x128xi32, #tpu.memory_space<vmem>>
        %dma_start3A_120 = tpu.memref_squeeze %dma_start3A_119 : memref<1x128xi32, #tpu.memory_space<vmem>> -> memref<128xi32, #tpu.memory_space<vmem>>
        %dma_start3A_121 = arith.constant 0 : i32
        %dma_start3A_122 = tpu.memref_slice %arg3[%run_scoped3A_115, %add3A_114, %dma_start3A_121] : memref<2x2500x128xi32, #tpu.memory_space<hbm>> -> memref<1x1x128xi32, #tpu.memory_space<hbm>>
        %dma_start3A_123 = tpu.memref_squeeze %dma_start3A_122 : memref<1x1x128xi32, #tpu.memory_space<hbm>> -> memref<128xi32, #tpu.memory_space<hbm>>
        %dma_start3A_124 = arith.constant 0 : i32
        %dma_start3A_125 = tpu.memref_slice %arg7[%run_scoped3A_116, %dma_start3A_124] : memref<79x128xi32, #tpu.memory_space<vmem>> -> memref<1x128xi32, #tpu.memory_space<vmem>>
        %dma_start3A_126 = tpu.memref_squeeze %dma_start3A_125 : memref<1x128xi32, #tpu.memory_space<vmem>> -> memref<128xi32, #tpu.memory_space<vmem>>
        %dma_start3A_127 = arith.constant 0 : i32
        %dma_start3A_128 = tpu.memref_slice %arg3[%run_scoped3A_115, %add3A_114, %dma_start3A_127] : memref<2x2500x128xi32, #tpu.memory_space<hbm>> -> memref<1x1x128xi32, #tpu.memory_space<hbm>>
        %dma_start3A_129 = tpu.memref_squeeze %dma_start3A_128 : memref<1x1x128xi32, #tpu.memory_space<hbm>> -> memref<128xi32, #tpu.memory_space<hbm>>
        tpu.enqueue_dma source(%dma_start3A_129 : memref<128xi32, #tpu.memory_space<hbm>>) target(%dma_start3A_126 : memref<128xi32, #tpu.memory_space<vmem>>) target_semaphore(%run_scoped3A_117 : memref<!tpu.dma_semaphore, #tpu.memory_space<semaphore_mem>>)
        %dma_wait3A = arith.constant 0 : i32
        %dma_wait3A_130 = tpu.memref_slice %arg7[%run_scoped3A_116, %dma_wait3A] : memref<79x128xi32, #tpu.memory_space<vmem>> -> memref<1x128xi32, #tpu.memory_space<vmem>>
        %dma_wait3A_131 = tpu.memref_squeeze %dma_wait3A_130 : memref<1x128xi32, #tpu.memory_space<vmem>> -> memref<128xi32, #tpu.memory_space<vmem>>
        %dma_wait3A_132 = arith.constant 0 : i32
        %dma_wait3A_133 = tpu.memref_slice %arg3[%run_scoped3A_115, %add3A_114, %dma_wait3A_132] : memref<2x2500x128xi32, #tpu.memory_space<hbm>> -> memref<1x1x128xi32, #tpu.memory_space<hbm>>
        %dma_wait3A_134 = tpu.memref_squeeze %dma_wait3A_133 : memref<1x1x128xi32, #tpu.memory_space<hbm>> -> memref<128xi32, #tpu.memory_space<hbm>>
        %dma_wait3A_135 = arith.constant 0 : i32
        %dma_wait3A_136 = tpu.memref_slice %arg7[%run_scoped3A_116, %dma_wait3A_135] : memref<79x128xi32, #tpu.memory_space<vmem>> -> memref<1x128xi32, #tpu.memory_space<vmem>>
        %dma_wait3A_137 = tpu.memref_squeeze %dma_wait3A_136 : memref<1x128xi32, #tpu.memory_space<vmem>> -> memref<128xi32, #tpu.memory_space<vmem>>
        %dma_wait3A_138 = arith.constant 0 : i32
        %dma_wait3A_139 = tpu.memref_slice %arg3[%run_scoped3A_115, %add3A_114, %dma_wait3A_138] : memref<2x2500x128xi32, #tpu.memory_space<hbm>> -> memref<1x1x128xi32, #tpu.memory_space<hbm>>
        %dma_wait3A_140 = tpu.memref_squeeze %dma_wait3A_139 : memref<1x1x128xi32, #tpu.memory_space<hbm>> -> memref<128xi32, #tpu.memory_space<hbm>>
        tpu.wait_dma2 semaphore(%run_scoped3A_117 : memref<!tpu.dma_semaphore, #tpu.memory_space<semaphore_mem>>) src(%dma_wait3A_140 : memref<128xi32, #tpu.memory_space<hbm>>) dst(%dma_wait3A_137 : memref<128xi32, #tpu.memory_space<vmem>>)
        tpu.yield
      }) : () -> ()
    } else {
    }
    %barrier3A = arith.constant 0 : index
    tpu.barrier barrier_id(%barrier3A)
    %dma_start3A = arith.constant 0 : i32
    %dma_start3A_10 = arith.constant 0 : i32
    %dma_start3A_11 = arith.constant 0 : i32
    %dma_start3A_12 = arith.constant 0 : i32
    %dma_start3A_13 = arith.constant 0 : i32
    %dma_start3A_14 = tpu.memref_slice %arg8[%dma_start3A_10, %dma_start3A_12, %dma_start3A_13] : memref<6x128x32xf32, #tpu.memory_space<vmem>> -> memref<1x128x32xf32, #tpu.memory_space<vmem>>
    %dma_start3A_15 = tpu.memref_squeeze %dma_start3A_14 : memref<1x128x32xf32, #tpu.memory_space<vmem>> -> memref<128x32xf32, #tpu.memory_space<vmem>>
    %dma_start3A_16 = arith.constant 0 : i32
    %dma_start3A_17 = tpu.memref_slice %arg6[%dma_start3A, %dma_start3A_16] : memref<79x128xi32, #tpu.memory_space<vmem>> -> memref<1x128xi32, #tpu.memory_space<vmem>>
    %dma_start3A_18 = tpu.memref_squeeze %dma_start3A_17 : memref<1x128xi32, #tpu.memory_space<vmem>> -> memref<128xi32, #tpu.memory_space<vmem>>
    %dma_start3A_19 = arith.constant 0 : i32
    %dma_start3A_20 = arith.constant 0 : i32
    %dma_start3A_21 = tpu.memref_slice %arg9[%dma_start3A_19, %dma_start3A_20] : memref<10240x32xf32, #tpu.memory_space<vmem_shared>> -> memref<10240x32xf32, #tpu.memory_space<vmem_shared>>
    %dma_start3A_22 = tpu.memref_slice %arg11[%dma_start3A_11] : memref<6x!tpu.dma_semaphore, #tpu.memory_space<semaphore_mem>> -> memref<1x!tpu.dma_semaphore, #tpu.memory_space<semaphore_mem>>
    %dma_start3A_23 = tpu.memref_squeeze %dma_start3A_22 : memref<1x!tpu.dma_semaphore, #tpu.memory_space<semaphore_mem>> -> memref<!tpu.dma_semaphore, #tpu.memory_space<semaphore_mem>>
    tpu.enqueue_indirect_dma source(%dma_start3A_21 : memref<10240x32xf32, #tpu.memory_space<vmem_shared>>) target(%dma_start3A_15 : memref<128x32xf32, #tpu.memory_space<vmem>>) offsets(%dma_start3A_18 : memref<128xi32, #tpu.memory_space<vmem>>) semaphore(%dma_start3A_23 : memref<!tpu.dma_semaphore, #tpu.memory_space<semaphore_mem>>)
    %dma_start3A_24 = arith.constant 1 : i32
    %dma_start3A_25 = arith.constant 1 : i32
    %dma_start3A_26 = arith.constant 1 : i32
    %dma_start3A_27 = arith.constant 0 : i32
    %dma_start3A_28 = arith.constant 0 : i32
    %dma_start3A_29 = tpu.memref_slice %arg8[%dma_start3A_25, %dma_start3A_27, %dma_start3A_28] : memref<6x128x32xf32, #tpu.memory_space<vmem>> -> memref<1x128x32xf32, #tpu.memory_space<vmem>>
    %dma_start3A_30 = tpu.memref_squeeze %dma_start3A_29 : memref<1x128x32xf32, #tpu.memory_space<vmem>> -> memref<128x32xf32, #tpu.memory_space<vmem>>
    %dma_start3A_31 = arith.constant 0 : i32
    %dma_start3A_32 = tpu.memref_slice %arg6[%dma_start3A_24, %dma_start3A_31] : memref<79x128xi32, #tpu.memory_space<vmem>> -> memref<1x128xi32, #tpu.memory_space<vmem>>
    %dma_start3A_33 = tpu.memref_squeeze %dma_start3A_32 : memref<1x128xi32, #tpu.memory_space<vmem>> -> memref<128xi32, #tpu.memory_space<vmem>>
    %dma_start3A_34 = arith.constant 0 : i32
    %dma_start3A_35 = arith.constant 0 : i32
    %dma_start3A_36 = tpu.memref_slice %arg9[%dma_start3A_34, %dma_start3A_35] : memref<10240x32xf32, #tpu.memory_space<vmem_shared>> -> memref<10240x32xf32, #tpu.memory_space<vmem_shared>>
    %dma_start3A_37 = tpu.memref_slice %arg11[%dma_start3A_26] : memref<6x!tpu.dma_semaphore, #tpu.memory_space<semaphore_mem>> -> memref<1x!tpu.dma_semaphore, #tpu.memory_space<semaphore_mem>>
    %dma_start3A_38 = tpu.memref_squeeze %dma_start3A_37 : memref<1x!tpu.dma_semaphore, #tpu.memory_space<semaphore_mem>> -> memref<!tpu.dma_semaphore, #tpu.memory_space<semaphore_mem>>
    tpu.enqueue_indirect_dma source(%dma_start3A_36 : memref<10240x32xf32, #tpu.memory_space<vmem_shared>>) target(%dma_start3A_30 : memref<128x32xf32, #tpu.memory_space<vmem>>) offsets(%dma_start3A_33 : memref<128xi32, #tpu.memory_space<vmem>>) semaphore(%dma_start3A_38 : memref<!tpu.dma_semaphore, #tpu.memory_space<semaphore_mem>>)
    %dma_start3A_39 = arith.constant 2 : i32
    %dma_start3A_40 = arith.constant 2 : i32
    %dma_start3A_41 = arith.constant 2 : i32
    %dma_start3A_42 = arith.constant 0 : i32
    %dma_start3A_43 = arith.constant 0 : i32
    %dma_start3A_44 = tpu.memref_slice %arg8[%dma_start3A_40, %dma_start3A_42, %dma_start3A_43] : memref<6x128x32xf32, #tpu.memory_space<vmem>> -> memref<1x128x32xf32, #tpu.memory_space<vmem>>
    %dma_start3A_45 = tpu.memref_squeeze %dma_start3A_44 : memref<1x128x32xf32, #tpu.memory_space<vmem>> -> memref<128x32xf32, #tpu.memory_space<vmem>>
    %dma_start3A_46 = arith.constant 0 : i32
    %dma_start3A_47 = tpu.memref_slice %arg6[%dma_start3A_39, %dma_start3A_46] : memref<79x128xi32, #tpu.memory_space<vmem>> -> memref<1x128xi32, #tpu.memory_space<vmem>>
    %dma_start3A_48 = tpu.memref_squeeze %dma_start3A_47 : memref<1x128xi32, #tpu.memory_space<vmem>> -> memref<128xi32, #tpu.memory_space<vmem>>
    %dma_start3A_49 = arith.constant 0 : i32
    %dma_start3A_50 = arith.constant 0 : i32
    %dma_start3A_51 = tpu.memref_slice %arg9[%dma_start3A_49, %dma_start3A_50] : memref<10240x32xf32, #tpu.memory_space<vmem_shared>> -> memref<10240x32xf32, #tpu.memory_space<vmem_shared>>
    %dma_start3A_52 = tpu.memref_slice %arg11[%dma_start3A_41] : memref<6x!tpu.dma_semaphore, #tpu.memory_space<semaphore_mem>> -> memref<1x!tpu.dma_semaphore, #tpu.memory_space<semaphore_mem>>
    %dma_start3A_53 = tpu.memref_squeeze %dma_start3A_52 : memref<1x!tpu.dma_semaphore, #tpu.memory_space<semaphore_mem>> -> memref<!tpu.dma_semaphore, #tpu.memory_space<semaphore_mem>>
    tpu.enqueue_indirect_dma source(%dma_start3A_51 : memref<10240x32xf32, #tpu.memory_space<vmem_shared>>) target(%dma_start3A_45 : memref<128x32xf32, #tpu.memory_space<vmem>>) offsets(%dma_start3A_48 : memref<128xi32, #tpu.memory_space<vmem>>) semaphore(%dma_start3A_53 : memref<!tpu.dma_semaphore, #tpu.memory_space<semaphore_mem>>)
    %dma_start3A_54 = arith.constant 3 : i32
    %dma_start3A_55 = arith.constant 3 : i32
    %dma_start3A_56 = arith.constant 3 : i32
    %dma_start3A_57 = arith.constant 0 : i32
    %dma_start3A_58 = arith.constant 0 : i32
    %dma_start3A_59 = tpu.memref_slice %arg8[%dma_start3A_55, %dma_start3A_57, %dma_start3A_58] : memref<6x128x32xf32, #tpu.memory_space<vmem>> -> memref<1x128x32xf32, #tpu.memory_space<vmem>>
    %dma_start3A_60 = tpu.memref_squeeze %dma_start3A_59 : memref<1x128x32xf32, #tpu.memory_space<vmem>> -> memref<128x32xf32, #tpu.memory_space<vmem>>
    %dma_start3A_61 = arith.constant 0 : i32
    %dma_start3A_62 = tpu.memref_slice %arg6[%dma_start3A_54, %dma_start3A_61] : memref<79x128xi32, #tpu.memory_space<vmem>> -> memref<1x128xi32, #tpu.memory_space<vmem>>
    %dma_start3A_63 = tpu.memref_squeeze %dma_start3A_62 : memref<1x128xi32, #tpu.memory_space<vmem>> -> memref<128xi32, #tpu.memory_space<vmem>>
    %dma_start3A_64 = arith.constant 0 : i32
    %dma_start3A_65 = arith.constant 0 : i32
    %dma_start3A_66 = tpu.memref_slice %arg9[%dma_start3A_64, %dma_start3A_65] : memref<10240x32xf32, #tpu.memory_space<vmem_shared>> -> memref<10240x32xf32, #tpu.memory_space<vmem_shared>>
    %dma_start3A_67 = tpu.memref_slice %arg11[%dma_start3A_56] : memref<6x!tpu.dma_semaphore, #tpu.memory_space<semaphore_mem>> -> memref<1x!tpu.dma_semaphore, #tpu.memory_space<semaphore_mem>>
    %dma_start3A_68 = tpu.memref_squeeze %dma_start3A_67 : memref<1x!tpu.dma_semaphore, #tpu.memory_space<semaphore_mem>> -> memref<!tpu.dma_semaphore, #tpu.memory_space<semaphore_mem>>
    tpu.enqueue_indirect_dma source(%dma_start3A_66 : memref<10240x32xf32, #tpu.memory_space<vmem_shared>>) target(%dma_start3A_60 : memref<128x32xf32, #tpu.memory_space<vmem>>) offsets(%dma_start3A_63 : memref<128xi32, #tpu.memory_space<vmem>>) semaphore(%dma_start3A_68 : memref<!tpu.dma_semaphore, #tpu.memory_space<semaphore_mem>>)
    %dma_start3A_69 = arith.constant 4 : i32
    %dma_start3A_70 = arith.constant 4 : i32
    %dma_start3A_71 = arith.constant 4 : i32
    %dma_start3A_72 = arith.constant 0 : i32
    %dma_start3A_73 = arith.constant 0 : i32
    %dma_start3A_74 = tpu.memref_slice %arg8[%dma_start3A_70, %dma_start3A_72, %dma_start3A_73] : memref<6x128x32xf32, #tpu.memory_space<vmem>> -> memref<1x128x32xf32, #tpu.memory_space<vmem>>
    %dma_start3A_75 = tpu.memref_squeeze %dma_start3A_74 : memref<1x128x32xf32, #tpu.memory_space<vmem>> -> memref<128x32xf32, #tpu.memory_space<vmem>>
    %dma_start3A_76 = arith.constant 0 : i32
    %dma_start3A_77 = tpu.memref_slice %arg6[%dma_start3A_69, %dma_start3A_76] : memref<79x128xi32, #tpu.memory_space<vmem>> -> memref<1x128xi32, #tpu.memory_space<vmem>>
    %dma_start3A_78 = tpu.memref_squeeze %dma_start3A_77 : memref<1x128xi32, #tpu.memory_space<vmem>> -> memref<128xi32, #tpu.memory_space<vmem>>
    %dma_start3A_79 = arith.constant 0 : i32
    %dma_start3A_80 = arith.constant 0 : i32
    %dma_start3A_81 = tpu.memref_slice %arg9[%dma_start3A_79, %dma_start3A_80] : memref<10240x32xf32, #tpu.memory_space<vmem_shared>> -> memref<10240x32xf32, #tpu.memory_space<vmem_shared>>
    %dma_start3A_82 = tpu.memref_slice %arg11[%dma_start3A_71] : memref<6x!tpu.dma_semaphore, #tpu.memory_space<semaphore_mem>> -> memref<1x!tpu.dma_semaphore, #tpu.memory_space<semaphore_mem>>
    %dma_start3A_83 = tpu.memref_squeeze %dma_start3A_82 : memref<1x!tpu.dma_semaphore, #tpu.memory_space<semaphore_mem>> -> memref<!tpu.dma_semaphore, #tpu.memory_space<semaphore_mem>>
    tpu.enqueue_indirect_dma source(%dma_start3A_81 : memref<10240x32xf32, #tpu.memory_space<vmem_shared>>) target(%dma_start3A_75 : memref<128x32xf32, #tpu.memory_space<vmem>>) offsets(%dma_start3A_78 : memref<128xi32, #tpu.memory_space<vmem>>) semaphore(%dma_start3A_83 : memref<!tpu.dma_semaphore, #tpu.memory_space<semaphore_mem>>)
    %dma_start3A_84 = arith.constant 5 : i32
    %dma_start3A_85 = arith.constant 5 : i32
    %dma_start3A_86 = arith.constant 5 : i32
    %dma_start3A_87 = arith.constant 0 : i32
    %dma_start3A_88 = arith.constant 0 : i32
    %dma_start3A_89 = tpu.memref_slice %arg8[%dma_start3A_85, %dma_start3A_87, %dma_start3A_88] : memref<6x128x32xf32, #tpu.memory_space<vmem>> -> memref<1x128x32xf32, #tpu.memory_space<vmem>>
    %dma_start3A_90 = tpu.memref_squeeze %dma_start3A_89 : memref<1x128x32xf32, #tpu.memory_space<vmem>> -> memref<128x32xf32, #tpu.memory_space<vmem>>
    %dma_start3A_91 = arith.constant 0 : i32
    %dma_start3A_92 = tpu.memref_slice %arg6[%dma_start3A_84, %dma_start3A_91] : memref<79x128xi32, #tpu.memory_space<vmem>> -> memref<1x128xi32, #tpu.memory_space<vmem>>
    %dma_start3A_93 = tpu.memref_squeeze %dma_start3A_92 : memref<1x128xi32, #tpu.memory_space<vmem>> -> memref<128xi32, #tpu.memory_space<vmem>>
    %dma_start3A_94 = arith.constant 0 : i32
    %dma_start3A_95 = arith.constant 0 : i32
    %dma_start3A_96 = tpu.memref_slice %arg9[%dma_start3A_94, %dma_start3A_95] : memref<10240x32xf32, #tpu.memory_space<vmem_shared>> -> memref<10240x32xf32, #tpu.memory_space<vmem_shared>>
    %dma_start3A_97 = tpu.memref_slice %arg11[%dma_start3A_86] : memref<6x!tpu.dma_semaphore, #tpu.memory_space<semaphore_mem>> -> memref<1x!tpu.dma_semaphore, #tpu.memory_space<semaphore_mem>>
    %dma_start3A_98 = tpu.memref_squeeze %dma_start3A_97 : memref<1x!tpu.dma_semaphore, #tpu.memory_space<semaphore_mem>> -> memref<!tpu.dma_semaphore, #tpu.memory_space<semaphore_mem>>
    tpu.enqueue_indirect_dma source(%dma_start3A_96 : memref<10240x32xf32, #tpu.memory_space<vmem_shared>>) target(%dma_start3A_90 : memref<128x32xf32, #tpu.memory_space<vmem>>) offsets(%dma_start3A_93 : memref<128xi32, #tpu.memory_space<vmem>>) semaphore(%dma_start3A_98 : memref<!tpu.dma_semaphore, #tpu.memory_space<semaphore_mem>>)
    %scan3A = arith.constant 0 : i32
    %scan3A_99 = arith.constant 13 : i32
    %scan3A_100 = arith.addi %scan3A, %scan3A_99 : i32
    %scan3A_101 = arith.constant 1 : i32
    scf.for %scan3A_109 = %scan3A to %scan3A_100 step %scan3A_101  : i32 {
      %mul3A_110 = arith.constant 1 : i32
      %mul3A_111 = arith.muli %scan3A_109, %mul3A_110 : i32
      %add3A_112 = arith.constant 0 : i32
      %add3A_113 = arith.addi %add3A_112, %mul3A_111 : i32
      %mul3A_114 = arith.constant 6 : i32
      %mul3A_115 = arith.muli %add3A_113, %mul3A_114 : i32
      %add3A_116 = arith.constant 0 : i32
      %add3A_117 = arith.addi %mul3A_115, %add3A_116 : i32
      %dma_wait3A = arith.constant 0 : i32
      %dma_wait3A_118 = arith.constant 0 : i32
      %dma_wait3A_119 = arith.constant 0 : i32
      %dma_wait3A_120 = arith.constant 0 : i32
      %dma_wait3A_121 = tpu.memref_slice %arg8[%dma_wait3A, %dma_wait3A_119, %dma_wait3A_120] : memref<6x128x32xf32, #tpu.memory_space<vmem>> -> memref<1x128x32xf32, #tpu.memory_space<vmem>>
      %dma_wait3A_122 = tpu.memref_squeeze %dma_wait3A_121 : memref<1x128x32xf32, #tpu.memory_space<vmem>> -> memref<128x32xf32, #tpu.memory_space<vmem>>
      %dma_wait3A_123 = arith.constant 0 : i32
      %dma_wait3A_124 = tpu.memref_slice %arg6[%add3A_117, %dma_wait3A_123] : memref<79x128xi32, #tpu.memory_space<vmem>> -> memref<1x128xi32, #tpu.memory_space<vmem>>
      %dma_wait3A_125 = tpu.memref_squeeze %dma_wait3A_124 : memref<1x128xi32, #tpu.memory_space<vmem>> -> memref<128xi32, #tpu.memory_space<vmem>>
      %dma_wait3A_126 = arith.constant 0 : i32
      %dma_wait3A_127 = arith.constant 0 : i32
      %dma_wait3A_128 = tpu.memref_slice %arg9[%dma_wait3A_126, %dma_wait3A_127] : memref<10240x32xf32, #tpu.memory_space<vmem_shared>> -> memref<10240x32xf32, #tpu.memory_space<vmem_shared>>
      %dma_wait3A_129 = tpu.memref_slice %arg11[%dma_wait3A_118] : memref<6x!tpu.dma_semaphore, #tpu.memory_space<semaphore_mem>> -> memref<1x!tpu.dma_semaphore, #tpu.memory_space<semaphore_mem>>
      %dma_wait3A_130 = tpu.memref_squeeze %dma_wait3A_129 : memref<1x!tpu.dma_semaphore, #tpu.memory_space<semaphore_mem>> -> memref<!tpu.dma_semaphore, #tpu.memory_space<semaphore_mem>>
      tpu.wait_indirect_dma semaphore(%dma_wait3A_130 : memref<!tpu.dma_semaphore, #tpu.memory_space<semaphore_mem>>) src(%dma_wait3A_128 : memref<10240x32xf32, #tpu.memory_space<vmem_shared>>) dst(%dma_wait3A_122 : memref<128x32xf32, #tpu.memory_space<vmem>>)
      %add3A_131 = arith.constant 0 : i32
      %add3A_132 = arith.addi %mul3A_115, %add3A_131 : i32
      %dma_start3A_133 = arith.constant 0 : i32
      %dma_start3A_134 = arith.constant 0 : i32
      %dma_start3A_135 = arith.constant 0 : i32
      %dma_start3A_136 = arith.constant 0 : i32
      %dma_start3A_137 = tpu.memref_slice %arg8[%dma_start3A_133, %dma_start3A_135, %dma_start3A_136] : memref<6x128x32xf32, #tpu.memory_space<vmem>> -> memref<1x128x32xf32, #tpu.memory_space<vmem>>
      %dma_start3A_138 = tpu.memref_squeeze %dma_start3A_137 : memref<1x128x32xf32, #tpu.memory_space<vmem>> -> memref<128x32xf32, #tpu.memory_space<vmem>>
      %dma_start3A_139 = arith.constant 0 : i32
      %dma_start3A_140 = tpu.memref_slice %arg7[%add3A_132, %dma_start3A_139] : memref<79x128xi32, #tpu.memory_space<vmem>> -> memref<1x128xi32, #tpu.memory_space<vmem>>
      %dma_start3A_141 = tpu.memref_squeeze %dma_start3A_140 : memref<1x128xi32, #tpu.memory_space<vmem>> -> memref<128xi32, #tpu.memory_space<vmem>>
      %dma_start3A_142 = arith.constant 0 : i32
      %dma_start3A_143 = arith.constant 0 : i32
      %dma_start3A_144 = tpu.memref_slice %arg10[%dma_start3A_142, %dma_start3A_143] : memref<10240x32xf32, #tpu.memory_space<vmem_shared>> -> memref<10240x32xf32, #tpu.memory_space<vmem_shared>>
      %dma_start3A_145 = tpu.memref_slice %arg12[%dma_start3A_134] : memref<6x!tpu.dma_semaphore, #tpu.memory_space<semaphore_mem>> -> memref<1x!tpu.dma_semaphore, #tpu.memory_space<semaphore_mem>>
      %dma_start3A_146 = tpu.memref_squeeze %dma_start3A_145 : memref<1x!tpu.dma_semaphore, #tpu.memory_space<semaphore_mem>> -> memref<!tpu.dma_semaphore, #tpu.memory_space<semaphore_mem>>
      tpu.enqueue_indirect_dma source(%dma_start3A_138 : memref<128x32xf32, #tpu.memory_space<vmem>>) target(%dma_start3A_144 : memref<10240x32xf32, #tpu.memory_space<vmem_shared>>) offsets(%dma_start3A_141 : memref<128xi32, #tpu.memory_space<vmem>>) semaphore(%dma_start3A_146 : memref<!tpu.dma_semaphore, #tpu.memory_space<semaphore_mem>>) {add = true}
      %add3A_147 = arith.constant 0 : i32
      %add3A_148 = arith.addi %mul3A_115, %add3A_147 : i32
      %dma_wait3A_149 = arith.constant 0 : i32
      %dma_wait3A_150 = arith.constant 0 : i32
      %dma_wait3A_151 = arith.constant 0 : i32
      %dma_wait3A_152 = arith.constant 0 : i32
      %dma_wait3A_153 = tpu.memref_slice %arg8[%dma_wait3A_149, %dma_wait3A_151, %dma_wait3A_152] : memref<6x128x32xf32, #tpu.memory_space<vmem>> -> memref<1x128x32xf32, #tpu.memory_space<vmem>>
      %dma_wait3A_154 = tpu.memref_squeeze %dma_wait3A_153 : memref<1x128x32xf32, #tpu.memory_space<vmem>> -> memref<128x32xf32, #tpu.memory_space<vmem>>
      %dma_wait3A_155 = arith.constant 0 : i32
      %dma_wait3A_156 = tpu.memref_slice %arg7[%add3A_148, %dma_wait3A_155] : memref<79x128xi32, #tpu.memory_space<vmem>> -> memref<1x128xi32, #tpu.memory_space<vmem>>
      %dma_wait3A_157 = tpu.memref_squeeze %dma_wait3A_156 : memref<1x128xi32, #tpu.memory_space<vmem>> -> memref<128xi32, #tpu.memory_space<vmem>>
      %dma_wait3A_158 = arith.constant 0 : i32
      %dma_wait3A_159 = arith.constant 0 : i32
      %dma_wait3A_160 = tpu.memref_slice %arg10[%dma_wait3A_158, %dma_wait3A_159] : memref<10240x32xf32, #tpu.memory_space<vmem_shared>> -> memref<10240x32xf32, #tpu.memory_space<vmem_shared>>
      %dma_wait3A_161 = tpu.memref_slice %arg12[%dma_wait3A_150] : memref<6x!tpu.dma_semaphore, #tpu.memory_space<semaphore_mem>> -> memref<1x!tpu.dma_semaphore, #tpu.memory_space<semaphore_mem>>
      %dma_wait3A_162 = tpu.memref_squeeze %dma_wait3A_161 : memref<1x!tpu.dma_semaphore, #tpu.memory_space<semaphore_mem>> -> memref<!tpu.dma_semaphore, #tpu.memory_space<semaphore_mem>>
      tpu.wait_indirect_dma semaphore(%dma_wait3A_162 : memref<!tpu.dma_semaphore, #tpu.memory_space<semaphore_mem>>) src(%dma_wait3A_154 : memref<128x32xf32, #tpu.memory_space<vmem>>) dst(%dma_wait3A_160 : memref<10240x32xf32, #tpu.memory_space<vmem_shared>>)
      %lt3A_163 = arith.constant 12 : i32
      %lt3A_164 = arith.cmpi slt, %add3A_113, %lt3A_163 : i32
      %convert_element_type3A_165 = arith.extui %lt3A_164 : i1 to i32
      %cond3A_166 = arith.constant 0 : i32
      %cond3A_167 = arith.cmpi ne, %convert_element_type3A_165, %cond3A_166 : i32
      scf.if %cond3A_167 {
        %add3A_433 = arith.constant 6 : i32
        %add3A_434 = arith.addi %mul3A_115, %add3A_433 : i32
        %add3A_435 = arith.constant 0 : i32
        %add3A_436 = arith.addi %add3A_434, %add3A_435 : i32
        %dma_start3A_437 = arith.constant 0 : i32
        %dma_start3A_438 = arith.constant 0 : i32
        %dma_start3A_439 = arith.constant 0 : i32
        %dma_start3A_440 = arith.constant 0 : i32
        %dma_start3A_441 = tpu.memref_slice %arg8[%dma_start3A_437, %dma_start3A_439, %dma_start3A_440] : memref<6x128x32xf32, #tpu.memory_space<vmem>> -> memref<1x128x32xf32, #tpu.memory_space<vmem>>
        %dma_start3A_442 = tpu.memref_squeeze %dma_start3A_441 : memref<1x128x32xf32, #tpu.memory_space<vmem>> -> memref<128x32xf32, #tpu.memory_space<vmem>>
        %dma_start3A_443 = arith.constant 0 : i32
        %dma_start3A_444 = tpu.memref_slice %arg6[%add3A_436, %dma_start3A_443] : memref<79x128xi32, #tpu.memory_space<vmem>> -> memref<1x128xi32, #tpu.memory_space<vmem>>
        %dma_start3A_445 = tpu.memref_squeeze %dma_start3A_444 : memref<1x128xi32, #tpu.memory_space<vmem>> -> memref<128xi32, #tpu.memory_space<vmem>>
        %dma_start3A_446 = arith.constant 0 : i32
        %dma_start3A_447 = arith.constant 0 : i32
        %dma_start3A_448 = tpu.memref_slice %arg9[%dma_start3A_446, %dma_start3A_447] : memref<10240x32xf32, #tpu.memory_space<vmem_shared>> -> memref<10240x32xf32, #tpu.memory_space<vmem_shared>>
        %dma_start3A_449 = tpu.memref_slice %arg11[%dma_start3A_438] : memref<6x!tpu.dma_semaphore, #tpu.memory_space<semaphore_mem>> -> memref<1x!tpu.dma_semaphore, #tpu.memory_space<semaphore_mem>>
        %dma_start3A_450 = tpu.memref_squeeze %dma_start3A_449 : memref<1x!tpu.dma_semaphore, #tpu.memory_space<semaphore_mem>> -> memref<!tpu.dma_semaphore, #tpu.memory_space<semaphore_mem>>
        tpu.enqueue_indirect_dma source(%dma_start3A_448 : memref<10240x32xf32, #tpu.memory_space<vmem_shared>>) target(%dma_start3A_442 : memref<128x32xf32, #tpu.memory_space<vmem>>) offsets(%dma_start3A_445 : memref<128xi32, #tpu.memory_space<vmem>>) semaphore(%dma_start3A_450 : memref<!tpu.dma_semaphore, #tpu.memory_space<semaphore_mem>>)
      } else {
      }
      %add3A_168 = arith.constant 1 : i32
      %add3A_169 = arith.addi %mul3A_115, %add3A_168 : i32
      %dma_wait3A_170 = arith.constant 1 : i32
      %dma_wait3A_171 = arith.constant 1 : i32
      %dma_wait3A_172 = arith.constant 0 : i32
      %dma_wait3A_173 = arith.constant 0 : i32
      %dma_wait3A_174 = tpu.memref_slice %arg8[%dma_wait3A_170, %dma_wait3A_172, %dma_wait3A_173] : memref<6x128x32xf32, #tpu.memory_space<vmem>> -> memref<1x128x32xf32, #tpu.memory_space<vmem>>
      %dma_wait3A_175 = tpu.memref_squeeze %dma_wait3A_174 : memref<1x128x32xf32, #tpu.memory_space<vmem>> -> memref<128x32xf32, #tpu.memory_space<vmem>>
      %dma_wait3A_176 = arith.constant 0 : i32
      %dma_wait3A_177 = tpu.memref_slice %arg6[%add3A_169, %dma_wait3A_176] : memref<79x128xi32, #tpu.memory_space<vmem>> -> memref<1x128xi32, #tpu.memory_space<vmem>>
      %dma_wait3A_178 = tpu.memref_squeeze %dma_wait3A_177 : memref<1x128xi32, #tpu.memory_space<vmem>> -> memref<128xi32, #tpu.memory_space<vmem>>
      %dma_wait3A_179 = arith.constant 0 : i32
      %dma_wait3A_180 = arith.constant 0 : i32
      %dma_wait3A_181 = tpu.memref_slice %arg9[%dma_wait3A_179, %dma_wait3A_180] : memref<10240x32xf32, #tpu.memory_space<vmem_shared>> -> memref<10240x32xf32, #tpu.memory_space<vmem_shared>>
      %dma_wait3A_182 = tpu.memref_slice %arg11[%dma_wait3A_171] : memref<6x!tpu.dma_semaphore, #tpu.memory_space<semaphore_mem>> -> memref<1x!tpu.dma_semaphore, #tpu.memory_space<semaphore_mem>>
      %dma_wait3A_183 = tpu.memref_squeeze %dma_wait3A_182 : memref<1x!tpu.dma_semaphore, #tpu.memory_space<semaphore_mem>> -> memref<!tpu.dma_semaphore, #tpu.memory_space<semaphore_mem>>
      tpu.wait_indirect_dma semaphore(%dma_wait3A_183 : memref<!tpu.dma_semaphore, #tpu.memory_space<semaphore_mem>>) src(%dma_wait3A_181 : memref<10240x32xf32, #tpu.memory_space<vmem_shared>>) dst(%dma_wait3A_175 : memref<128x32xf32, #tpu.memory_space<vmem>>)
      %add3A_184 = arith.constant 1 : i32
      %add3A_185 = arith.addi %mul3A_115, %add3A_184 : i32
      %dma_start3A_186 = arith.constant 1 : i32
      %dma_start3A_187 = arith.constant 1 : i32
      %dma_start3A_188 = arith.constant 0 : i32
      %dma_start3A_189 = arith.constant 0 : i32
      %dma_start3A_190 = tpu.memref_slice %arg8[%dma_start3A_186, %dma_start3A_188, %dma_start3A_189] : memref<6x128x32xf32, #tpu.memory_space<vmem>> -> memref<1x128x32xf32, #tpu.memory_space<vmem>>
      %dma_start3A_191 = tpu.memref_squeeze %dma_start3A_190 : memref<1x128x32xf32, #tpu.memory_space<vmem>> -> memref<128x32xf32, #tpu.memory_space<vmem>>
      %dma_start3A_192 = arith.constant 0 : i32
      %dma_start3A_193 = tpu.memref_slice %arg7[%add3A_185, %dma_start3A_192] : memref<79x128xi32, #tpu.memory_space<vmem>> -> memref<1x128xi32, #tpu.memory_space<vmem>>
      %dma_start3A_194 = tpu.memref_squeeze %dma_start3A_193 : memref<1x128xi32, #tpu.memory_space<vmem>> -> memref<128xi32, #tpu.memory_space<vmem>>
      %dma_start3A_195 = arith.constant 0 : i32
      %dma_start3A_196 = arith.constant 0 : i32
      %dma_start3A_197 = tpu.memref_slice %arg10[%dma_start3A_195, %dma_start3A_196] : memref<10240x32xf32, #tpu.memory_space<vmem_shared>> -> memref<10240x32xf32, #tpu.memory_space<vmem_shared>>
      %dma_start3A_198 = tpu.memref_slice %arg12[%dma_start3A_187] : memref<6x!tpu.dma_semaphore, #tpu.memory_space<semaphore_mem>> -> memref<1x!tpu.dma_semaphore, #tpu.memory_space<semaphore_mem>>
      %dma_start3A_199 = tpu.memref_squeeze %dma_start3A_198 : memref<1x!tpu.dma_semaphore, #tpu.memory_space<semaphore_mem>> -> memref<!tpu.dma_semaphore, #tpu.memory_space<semaphore_mem>>
      tpu.enqueue_indirect_dma source(%dma_start3A_191 : memref<128x32xf32, #tpu.memory_space<vmem>>) target(%dma_start3A_197 : memref<10240x32xf32, #tpu.memory_space<vmem_shared>>) offsets(%dma_start3A_194 : memref<128xi32, #tpu.memory_space<vmem>>) semaphore(%dma_start3A_199 : memref<!tpu.dma_semaphore, #tpu.memory_space<semaphore_mem>>) {add = true}
      %add3A_200 = arith.constant 1 : i32
      %add3A_201 = arith.addi %mul3A_115, %add3A_200 : i32
      %dma_wait3A_202 = arith.constant 1 : i32
      %dma_wait3A_203 = arith.constant 1 : i32
      %dma_wait3A_204 = arith.constant 0 : i32
      %dma_wait3A_205 = arith.constant 0 : i32
      %dma_wait3A_206 = tpu.memref_slice %arg8[%dma_wait3A_202, %dma_wait3A_204, %dma_wait3A_205] : memref<6x128x32xf32, #tpu.memory_space<vmem>> -> memref<1x128x32xf32, #tpu.memory_space<vmem>>
      %dma_wait3A_207 = tpu.memref_squeeze %dma_wait3A_206 : memref<1x128x32xf32, #tpu.memory_space<vmem>> -> memref<128x32xf32, #tpu.memory_space<vmem>>
      %dma_wait3A_208 = arith.constant 0 : i32
      %dma_wait3A_209 = tpu.memref_slice %arg7[%add3A_201, %dma_wait3A_208] : memref<79x128xi32, #tpu.memory_space<vmem>> -> memref<1x128xi32, #tpu.memory_space<vmem>>
      %dma_wait3A_210 = tpu.memref_squeeze %dma_wait3A_209 : memref<1x128xi32, #tpu.memory_space<vmem>> -> memref<128xi32, #tpu.memory_space<vmem>>
      %dma_wait3A_211 = arith.constant 0 : i32
      %dma_wait3A_212 = arith.constant 0 : i32
      %dma_wait3A_213 = tpu.memref_slice %arg10[%dma_wait3A_211, %dma_wait3A_212] : memref<10240x32xf32, #tpu.memory_space<vmem_shared>> -> memref<10240x32xf32, #tpu.memory_space<vmem_shared>>
      %dma_wait3A_214 = tpu.memref_slice %arg12[%dma_wait3A_203] : memref<6x!tpu.dma_semaphore, #tpu.memory_space<semaphore_mem>> -> memref<1x!tpu.dma_semaphore, #tpu.memory_space<semaphore_mem>>
      %dma_wait3A_215 = tpu.memref_squeeze %dma_wait3A_214 : memref<1x!tpu.dma_semaphore, #tpu.memory_space<semaphore_mem>> -> memref<!tpu.dma_semaphore, #tpu.memory_space<semaphore_mem>>
      tpu.wait_indirect_dma semaphore(%dma_wait3A_215 : memref<!tpu.dma_semaphore, #tpu.memory_space<semaphore_mem>>) src(%dma_wait3A_207 : memref<128x32xf32, #tpu.memory_space<vmem>>) dst(%dma_wait3A_213 : memref<10240x32xf32, #tpu.memory_space<vmem_shared>>)
      %lt3A_216 = arith.constant 12 : i32
      %lt3A_217 = arith.cmpi slt, %add3A_113, %lt3A_216 : i32
      %convert_element_type3A_218 = arith.extui %lt3A_217 : i1 to i32
      %cond3A_219 = arith.constant 0 : i32
      %cond3A_220 = arith.cmpi ne, %convert_element_type3A_218, %cond3A_219 : i32
      scf.if %cond3A_220 {
        %add3A_433 = arith.constant 6 : i32
        %add3A_434 = arith.addi %mul3A_115, %add3A_433 : i32
        %add3A_435 = arith.constant 1 : i32
        %add3A_436 = arith.addi %add3A_434, %add3A_435 : i32
        %dma_start3A_437 = arith.constant 1 : i32
        %dma_start3A_438 = arith.constant 1 : i32
        %dma_start3A_439 = arith.constant 0 : i32
        %dma_start3A_440 = arith.constant 0 : i32
        %dma_start3A_441 = tpu.memref_slice %arg8[%dma_start3A_437, %dma_start3A_439, %dma_start3A_440] : memref<6x128x32xf32, #tpu.memory_space<vmem>> -> memref<1x128x32xf32, #tpu.memory_space<vmem>>
        %dma_start3A_442 = tpu.memref_squeeze %dma_start3A_441 : memref<1x128x32xf32, #tpu.memory_space<vmem>> -> memref<128x32xf32, #tpu.memory_space<vmem>>
        %dma_start3A_443 = arith.constant 0 : i32
        %dma_start3A_444 = tpu.memref_slice %arg6[%add3A_436, %dma_start3A_443] : memref<79x128xi32, #tpu.memory_space<vmem>> -> memref<1x128xi32, #tpu.memory_space<vmem>>
        %dma_start3A_445 = tpu.memref_squeeze %dma_start3A_444 : memref<1x128xi32, #tpu.memory_space<vmem>> -> memref<128xi32, #tpu.memory_space<vmem>>
        %dma_start3A_446 = arith.constant 0 : i32
        %dma_start3A_447 = arith.constant 0 : i32
        %dma_start3A_448 = tpu.memref_slice %arg9[%dma_start3A_446, %dma_start3A_447] : memref<10240x32xf32, #tpu.memory_space<vmem_shared>> -> memref<10240x32xf32, #tpu.memory_space<vmem_shared>>
        %dma_start3A_449 = tpu.memref_slice %arg11[%dma_start3A_438] : memref<6x!tpu.dma_semaphore, #tpu.memory_space<semaphore_mem>> -> memref<1x!tpu.dma_semaphore, #tpu.memory_space<semaphore_mem>>
        %dma_start3A_450 = tpu.memref_squeeze %dma_start3A_449 : memref<1x!tpu.dma_semaphore, #tpu.memory_space<semaphore_mem>> -> memref<!tpu.dma_semaphore, #tpu.memory_space<semaphore_mem>>
        tpu.enqueue_indirect_dma source(%dma_start3A_448 : memref<10240x32xf32, #tpu.memory_space<vmem_shared>>) target(%dma_start3A_442 : memref<128x32xf32, #tpu.memory_space<vmem>>) offsets(%dma_start3A_445 : memref<128xi32, #tpu.memory_space<vmem>>) semaphore(%dma_start3A_450 : memref<!tpu.dma_semaphore, #tpu.memory_space<semaphore_mem>>)
      } else {
      }
      %add3A_221 = arith.constant 2 : i32
      %add3A_222 = arith.addi %mul3A_115, %add3A_221 : i32
      %dma_wait3A_223 = arith.constant 2 : i32
      %dma_wait3A_224 = arith.constant 2 : i32
      %dma_wait3A_225 = arith.constant 0 : i32
      %dma_wait3A_226 = arith.constant 0 : i32
      %dma_wait3A_227 = tpu.memref_slice %arg8[%dma_wait3A_223, %dma_wait3A_225, %dma_wait3A_226] : memref<6x128x32xf32, #tpu.memory_space<vmem>> -> memref<1x128x32xf32, #tpu.memory_space<vmem>>
      %dma_wait3A_228 = tpu.memref_squeeze %dma_wait3A_227 : memref<1x128x32xf32, #tpu.memory_space<vmem>> -> memref<128x32xf32, #tpu.memory_space<vmem>>
      %dma_wait3A_229 = arith.constant 0 : i32
      %dma_wait3A_230 = tpu.memref_slice %arg6[%add3A_222, %dma_wait3A_229] : memref<79x128xi32, #tpu.memory_space<vmem>> -> memref<1x128xi32, #tpu.memory_space<vmem>>
      %dma_wait3A_231 = tpu.memref_squeeze %dma_wait3A_230 : memref<1x128xi32, #tpu.memory_space<vmem>> -> memref<128xi32, #tpu.memory_space<vmem>>
      %dma_wait3A_232 = arith.constant 0 : i32
      %dma_wait3A_233 = arith.constant 0 : i32
      %dma_wait3A_234 = tpu.memref_slice %arg9[%dma_wait3A_232, %dma_wait3A_233] : memref<10240x32xf32, #tpu.memory_space<vmem_shared>> -> memref<10240x32xf32, #tpu.memory_space<vmem_shared>>
      %dma_wait3A_235 = tpu.memref_slice %arg11[%dma_wait3A_224] : memref<6x!tpu.dma_semaphore, #tpu.memory_space<semaphore_mem>> -> memref<1x!tpu.dma_semaphore, #tpu.memory_space<semaphore_mem>>
      %dma_wait3A_236 = tpu.memref_squeeze %dma_wait3A_235 : memref<1x!tpu.dma_semaphore, #tpu.memory_space<semaphore_mem>> -> memref<!tpu.dma_semaphore, #tpu.memory_space<semaphore_mem>>
      tpu.wait_indirect_dma semaphore(%dma_wait3A_236 : memref<!tpu.dma_semaphore, #tpu.memory_space<semaphore_mem>>) src(%dma_wait3A_234 : memref<10240x32xf32, #tpu.memory_space<vmem_shared>>) dst(%dma_wait3A_228 : memref<128x32xf32, #tpu.memory_space<vmem>>)
      %add3A_237 = arith.constant 2 : i32
      %add3A_238 = arith.addi %mul3A_115, %add3A_237 : i32
      %dma_start3A_239 = arith.constant 2 : i32
      %dma_start3A_240 = arith.constant 2 : i32
      %dma_start3A_241 = arith.constant 0 : i32
      %dma_start3A_242 = arith.constant 0 : i32
      %dma_start3A_243 = tpu.memref_slice %arg8[%dma_start3A_239, %dma_start3A_241, %dma_start3A_242] : memref<6x128x32xf32, #tpu.memory_space<vmem>> -> memref<1x128x32xf32, #tpu.memory_space<vmem>>
      %dma_start3A_244 = tpu.memref_squeeze %dma_start3A_243 : memref<1x128x32xf32, #tpu.memory_space<vmem>> -> memref<128x32xf32, #tpu.memory_space<vmem>>
      %dma_start3A_245 = arith.constant 0 : i32
      %dma_start3A_246 = tpu.memref_slice %arg7[%add3A_238, %dma_start3A_245] : memref<79x128xi32, #tpu.memory_space<vmem>> -> memref<1x128xi32, #tpu.memory_space<vmem>>
      %dma_start3A_247 = tpu.memref_squeeze %dma_start3A_246 : memref<1x128xi32, #tpu.memory_space<vmem>> -> memref<128xi32, #tpu.memory_space<vmem>>
      %dma_start3A_248 = arith.constant 0 : i32
      %dma_start3A_249 = arith.constant 0 : i32
      %dma_start3A_250 = tpu.memref_slice %arg10[%dma_start3A_248, %dma_start3A_249] : memref<10240x32xf32, #tpu.memory_space<vmem_shared>> -> memref<10240x32xf32, #tpu.memory_space<vmem_shared>>
      %dma_start3A_251 = tpu.memref_slice %arg12[%dma_start3A_240] : memref<6x!tpu.dma_semaphore, #tpu.memory_space<semaphore_mem>> -> memref<1x!tpu.dma_semaphore, #tpu.memory_space<semaphore_mem>>
      %dma_start3A_252 = tpu.memref_squeeze %dma_start3A_251 : memref<1x!tpu.dma_semaphore, #tpu.memory_space<semaphore_mem>> -> memref<!tpu.dma_semaphore, #tpu.memory_space<semaphore_mem>>
      tpu.enqueue_indirect_dma source(%dma_start3A_244 : memref<128x32xf32, #tpu.memory_space<vmem>>) target(%dma_start3A_250 : memref<10240x32xf32, #tpu.memory_space<vmem_shared>>) offsets(%dma_start3A_247 : memref<128xi32, #tpu.memory_space<vmem>>) semaphore(%dma_start3A_252 : memref<!tpu.dma_semaphore, #tpu.memory_space<semaphore_mem>>) {add = true}
      %add3A_253 = arith.constant 2 : i32
      %add3A_254 = arith.addi %mul3A_115, %add3A_253 : i32
      %dma_wait3A_255 = arith.constant 2 : i32
      %dma_wait3A_256 = arith.constant 2 : i32
      %dma_wait3A_257 = arith.constant 0 : i32
      %dma_wait3A_258 = arith.constant 0 : i32
      %dma_wait3A_259 = tpu.memref_slice %arg8[%dma_wait3A_255, %dma_wait3A_257, %dma_wait3A_258] : memref<6x128x32xf32, #tpu.memory_space<vmem>> -> memref<1x128x32xf32, #tpu.memory_space<vmem>>
      %dma_wait3A_260 = tpu.memref_squeeze %dma_wait3A_259 : memref<1x128x32xf32, #tpu.memory_space<vmem>> -> memref<128x32xf32, #tpu.memory_space<vmem>>
      %dma_wait3A_261 = arith.constant 0 : i32
      %dma_wait3A_262 = tpu.memref_slice %arg7[%add3A_254, %dma_wait3A_261] : memref<79x128xi32, #tpu.memory_space<vmem>> -> memref<1x128xi32, #tpu.memory_space<vmem>>
      %dma_wait3A_263 = tpu.memref_squeeze %dma_wait3A_262 : memref<1x128xi32, #tpu.memory_space<vmem>> -> memref<128xi32, #tpu.memory_space<vmem>>
      %dma_wait3A_264 = arith.constant 0 : i32
      %dma_wait3A_265 = arith.constant 0 : i32
      %dma_wait3A_266 = tpu.memref_slice %arg10[%dma_wait3A_264, %dma_wait3A_265] : memref<10240x32xf32, #tpu.memory_space<vmem_shared>> -> memref<10240x32xf32, #tpu.memory_space<vmem_shared>>
      %dma_wait3A_267 = tpu.memref_slice %arg12[%dma_wait3A_256] : memref<6x!tpu.dma_semaphore, #tpu.memory_space<semaphore_mem>> -> memref<1x!tpu.dma_semaphore, #tpu.memory_space<semaphore_mem>>
      %dma_wait3A_268 = tpu.memref_squeeze %dma_wait3A_267 : memref<1x!tpu.dma_semaphore, #tpu.memory_space<semaphore_mem>> -> memref<!tpu.dma_semaphore, #tpu.memory_space<semaphore_mem>>
      tpu.wait_indirect_dma semaphore(%dma_wait3A_268 : memref<!tpu.dma_semaphore, #tpu.memory_space<semaphore_mem>>) src(%dma_wait3A_260 : memref<128x32xf32, #tpu.memory_space<vmem>>) dst(%dma_wait3A_266 : memref<10240x32xf32, #tpu.memory_space<vmem_shared>>)
      %lt3A_269 = arith.constant 12 : i32
      %lt3A_270 = arith.cmpi slt, %add3A_113, %lt3A_269 : i32
      %convert_element_type3A_271 = arith.extui %lt3A_270 : i1 to i32
      %cond3A_272 = arith.constant 0 : i32
      %cond3A_273 = arith.cmpi ne, %convert_element_type3A_271, %cond3A_272 : i32
      scf.if %cond3A_273 {
        %add3A_433 = arith.constant 6 : i32
        %add3A_434 = arith.addi %mul3A_115, %add3A_433 : i32
        %add3A_435 = arith.constant 2 : i32
        %add3A_436 = arith.addi %add3A_434, %add3A_435 : i32
        %dma_start3A_437 = arith.constant 2 : i32
        %dma_start3A_438 = arith.constant 2 : i32
        %dma_start3A_439 = arith.constant 0 : i32
        %dma_start3A_440 = arith.constant 0 : i32
        %dma_start3A_441 = tpu.memref_slice %arg8[%dma_start3A_437, %dma_start3A_439, %dma_start3A_440] : memref<6x128x32xf32, #tpu.memory_space<vmem>> -> memref<1x128x32xf32, #tpu.memory_space<vmem>>
        %dma_start3A_442 = tpu.memref_squeeze %dma_start3A_441 : memref<1x128x32xf32, #tpu.memory_space<vmem>> -> memref<128x32xf32, #tpu.memory_space<vmem>>
        %dma_start3A_443 = arith.constant 0 : i32
        %dma_start3A_444 = tpu.memref_slice %arg6[%add3A_436, %dma_start3A_443] : memref<79x128xi32, #tpu.memory_space<vmem>> -> memref<1x128xi32, #tpu.memory_space<vmem>>
        %dma_start3A_445 = tpu.memref_squeeze %dma_start3A_444 : memref<1x128xi32, #tpu.memory_space<vmem>> -> memref<128xi32, #tpu.memory_space<vmem>>
        %dma_start3A_446 = arith.constant 0 : i32
        %dma_start3A_447 = arith.constant 0 : i32
        %dma_start3A_448 = tpu.memref_slice %arg9[%dma_start3A_446, %dma_start3A_447] : memref<10240x32xf32, #tpu.memory_space<vmem_shared>> -> memref<10240x32xf32, #tpu.memory_space<vmem_shared>>
        %dma_start3A_449 = tpu.memref_slice %arg11[%dma_start3A_438] : memref<6x!tpu.dma_semaphore, #tpu.memory_space<semaphore_mem>> -> memref<1x!tpu.dma_semaphore, #tpu.memory_space<semaphore_mem>>
        %dma_start3A_450 = tpu.memref_squeeze %dma_start3A_449 : memref<1x!tpu.dma_semaphore, #tpu.memory_space<semaphore_mem>> -> memref<!tpu.dma_semaphore, #tpu.memory_space<semaphore_mem>>
        tpu.enqueue_indirect_dma source(%dma_start3A_448 : memref<10240x32xf32, #tpu.memory_space<vmem_shared>>) target(%dma_start3A_442 : memref<128x32xf32, #tpu.memory_space<vmem>>) offsets(%dma_start3A_445 : memref<128xi32, #tpu.memory_space<vmem>>) semaphore(%dma_start3A_450 : memref<!tpu.dma_semaphore, #tpu.memory_space<semaphore_mem>>)
      } else {
      }
      %add3A_274 = arith.constant 3 : i32
      %add3A_275 = arith.addi %mul3A_115, %add3A_274 : i32
      %dma_wait3A_276 = arith.constant 3 : i32
      %dma_wait3A_277 = arith.constant 3 : i32
      %dma_wait3A_278 = arith.constant 0 : i32
      %dma_wait3A_279 = arith.constant 0 : i32
      %dma_wait3A_280 = tpu.memref_slice %arg8[%dma_wait3A_276, %dma_wait3A_278, %dma_wait3A_279] : memref<6x128x32xf32, #tpu.memory_space<vmem>> -> memref<1x128x32xf32, #tpu.memory_space<vmem>>
      %dma_wait3A_281 = tpu.memref_squeeze %dma_wait3A_280 : memref<1x128x32xf32, #tpu.memory_space<vmem>> -> memref<128x32xf32, #tpu.memory_space<vmem>>
      %dma_wait3A_282 = arith.constant 0 : i32
      %dma_wait3A_283 = tpu.memref_slice %arg6[%add3A_275, %dma_wait3A_282] : memref<79x128xi32, #tpu.memory_space<vmem>> -> memref<1x128xi32, #tpu.memory_space<vmem>>
      %dma_wait3A_284 = tpu.memref_squeeze %dma_wait3A_283 : memref<1x128xi32, #tpu.memory_space<vmem>> -> memref<128xi32, #tpu.memory_space<vmem>>
      %dma_wait3A_285 = arith.constant 0 : i32
      %dma_wait3A_286 = arith.constant 0 : i32
      %dma_wait3A_287 = tpu.memref_slice %arg9[%dma_wait3A_285, %dma_wait3A_286] : memref<10240x32xf32, #tpu.memory_space<vmem_shared>> -> memref<10240x32xf32, #tpu.memory_space<vmem_shared>>
      %dma_wait3A_288 = tpu.memref_slice %arg11[%dma_wait3A_277] : memref<6x!tpu.dma_semaphore, #tpu.memory_space<semaphore_mem>> -> memref<1x!tpu.dma_semaphore, #tpu.memory_space<semaphore_mem>>
      %dma_wait3A_289 = tpu.memref_squeeze %dma_wait3A_288 : memref<1x!tpu.dma_semaphore, #tpu.memory_space<semaphore_mem>> -> memref<!tpu.dma_semaphore, #tpu.memory_space<semaphore_mem>>
      tpu.wait_indirect_dma semaphore(%dma_wait3A_289 : memref<!tpu.dma_semaphore, #tpu.memory_space<semaphore_mem>>) src(%dma_wait3A_287 : memref<10240x32xf32, #tpu.memory_space<vmem_shared>>) dst(%dma_wait3A_281 : memref<128x32xf32, #tpu.memory_space<vmem>>)
      %add3A_290 = arith.constant 3 : i32
      %add3A_291 = arith.addi %mul3A_115, %add3A_290 : i32
      %dma_start3A_292 = arith.constant 3 : i32
      %dma_start3A_293 = arith.constant 3 : i32
      %dma_start3A_294 = arith.constant 0 : i32
      %dma_start3A_295 = arith.constant 0 : i32
      %dma_start3A_296 = tpu.memref_slice %arg8[%dma_start3A_292, %dma_start3A_294, %dma_start3A_295] : memref<6x128x32xf32, #tpu.memory_space<vmem>> -> memref<1x128x32xf32, #tpu.memory_space<vmem>>
      %dma_start3A_297 = tpu.memref_squeeze %dma_start3A_296 : memref<1x128x32xf32, #tpu.memory_space<vmem>> -> memref<128x32xf32, #tpu.memory_space<vmem>>
      %dma_start3A_298 = arith.constant 0 : i32
      %dma_start3A_299 = tpu.memref_slice %arg7[%add3A_291, %dma_start3A_298] : memref<79x128xi32, #tpu.memory_space<vmem>> -> memref<1x128xi32, #tpu.memory_space<vmem>>
      %dma_start3A_300 = tpu.memref_squeeze %dma_start3A_299 : memref<1x128xi32, #tpu.memory_space<vmem>> -> memref<128xi32, #tpu.memory_space<vmem>>
      %dma_start3A_301 = arith.constant 0 : i32
      %dma_start3A_302 = arith.constant 0 : i32
      %dma_start3A_303 = tpu.memref_slice %arg10[%dma_start3A_301, %dma_start3A_302] : memref<10240x32xf32, #tpu.memory_space<vmem_shared>> -> memref<10240x32xf32, #tpu.memory_space<vmem_shared>>
      %dma_start3A_304 = tpu.memref_slice %arg12[%dma_start3A_293] : memref<6x!tpu.dma_semaphore, #tpu.memory_space<semaphore_mem>> -> memref<1x!tpu.dma_semaphore, #tpu.memory_space<semaphore_mem>>
      %dma_start3A_305 = tpu.memref_squeeze %dma_start3A_304 : memref<1x!tpu.dma_semaphore, #tpu.memory_space<semaphore_mem>> -> memref<!tpu.dma_semaphore, #tpu.memory_space<semaphore_mem>>
      tpu.enqueue_indirect_dma source(%dma_start3A_297 : memref<128x32xf32, #tpu.memory_space<vmem>>) target(%dma_start3A_303 : memref<10240x32xf32, #tpu.memory_space<vmem_shared>>) offsets(%dma_start3A_300 : memref<128xi32, #tpu.memory_space<vmem>>) semaphore(%dma_start3A_305 : memref<!tpu.dma_semaphore, #tpu.memory_space<semaphore_mem>>) {add = true}
      %add3A_306 = arith.constant 3 : i32
      %add3A_307 = arith.addi %mul3A_115, %add3A_306 : i32
      %dma_wait3A_308 = arith.constant 3 : i32
      %dma_wait3A_309 = arith.constant 3 : i32
      %dma_wait3A_310 = arith.constant 0 : i32
      %dma_wait3A_311 = arith.constant 0 : i32
      %dma_wait3A_312 = tpu.memref_slice %arg8[%dma_wait3A_308, %dma_wait3A_310, %dma_wait3A_311] : memref<6x128x32xf32, #tpu.memory_space<vmem>> -> memref<1x128x32xf32, #tpu.memory_space<vmem>>
      %dma_wait3A_313 = tpu.memref_squeeze %dma_wait3A_312 : memref<1x128x32xf32, #tpu.memory_space<vmem>> -> memref<128x32xf32, #tpu.memory_space<vmem>>
      %dma_wait3A_314 = arith.constant 0 : i32
      %dma_wait3A_315 = tpu.memref_slice %arg7[%add3A_307, %dma_wait3A_314] : memref<79x128xi32, #tpu.memory_space<vmem>> -> memref<1x128xi32, #tpu.memory_space<vmem>>
      %dma_wait3A_316 = tpu.memref_squeeze %dma_wait3A_315 : memref<1x128xi32, #tpu.memory_space<vmem>> -> memref<128xi32, #tpu.memory_space<vmem>>
      %dma_wait3A_317 = arith.constant 0 : i32
      %dma_wait3A_318 = arith.constant 0 : i32
      %dma_wait3A_319 = tpu.memref_slice %arg10[%dma_wait3A_317, %dma_wait3A_318] : memref<10240x32xf32, #tpu.memory_space<vmem_shared>> -> memref<10240x32xf32, #tpu.memory_space<vmem_shared>>
      %dma_wait3A_320 = tpu.memref_slice %arg12[%dma_wait3A_309] : memref<6x!tpu.dma_semaphore, #tpu.memory_space<semaphore_mem>> -> memref<1x!tpu.dma_semaphore, #tpu.memory_space<semaphore_mem>>
      %dma_wait3A_321 = tpu.memref_squeeze %dma_wait3A_320 : memref<1x!tpu.dma_semaphore, #tpu.memory_space<semaphore_mem>> -> memref<!tpu.dma_semaphore, #tpu.memory_space<semaphore_mem>>
      tpu.wait_indirect_dma semaphore(%dma_wait3A_321 : memref<!tpu.dma_semaphore, #tpu.memory_space<semaphore_mem>>) src(%dma_wait3A_313 : memref<128x32xf32, #tpu.memory_space<vmem>>) dst(%dma_wait3A_319 : memref<10240x32xf32, #tpu.memory_space<vmem_shared>>)
      %lt3A_322 = arith.constant 12 : i32
      %lt3A_323 = arith.cmpi slt, %add3A_113, %lt3A_322 : i32
      %convert_element_type3A_324 = arith.extui %lt3A_323 : i1 to i32
      %cond3A_325 = arith.constant 0 : i32
      %cond3A_326 = arith.cmpi ne, %convert_element_type3A_324, %cond3A_325 : i32
      scf.if %cond3A_326 {
        %add3A_433 = arith.constant 6 : i32
        %add3A_434 = arith.addi %mul3A_115, %add3A_433 : i32
        %add3A_435 = arith.constant 3 : i32
        %add3A_436 = arith.addi %add3A_434, %add3A_435 : i32
        %dma_start3A_437 = arith.constant 3 : i32
        %dma_start3A_438 = arith.constant 3 : i32
        %dma_start3A_439 = arith.constant 0 : i32
        %dma_start3A_440 = arith.constant 0 : i32
        %dma_start3A_441 = tpu.memref_slice %arg8[%dma_start3A_437, %dma_start3A_439, %dma_start3A_440] : memref<6x128x32xf32, #tpu.memory_space<vmem>> -> memref<1x128x32xf32, #tpu.memory_space<vmem>>
        %dma_start3A_442 = tpu.memref_squeeze %dma_start3A_441 : memref<1x128x32xf32, #tpu.memory_space<vmem>> -> memref<128x32xf32, #tpu.memory_space<vmem>>
        %dma_start3A_443 = arith.constant 0 : i32
        %dma_start3A_444 = tpu.memref_slice %arg6[%add3A_436, %dma_start3A_443] : memref<79x128xi32, #tpu.memory_space<vmem>> -> memref<1x128xi32, #tpu.memory_space<vmem>>
        %dma_start3A_445 = tpu.memref_squeeze %dma_start3A_444 : memref<1x128xi32, #tpu.memory_space<vmem>> -> memref<128xi32, #tpu.memory_space<vmem>>
        %dma_start3A_446 = arith.constant 0 : i32
        %dma_start3A_447 = arith.constant 0 : i32
        %dma_start3A_448 = tpu.memref_slice %arg9[%dma_start3A_446, %dma_start3A_447] : memref<10240x32xf32, #tpu.memory_space<vmem_shared>> -> memref<10240x32xf32, #tpu.memory_space<vmem_shared>>
        %dma_start3A_449 = tpu.memref_slice %arg11[%dma_start3A_438] : memref<6x!tpu.dma_semaphore, #tpu.memory_space<semaphore_mem>> -> memref<1x!tpu.dma_semaphore, #tpu.memory_space<semaphore_mem>>
        %dma_start3A_450 = tpu.memref_squeeze %dma_start3A_449 : memref<1x!tpu.dma_semaphore, #tpu.memory_space<semaphore_mem>> -> memref<!tpu.dma_semaphore, #tpu.memory_space<semaphore_mem>>
        tpu.enqueue_indirect_dma source(%dma_start3A_448 : memref<10240x32xf32, #tpu.memory_space<vmem_shared>>) target(%dma_start3A_442 : memref<128x32xf32, #tpu.memory_space<vmem>>) offsets(%dma_start3A_445 : memref<128xi32, #tpu.memory_space<vmem>>) semaphore(%dma_start3A_450 : memref<!tpu.dma_semaphore, #tpu.memory_space<semaphore_mem>>)
      } else {
      }
      %add3A_327 = arith.constant 4 : i32
      %add3A_328 = arith.addi %mul3A_115, %add3A_327 : i32
      %dma_wait3A_329 = arith.constant 4 : i32
      %dma_wait3A_330 = arith.constant 4 : i32
      %dma_wait3A_331 = arith.constant 0 : i32
      %dma_wait3A_332 = arith.constant 0 : i32
      %dma_wait3A_333 = tpu.memref_slice %arg8[%dma_wait3A_329, %dma_wait3A_331, %dma_wait3A_332] : memref<6x128x32xf32, #tpu.memory_space<vmem>> -> memref<1x128x32xf32, #tpu.memory_space<vmem>>
      %dma_wait3A_334 = tpu.memref_squeeze %dma_wait3A_333 : memref<1x128x32xf32, #tpu.memory_space<vmem>> -> memref<128x32xf32, #tpu.memory_space<vmem>>
      %dma_wait3A_335 = arith.constant 0 : i32
      %dma_wait3A_336 = tpu.memref_slice %arg6[%add3A_328, %dma_wait3A_335] : memref<79x128xi32, #tpu.memory_space<vmem>> -> memref<1x128xi32, #tpu.memory_space<vmem>>
      %dma_wait3A_337 = tpu.memref_squeeze %dma_wait3A_336 : memref<1x128xi32, #tpu.memory_space<vmem>> -> memref<128xi32, #tpu.memory_space<vmem>>
      %dma_wait3A_338 = arith.constant 0 : i32
      %dma_wait3A_339 = arith.constant 0 : i32
      %dma_wait3A_340 = tpu.memref_slice %arg9[%dma_wait3A_338, %dma_wait3A_339] : memref<10240x32xf32, #tpu.memory_space<vmem_shared>> -> memref<10240x32xf32, #tpu.memory_space<vmem_shared>>
      %dma_wait3A_341 = tpu.memref_slice %arg11[%dma_wait3A_330] : memref<6x!tpu.dma_semaphore, #tpu.memory_space<semaphore_mem>> -> memref<1x!tpu.dma_semaphore, #tpu.memory_space<semaphore_mem>>
      %dma_wait3A_342 = tpu.memref_squeeze %dma_wait3A_341 : memref<1x!tpu.dma_semaphore, #tpu.memory_space<semaphore_mem>> -> memref<!tpu.dma_semaphore, #tpu.memory_space<semaphore_mem>>
      tpu.wait_indirect_dma semaphore(%dma_wait3A_342 : memref<!tpu.dma_semaphore, #tpu.memory_space<semaphore_mem>>) src(%dma_wait3A_340 : memref<10240x32xf32, #tpu.memory_space<vmem_shared>>) dst(%dma_wait3A_334 : memref<128x32xf32, #tpu.memory_space<vmem>>)
      %add3A_343 = arith.constant 4 : i32
      %add3A_344 = arith.addi %mul3A_115, %add3A_343 : i32
      %dma_start3A_345 = arith.constant 4 : i32
      %dma_start3A_346 = arith.constant 4 : i32
      %dma_start3A_347 = arith.constant 0 : i32
      %dma_start3A_348 = arith.constant 0 : i32
      %dma_start3A_349 = tpu.memref_slice %arg8[%dma_start3A_345, %dma_start3A_347, %dma_start3A_348] : memref<6x128x32xf32, #tpu.memory_space<vmem>> -> memref<1x128x32xf32, #tpu.memory_space<vmem>>
      %dma_start3A_350 = tpu.memref_squeeze %dma_start3A_349 : memref<1x128x32xf32, #tpu.memory_space<vmem>> -> memref<128x32xf32, #tpu.memory_space<vmem>>
      %dma_start3A_351 = arith.constant 0 : i32
      %dma_start3A_352 = tpu.memref_slice %arg7[%add3A_344, %dma_start3A_351] : memref<79x128xi32, #tpu.memory_space<vmem>> -> memref<1x128xi32, #tpu.memory_space<vmem>>
      %dma_start3A_353 = tpu.memref_squeeze %dma_start3A_352 : memref<1x128xi32, #tpu.memory_space<vmem>> -> memref<128xi32, #tpu.memory_space<vmem>>
      %dma_start3A_354 = arith.constant 0 : i32
      %dma_start3A_355 = arith.constant 0 : i32
      %dma_start3A_356 = tpu.memref_slice %arg10[%dma_start3A_354, %dma_start3A_355] : memref<10240x32xf32, #tpu.memory_space<vmem_shared>> -> memref<10240x32xf32, #tpu.memory_space<vmem_shared>>
      %dma_start3A_357 = tpu.memref_slice %arg12[%dma_start3A_346] : memref<6x!tpu.dma_semaphore, #tpu.memory_space<semaphore_mem>> -> memref<1x!tpu.dma_semaphore, #tpu.memory_space<semaphore_mem>>
      %dma_start3A_358 = tpu.memref_squeeze %dma_start3A_357 : memref<1x!tpu.dma_semaphore, #tpu.memory_space<semaphore_mem>> -> memref<!tpu.dma_semaphore, #tpu.memory_space<semaphore_mem>>
      tpu.enqueue_indirect_dma source(%dma_start3A_350 : memref<128x32xf32, #tpu.memory_space<vmem>>) target(%dma_start3A_356 : memref<10240x32xf32, #tpu.memory_space<vmem_shared>>) offsets(%dma_start3A_353 : memref<128xi32, #tpu.memory_space<vmem>>) semaphore(%dma_start3A_358 : memref<!tpu.dma_semaphore, #tpu.memory_space<semaphore_mem>>) {add = true}
      %add3A_359 = arith.constant 4 : i32
      %add3A_360 = arith.addi %mul3A_115, %add3A_359 : i32
      %dma_wait3A_361 = arith.constant 4 : i32
      %dma_wait3A_362 = arith.constant 4 : i32
      %dma_wait3A_363 = arith.constant 0 : i32
      %dma_wait3A_364 = arith.constant 0 : i32
      %dma_wait3A_365 = tpu.memref_slice %arg8[%dma_wait3A_361, %dma_wait3A_363, %dma_wait3A_364] : memref<6x128x32xf32, #tpu.memory_space<vmem>> -> memref<1x128x32xf32, #tpu.memory_space<vmem>>
      %dma_wait3A_366 = tpu.memref_squeeze %dma_wait3A_365 : memref<1x128x32xf32, #tpu.memory_space<vmem>> -> memref<128x32xf32, #tpu.memory_space<vmem>>
      %dma_wait3A_367 = arith.constant 0 : i32
      %dma_wait3A_368 = tpu.memref_slice %arg7[%add3A_360, %dma_wait3A_367] : memref<79x128xi32, #tpu.memory_space<vmem>> -> memref<1x128xi32, #tpu.memory_space<vmem>>
      %dma_wait3A_369 = tpu.memref_squeeze %dma_wait3A_368 : memref<1x128xi32, #tpu.memory_space<vmem>> -> memref<128xi32, #tpu.memory_space<vmem>>
      %dma_wait3A_370 = arith.constant 0 : i32
      %dma_wait3A_371 = arith.constant 0 : i32
      %dma_wait3A_372 = tpu.memref_slice %arg10[%dma_wait3A_370, %dma_wait3A_371] : memref<10240x32xf32, #tpu.memory_space<vmem_shared>> -> memref<10240x32xf32, #tpu.memory_space<vmem_shared>>
      %dma_wait3A_373 = tpu.memref_slice %arg12[%dma_wait3A_362] : memref<6x!tpu.dma_semaphore, #tpu.memory_space<semaphore_mem>> -> memref<1x!tpu.dma_semaphore, #tpu.memory_space<semaphore_mem>>
      %dma_wait3A_374 = tpu.memref_squeeze %dma_wait3A_373 : memref<1x!tpu.dma_semaphore, #tpu.memory_space<semaphore_mem>> -> memref<!tpu.dma_semaphore, #tpu.memory_space<semaphore_mem>>
      tpu.wait_indirect_dma semaphore(%dma_wait3A_374 : memref<!tpu.dma_semaphore, #tpu.memory_space<semaphore_mem>>) src(%dma_wait3A_366 : memref<128x32xf32, #tpu.memory_space<vmem>>) dst(%dma_wait3A_372 : memref<10240x32xf32, #tpu.memory_space<vmem_shared>>)
      %lt3A_375 = arith.constant 12 : i32
      %lt3A_376 = arith.cmpi slt, %add3A_113, %lt3A_375 : i32
      %convert_element_type3A_377 = arith.extui %lt3A_376 : i1 to i32
      %cond3A_378 = arith.constant 0 : i32
      %cond3A_379 = arith.cmpi ne, %convert_element_type3A_377, %cond3A_378 : i32
      scf.if %cond3A_379 {
        %add3A_433 = arith.constant 6 : i32
        %add3A_434 = arith.addi %mul3A_115, %add3A_433 : i32
        %add3A_435 = arith.constant 4 : i32
        %add3A_436 = arith.addi %add3A_434, %add3A_435 : i32
        %dma_start3A_437 = arith.constant 4 : i32
        %dma_start3A_438 = arith.constant 4 : i32
        %dma_start3A_439 = arith.constant 0 : i32
        %dma_start3A_440 = arith.constant 0 : i32
        %dma_start3A_441 = tpu.memref_slice %arg8[%dma_start3A_437, %dma_start3A_439, %dma_start3A_440] : memref<6x128x32xf32, #tpu.memory_space<vmem>> -> memref<1x128x32xf32, #tpu.memory_space<vmem>>
        %dma_start3A_442 = tpu.memref_squeeze %dma_start3A_441 : memref<1x128x32xf32, #tpu.memory_space<vmem>> -> memref<128x32xf32, #tpu.memory_space<vmem>>
        %dma_start3A_443 = arith.constant 0 : i32
        %dma_start3A_444 = tpu.memref_slice %arg6[%add3A_436, %dma_start3A_443] : memref<79x128xi32, #tpu.memory_space<vmem>> -> memref<1x128xi32, #tpu.memory_space<vmem>>
        %dma_start3A_445 = tpu.memref_squeeze %dma_start3A_444 : memref<1x128xi32, #tpu.memory_space<vmem>> -> memref<128xi32, #tpu.memory_space<vmem>>
        %dma_start3A_446 = arith.constant 0 : i32
        %dma_start3A_447 = arith.constant 0 : i32
        %dma_start3A_448 = tpu.memref_slice %arg9[%dma_start3A_446, %dma_start3A_447] : memref<10240x32xf32, #tpu.memory_space<vmem_shared>> -> memref<10240x32xf32, #tpu.memory_space<vmem_shared>>
        %dma_start3A_449 = tpu.memref_slice %arg11[%dma_start3A_438] : memref<6x!tpu.dma_semaphore, #tpu.memory_space<semaphore_mem>> -> memref<1x!tpu.dma_semaphore, #tpu.memory_space<semaphore_mem>>
        %dma_start3A_450 = tpu.memref_squeeze %dma_start3A_449 : memref<1x!tpu.dma_semaphore, #tpu.memory_space<semaphore_mem>> -> memref<!tpu.dma_semaphore, #tpu.memory_space<semaphore_mem>>
        tpu.enqueue_indirect_dma source(%dma_start3A_448 : memref<10240x32xf32, #tpu.memory_space<vmem_shared>>) target(%dma_start3A_442 : memref<128x32xf32, #tpu.memory_space<vmem>>) offsets(%dma_start3A_445 : memref<128xi32, #tpu.memory_space<vmem>>) semaphore(%dma_start3A_450 : memref<!tpu.dma_semaphore, #tpu.memory_space<semaphore_mem>>)
      } else {
      }
      %add3A_380 = arith.constant 5 : i32
      %add3A_381 = arith.addi %mul3A_115, %add3A_380 : i32
      %dma_wait3A_382 = arith.constant 5 : i32
      %dma_wait3A_383 = arith.constant 5 : i32
      %dma_wait3A_384 = arith.constant 0 : i32
      %dma_wait3A_385 = arith.constant 0 : i32
      %dma_wait3A_386 = tpu.memref_slice %arg8[%dma_wait3A_382, %dma_wait3A_384, %dma_wait3A_385] : memref<6x128x32xf32, #tpu.memory_space<vmem>> -> memref<1x128x32xf32, #tpu.memory_space<vmem>>
      %dma_wait3A_387 = tpu.memref_squeeze %dma_wait3A_386 : memref<1x128x32xf32, #tpu.memory_space<vmem>> -> memref<128x32xf32, #tpu.memory_space<vmem>>
      %dma_wait3A_388 = arith.constant 0 : i32
      %dma_wait3A_389 = tpu.memref_slice %arg6[%add3A_381, %dma_wait3A_388] : memref<79x128xi32, #tpu.memory_space<vmem>> -> memref<1x128xi32, #tpu.memory_space<vmem>>
      %dma_wait3A_390 = tpu.memref_squeeze %dma_wait3A_389 : memref<1x128xi32, #tpu.memory_space<vmem>> -> memref<128xi32, #tpu.memory_space<vmem>>
      %dma_wait3A_391 = arith.constant 0 : i32
      %dma_wait3A_392 = arith.constant 0 : i32
      %dma_wait3A_393 = tpu.memref_slice %arg9[%dma_wait3A_391, %dma_wait3A_392] : memref<10240x32xf32, #tpu.memory_space<vmem_shared>> -> memref<10240x32xf32, #tpu.memory_space<vmem_shared>>
      %dma_wait3A_394 = tpu.memref_slice %arg11[%dma_wait3A_383] : memref<6x!tpu.dma_semaphore, #tpu.memory_space<semaphore_mem>> -> memref<1x!tpu.dma_semaphore, #tpu.memory_space<semaphore_mem>>
      %dma_wait3A_395 = tpu.memref_squeeze %dma_wait3A_394 : memref<1x!tpu.dma_semaphore, #tpu.memory_space<semaphore_mem>> -> memref<!tpu.dma_semaphore, #tpu.memory_space<semaphore_mem>>
      tpu.wait_indirect_dma semaphore(%dma_wait3A_395 : memref<!tpu.dma_semaphore, #tpu.memory_space<semaphore_mem>>) src(%dma_wait3A_393 : memref<10240x32xf32, #tpu.memory_space<vmem_shared>>) dst(%dma_wait3A_387 : memref<128x32xf32, #tpu.memory_space<vmem>>)
      %add3A_396 = arith.constant 5 : i32
      %add3A_397 = arith.addi %mul3A_115, %add3A_396 : i32
      %dma_start3A_398 = arith.constant 5 : i32
      %dma_start3A_399 = arith.constant 5 : i32
      %dma_start3A_400 = arith.constant 0 : i32
      %dma_start3A_401 = arith.constant 0 : i32
      %dma_start3A_402 = tpu.memref_slice %arg8[%dma_start3A_398, %dma_start3A_400, %dma_start3A_401] : memref<6x128x32xf32, #tpu.memory_space<vmem>> -> memref<1x128x32xf32, #tpu.memory_space<vmem>>
      %dma_start3A_403 = tpu.memref_squeeze %dma_start3A_402 : memref<1x128x32xf32, #tpu.memory_space<vmem>> -> memref<128x32xf32, #tpu.memory_space<vmem>>
      %dma_start3A_404 = arith.constant 0 : i32
      %dma_start3A_405 = tpu.memref_slice %arg7[%add3A_397, %dma_start3A_404] : memref<79x128xi32, #tpu.memory_space<vmem>> -> memref<1x128xi32, #tpu.memory_space<vmem>>
      %dma_start3A_406 = tpu.memref_squeeze %dma_start3A_405 : memref<1x128xi32, #tpu.memory_space<vmem>> -> memref<128xi32, #tpu.memory_space<vmem>>
      %dma_start3A_407 = arith.constant 0 : i32
      %dma_start3A_408 = arith.constant 0 : i32
      %dma_start3A_409 = tpu.memref_slice %arg10[%dma_start3A_407, %dma_start3A_408] : memref<10240x32xf32, #tpu.memory_space<vmem_shared>> -> memref<10240x32xf32, #tpu.memory_space<vmem_shared>>
      %dma_start3A_410 = tpu.memref_slice %arg12[%dma_start3A_399] : memref<6x!tpu.dma_semaphore, #tpu.memory_space<semaphore_mem>> -> memref<1x!tpu.dma_semaphore, #tpu.memory_space<semaphore_mem>>
      %dma_start3A_411 = tpu.memref_squeeze %dma_start3A_410 : memref<1x!tpu.dma_semaphore, #tpu.memory_space<semaphore_mem>> -> memref<!tpu.dma_semaphore, #tpu.memory_space<semaphore_mem>>
      tpu.enqueue_indirect_dma source(%dma_start3A_403 : memref<128x32xf32, #tpu.memory_space<vmem>>) target(%dma_start3A_409 : memref<10240x32xf32, #tpu.memory_space<vmem_shared>>) offsets(%dma_start3A_406 : memref<128xi32, #tpu.memory_space<vmem>>) semaphore(%dma_start3A_411 : memref<!tpu.dma_semaphore, #tpu.memory_space<semaphore_mem>>) {add = true}
      %add3A_412 = arith.constant 5 : i32
      %add3A_413 = arith.addi %mul3A_115, %add3A_412 : i32
      %dma_wait3A_414 = arith.constant 5 : i32
      %dma_wait3A_415 = arith.constant 5 : i32
      %dma_wait3A_416 = arith.constant 0 : i32
      %dma_wait3A_417 = arith.constant 0 : i32
      %dma_wait3A_418 = tpu.memref_slice %arg8[%dma_wait3A_414, %dma_wait3A_416, %dma_wait3A_417] : memref<6x128x32xf32, #tpu.memory_space<vmem>> -> memref<1x128x32xf32, #tpu.memory_space<vmem>>
      %dma_wait3A_419 = tpu.memref_squeeze %dma_wait3A_418 : memref<1x128x32xf32, #tpu.memory_space<vmem>> -> memref<128x32xf32, #tpu.memory_space<vmem>>
      %dma_wait3A_420 = arith.constant 0 : i32
      %dma_wait3A_421 = tpu.memref_slice %arg7[%add3A_413, %dma_wait3A_420] : memref<79x128xi32, #tpu.memory_space<vmem>> -> memref<1x128xi32, #tpu.memory_space<vmem>>
      %dma_wait3A_422 = tpu.memref_squeeze %dma_wait3A_421 : memref<1x128xi32, #tpu.memory_space<vmem>> -> memref<128xi32, #tpu.memory_space<vmem>>
      %dma_wait3A_423 = arith.constant 0 : i32
      %dma_wait3A_424 = arith.constant 0 : i32
      %dma_wait3A_425 = tpu.memref_slice %arg10[%dma_wait3A_423, %dma_wait3A_424] : memref<10240x32xf32, #tpu.memory_space<vmem_shared>> -> memref<10240x32xf32, #tpu.memory_space<vmem_shared>>
      %dma_wait3A_426 = tpu.memref_slice %arg12[%dma_wait3A_415] : memref<6x!tpu.dma_semaphore, #tpu.memory_space<semaphore_mem>> -> memref<1x!tpu.dma_semaphore, #tpu.memory_space<semaphore_mem>>
      %dma_wait3A_427 = tpu.memref_squeeze %dma_wait3A_426 : memref<1x!tpu.dma_semaphore, #tpu.memory_space<semaphore_mem>> -> memref<!tpu.dma_semaphore, #tpu.memory_space<semaphore_mem>>
      tpu.wait_indirect_dma semaphore(%dma_wait3A_427 : memref<!tpu.dma_semaphore, #tpu.memory_space<semaphore_mem>>) src(%dma_wait3A_419 : memref<128x32xf32, #tpu.memory_space<vmem>>) dst(%dma_wait3A_425 : memref<10240x32xf32, #tpu.memory_space<vmem_shared>>)
      %lt3A_428 = arith.constant 12 : i32
      %lt3A_429 = arith.cmpi slt, %add3A_113, %lt3A_428 : i32
      %convert_element_type3A_430 = arith.extui %lt3A_429 : i1 to i32
      %cond3A_431 = arith.constant 0 : i32
      %cond3A_432 = arith.cmpi ne, %convert_element_type3A_430, %cond3A_431 : i32
      scf.if %cond3A_432 {
        %add3A_433 = arith.constant 6 : i32
        %add3A_434 = arith.addi %mul3A_115, %add3A_433 : i32
        %add3A_435 = arith.constant 5 : i32
        %add3A_436 = arith.addi %add3A_434, %add3A_435 : i32
        %dma_start3A_437 = arith.constant 5 : i32
        %dma_start3A_438 = arith.constant 5 : i32
        %dma_start3A_439 = arith.constant 0 : i32
        %dma_start3A_440 = arith.constant 0 : i32
        %dma_start3A_441 = tpu.memref_slice %arg8[%dma_start3A_437, %dma_start3A_439, %dma_start3A_440] : memref<6x128x32xf32, #tpu.memory_space<vmem>> -> memref<1x128x32xf32, #tpu.memory_space<vmem>>
        %dma_start3A_442 = tpu.memref_squeeze %dma_start3A_441 : memref<1x128x32xf32, #tpu.memory_space<vmem>> -> memref<128x32xf32, #tpu.memory_space<vmem>>
        %dma_start3A_443 = arith.constant 0 : i32
        %dma_start3A_444 = tpu.memref_slice %arg6[%add3A_436, %dma_start3A_443] : memref<79x128xi32, #tpu.memory_space<vmem>> -> memref<1x128xi32, #tpu.memory_space<vmem>>
        %dma_start3A_445 = tpu.memref_squeeze %dma_start3A_444 : memref<1x128xi32, #tpu.memory_space<vmem>> -> memref<128xi32, #tpu.memory_space<vmem>>
        %dma_start3A_446 = arith.constant 0 : i32
        %dma_start3A_447 = arith.constant 0 : i32
        %dma_start3A_448 = tpu.memref_slice %arg9[%dma_start3A_446, %dma_start3A_447] : memref<10240x32xf32, #tpu.memory_space<vmem_shared>> -> memref<10240x32xf32, #tpu.memory_space<vmem_shared>>
        %dma_start3A_449 = tpu.memref_slice %arg11[%dma_start3A_438] : memref<6x!tpu.dma_semaphore, #tpu.memory_space<semaphore_mem>> -> memref<1x!tpu.dma_semaphore, #tpu.memory_space<semaphore_mem>>
        %dma_start3A_450 = tpu.memref_squeeze %dma_start3A_449 : memref<1x!tpu.dma_semaphore, #tpu.memory_space<semaphore_mem>> -> memref<!tpu.dma_semaphore, #tpu.memory_space<semaphore_mem>>
        tpu.enqueue_indirect_dma source(%dma_start3A_448 : memref<10240x32xf32, #tpu.memory_space<vmem_shared>>) target(%dma_start3A_442 : memref<128x32xf32, #tpu.memory_space<vmem>>) offsets(%dma_start3A_445 : memref<128xi32, #tpu.memory_space<vmem>>) semaphore(%dma_start3A_450 : memref<!tpu.dma_semaphore, #tpu.memory_space<semaphore_mem>>)
      } else {
      }
    }
    %scan3A_102 = arith.constant 13 : i32
    %lt3A_103 = arith.constant 4 : i32
    %lt3A_104 = arith.cmpi slt, %add3A, %lt3A_103 : i32
    %convert_element_type3A_105 = arith.extui %lt3A_104 : i1 to i32
    %cond3A_106 = arith.constant 0 : i32
    %cond3A_107 = arith.cmpi ne, %convert_element_type3A_105, %cond3A_106 : i32
    scf.if %cond3A_107 {
      %run_scoped3A_109 = arith.constant 78 : i32
      %run_scoped3A_110 = arith.constant 0 : i32
      "tpu.region"() ({
        %run_scoped3A_113 = tpu.sem_alloc : memref<!tpu.dma_semaphore, #tpu.memory_space<semaphore_mem>>
        %dma_start3A_114 = arith.constant 0 : i32
        %dma_start3A_115 = arith.constant 0 : i32
        %dma_start3A_116 = tpu.memref_slice %arg8[%run_scoped3A_110, %dma_start3A_114, %dma_start3A_115] : memref<6x128x32xf32, #tpu.memory_space<vmem>> -> memref<1x128x32xf32, #tpu.memory_space<vmem>>
        %dma_start3A_117 = tpu.memref_squeeze %dma_start3A_116 : memref<1x128x32xf32, #tpu.memory_space<vmem>> -> memref<128x32xf32, #tpu.memory_space<vmem>>
        %dma_start3A_118 = arith.constant 0 : i32
        %dma_start3A_119 = tpu.memref_slice %arg6[%run_scoped3A_109, %dma_start3A_118] : memref<79x128xi32, #tpu.memory_space<vmem>> -> memref<1x128xi32, #tpu.memory_space<vmem>>
        %dma_start3A_120 = tpu.memref_squeeze %dma_start3A_119 : memref<1x128xi32, #tpu.memory_space<vmem>> -> memref<128xi32, #tpu.memory_space<vmem>>
        %dma_start3A_121 = arith.constant 0 : i32
        %dma_start3A_122 = arith.constant 0 : i32
        %dma_start3A_123 = tpu.memref_slice %arg9[%dma_start3A_121, %dma_start3A_122] : memref<10240x32xf32, #tpu.memory_space<vmem_shared>> -> memref<10240x32xf32, #tpu.memory_space<vmem_shared>>
        tpu.enqueue_indirect_dma source(%dma_start3A_123 : memref<10240x32xf32, #tpu.memory_space<vmem_shared>>) target(%dma_start3A_117 : memref<128x32xf32, #tpu.memory_space<vmem>>) offsets(%dma_start3A_120 : memref<128xi32, #tpu.memory_space<vmem>>) semaphore(%run_scoped3A_113 : memref<!tpu.dma_semaphore, #tpu.memory_space<semaphore_mem>>)
        %dma_wait3A = arith.constant 0 : i32
        %dma_wait3A_124 = arith.constant 0 : i32
        %dma_wait3A_125 = tpu.memref_slice %arg8[%run_scoped3A_110, %dma_wait3A, %dma_wait3A_124] : memref<6x128x32xf32, #tpu.memory_space<vmem>> -> memref<1x128x32xf32, #tpu.memory_space<vmem>>
        %dma_wait3A_126 = tpu.memref_squeeze %dma_wait3A_125 : memref<1x128x32xf32, #tpu.memory_space<vmem>> -> memref<128x32xf32, #tpu.memory_space<vmem>>
        %dma_wait3A_127 = arith.constant 0 : i32
        %dma_wait3A_128 = tpu.memref_slice %arg6[%run_scoped3A_109, %dma_wait3A_127] : memref<79x128xi32, #tpu.memory_space<vmem>> -> memref<1x128xi32, #tpu.memory_space<vmem>>
        %dma_wait3A_129 = tpu.memref_squeeze %dma_wait3A_128 : memref<1x128xi32, #tpu.memory_space<vmem>> -> memref<128xi32, #tpu.memory_space<vmem>>
        %dma_wait3A_130 = arith.constant 0 : i32
        %dma_wait3A_131 = arith.constant 0 : i32
        %dma_wait3A_132 = tpu.memref_slice %arg9[%dma_wait3A_130, %dma_wait3A_131] : memref<10240x32xf32, #tpu.memory_space<vmem_shared>> -> memref<10240x32xf32, #tpu.memory_space<vmem_shared>>
        tpu.wait_indirect_dma semaphore(%run_scoped3A_113 : memref<!tpu.dma_semaphore, #tpu.memory_space<semaphore_mem>>) src(%dma_wait3A_132 : memref<10240x32xf32, #tpu.memory_space<vmem_shared>>) dst(%dma_wait3A_126 : memref<128x32xf32, #tpu.memory_space<vmem>>)
        tpu.yield
      }) : () -> ()
      %run_scoped3A_111 = arith.constant 0 : i32
      %run_scoped3A_112 = arith.constant 78 : i32
      "tpu.region"() ({
        %run_scoped3A_113 = tpu.sem_alloc : memref<!tpu.dma_semaphore, #tpu.memory_space<semaphore_mem>>
        %dma_start3A_114 = arith.constant 0 : i32
        %dma_start3A_115 = arith.constant 0 : i32
        %dma_start3A_116 = tpu.memref_slice %arg8[%run_scoped3A_111, %dma_start3A_114, %dma_start3A_115] : memref<6x128x32xf32, #tpu.memory_space<vmem>> -> memref<1x128x32xf32, #tpu.memory_space<vmem>>
        %dma_start3A_117 = tpu.memref_squeeze %dma_start3A_116 : memref<1x128x32xf32, #tpu.memory_space<vmem>> -> memref<128x32xf32, #tpu.memory_space<vmem>>
        %dma_start3A_118 = arith.constant 0 : i32
        %dma_start3A_119 = tpu.memref_slice %arg7[%run_scoped3A_112, %dma_start3A_118] : memref<79x128xi32, #tpu.memory_space<vmem>> -> memref<1x128xi32, #tpu.memory_space<vmem>>
        %dma_start3A_120 = tpu.memref_squeeze %dma_start3A_119 : memref<1x128xi32, #tpu.memory_space<vmem>> -> memref<128xi32, #tpu.memory_space<vmem>>
        %dma_start3A_121 = arith.constant 0 : i32
        %dma_start3A_122 = arith.constant 0 : i32
        %dma_start3A_123 = tpu.memref_slice %arg10[%dma_start3A_121, %dma_start3A_122] : memref<10240x32xf32, #tpu.memory_space<vmem_shared>> -> memref<10240x32xf32, #tpu.memory_space<vmem_shared>>
        tpu.enqueue_indirect_dma source(%dma_start3A_117 : memref<128x32xf32, #tpu.memory_space<vmem>>) target(%dma_start3A_123 : memref<10240x32xf32, #tpu.memory_space<vmem_shared>>) offsets(%dma_start3A_120 : memref<128xi32, #tpu.memory_space<vmem>>) semaphore(%run_scoped3A_113 : memref<!tpu.dma_semaphore, #tpu.memory_space<semaphore_mem>>) {add = true}
        %dma_wait3A = arith.constant 0 : i32
        %dma_wait3A_124 = arith.constant 0 : i32
        %dma_wait3A_125 = tpu.memref_slice %arg8[%run_scoped3A_111, %dma_wait3A, %dma_wait3A_124] : memref<6x128x32xf32, #tpu.memory_space<vmem>> -> memref<1x128x32xf32, #tpu.memory_space<vmem>>
        %dma_wait3A_126 = tpu.memref_squeeze %dma_wait3A_125 : memref<1x128x32xf32, #tpu.memory_space<vmem>> -> memref<128x32xf32, #tpu.memory_space<vmem>>
        %dma_wait3A_127 = arith.constant 0 : i32
        %dma_wait3A_128 = tpu.memref_slice %arg7[%run_scoped3A_112, %dma_wait3A_127] : memref<79x128xi32, #tpu.memory_space<vmem>> -> memref<1x128xi32, #tpu.memory_space<vmem>>
        %dma_wait3A_129 = tpu.memref_squeeze %dma_wait3A_128 : memref<1x128xi32, #tpu.memory_space<vmem>> -> memref<128xi32, #tpu.memory_space<vmem>>
        %dma_wait3A_130 = arith.constant 0 : i32
        %dma_wait3A_131 = arith.constant 0 : i32
        %dma_wait3A_132 = tpu.memref_slice %arg10[%dma_wait3A_130, %dma_wait3A_131] : memref<10240x32xf32, #tpu.memory_space<vmem_shared>> -> memref<10240x32xf32, #tpu.memory_space<vmem_shared>>
        tpu.wait_indirect_dma semaphore(%run_scoped3A_113 : memref<!tpu.dma_semaphore, #tpu.memory_space<semaphore_mem>>) src(%dma_wait3A_126 : memref<128x32xf32, #tpu.memory_space<vmem>>) dst(%dma_wait3A_132 : memref<10240x32xf32, #tpu.memory_space<vmem_shared>>)
        tpu.yield
      }) : () -> ()
    } else {
    }
    %barrier3A_108 = arith.constant 0 : index
    tpu.barrier barrier_id(%barrier3A_108)
    "tpu.region"() ({
      %run_scoped3A_109 = tpu.sem_alloc : memref<!tpu.dma_semaphore, #tpu.memory_space<semaphore_mem>>
      %dma_start3A_110 = arith.constant 0 : i32
      %dma_start3A_111 = tpu.memref_slice %arg5[%arg0, %mul3A_2, %dma_start3A_110] : memref<2x10240x32xf32, #tpu.memory_space<hbm>> -> memref<1x640x32xf32, #tpu.memory_space<hbm>>
      %dma_start3A_112 = tpu.memref_squeeze %dma_start3A_111 : memref<1x640x32xf32, #tpu.memory_space<hbm>> -> memref<640x32xf32, #tpu.memory_space<hbm>>
      %dma_start3A_113 = arith.constant 0 : i32
      %dma_start3A_114 = tpu.memref_slice %arg10[%mul3A_2, %dma_start3A_113] : memref<10240x32xf32, #tpu.memory_space<vmem_shared>> -> memref<640x32xf32, #tpu.memory_space<vmem_shared>>
      tpu.enqueue_dma source(%dma_start3A_114 : memref<640x32xf32, #tpu.memory_space<vmem_shared>>) target(%dma_start3A_112 : memref<640x32xf32, #tpu.memory_space<hbm>>) target_semaphore(%run_scoped3A_109 : memref<!tpu.dma_semaphore, #tpu.memory_space<semaphore_mem>>)
      %dma_wait3A = arith.constant 0 : i32
      %dma_wait3A_115 = tpu.memref_slice %arg5[%arg0, %mul3A_2, %dma_wait3A] : memref<2x10240x32xf32, #tpu.memory_space<hbm>> -> memref<1x640x32xf32, #tpu.memory_space<hbm>>
      %dma_wait3A_116 = tpu.memref_squeeze %dma_wait3A_115 : memref<1x640x32xf32, #tpu.memory_space<hbm>> -> memref<640x32xf32, #tpu.memory_space<hbm>>
      %dma_wait3A_117 = arith.constant 0 : i32
      %dma_wait3A_118 = tpu.memref_slice %arg10[%mul3A_2, %dma_wait3A_117] : memref<10240x32xf32, #tpu.memory_space<vmem_shared>> -> memref<640x32xf32, #tpu.memory_space<vmem_shared>>
      tpu.wait_dma2 semaphore(%run_scoped3A_109 : memref<!tpu.dma_semaphore, #tpu.memory_space<semaphore_mem>>) src(%dma_wait3A_118 : memref<640x32xf32, #tpu.memory_space<vmem_shared>>) dst(%dma_wait3A_116 : memref<640x32xf32, #tpu.memory_space<hbm>>)
      tpu.yield
    }) : () -> ()
    return
  }
}

module attributes {stable_mosaic.version = 14 : i64} {
  func.func @_mm1s_body(%arg0: memref<2x10240x16xf32, #tpu.memory_space<vmem>>, %arg1: memref<10240x128xf32, #tpu.memory_space<vmem>>, %arg2: memref<128x32xf32, #tpu.memory_space<vmem>>, %arg3: memref<10240x32xf32, #tpu.memory_space<vmem>>, %arg4: memref<10240x16xf32, #tpu.memory_space<vmem>>) attributes {dimension_semantics = [], scalar_prefetch = 0 : i64, scratch_operands = 0 : i64, tpu.core_type = #tpu.core_type<tc>} {
    %get3A = arith.constant 0 : index
    %get3A_0 = arith.constant 0 : index
    %get3A_1 = arith.constant 0 : index
    %get3A_2 = vector.load %arg0[%get3A, %get3A_0, %get3A_1] : memref<2x10240x16xf32, #tpu.memory_space<vmem>>, vector<1x10240x16xf32>
    %get3A_3 = vector.shape_cast %get3A_2 : vector<1x10240x16xf32> to vector<10240x16xf32>
    %get3A_4 = arith.constant 1 : index
    %get3A_5 = arith.constant 0 : index
    %get3A_6 = arith.constant 0 : index
    %get3A_7 = vector.load %arg0[%get3A_4, %get3A_5, %get3A_6] : memref<2x10240x16xf32, #tpu.memory_space<vmem>>, vector<1x10240x16xf32>
    %get3A_8 = vector.shape_cast %get3A_7 : vector<1x10240x16xf32> to vector<10240x16xf32>
    %add3A = arith.addf %get3A_3, %get3A_8 : vector<10240x16xf32>
    %add3A_9 = arith.constant 1.000000e+00 : f32
    %add3A_10 = vector.broadcast %add3A_9 : f32 to vector<10240x16xf32>
    %add3A_11 = arith.addf %add3A, %add3A_10 : vector<10240x16xf32>
    %rsqrt3A = math.rsqrt %add3A_11 : vector<10240x16xf32>
    %swap3A = arith.constant 0 : index
    %swap3A_12 = arith.constant 0 : index
    %swap3A_13 = vector.load %arg4[%swap3A, %swap3A_12] : memref<10240x16xf32, #tpu.memory_space<vmem>>, vector<10240x16xf32>
    tpu.vector_store %arg4[%swap3A, %swap3A_12], %rsqrt3A {strides = array<i32>} : memref<10240x16xf32, #tpu.memory_space<vmem>>, vector<10240x16xf32>,
    %get3A_14 = arith.constant 0 : index
    %get3A_15 = arith.constant 0 : index
    %get3A_16 = vector.load %arg1[%get3A_14, %get3A_15] : memref<10240x128xf32, #tpu.memory_space<vmem>>, vector<10240x128xf32>
    %slice3A = vector.extract_strided_slice %rsqrt3A {offsets = [0, 0], sizes = [10240, 1], strides = [1, 1]} : vector<10240x16xf32> to vector<10240x1xf32>
    %mul3A = vector.broadcast %slice3A : vector<10240x1xf32> to vector<10240x128xf32>
    %mul3A_17 = arith.mulf %get3A_16, %mul3A : vector<10240x128xf32>
    %get3A_18 = arith.constant 0 : index
    %get3A_19 = arith.constant 0 : index
    %get3A_20 = vector.load %arg2[%get3A_18, %get3A_19] : memref<128x32xf32, #tpu.memory_space<vmem>>, vector<128x32xf32>
    %dot_general3A = arith.constant dense<0.000000e+00> : vector<10240x32xf32>
    %dot_general3A_21 = tpu.matmul %mul3A_17, %get3A_20, %dot_general3A {dimension_numbers = #tpu.dot_dimension_numbers<[1], [0], [0], [1], [0, 0, 1, 1], [], []>, transpose_lhs_hint = false} : vector<10240x128xf32>, vector<128x32xf32>, vector<10240x32xf32> -> vector<10240x32xf32>
    %swap3A_22 = arith.constant 0 : index
    %swap3A_23 = arith.constant 0 : index
    %swap3A_24 = vector.load %arg3[%swap3A_22, %swap3A_23] : memref<10240x32xf32, #tpu.memory_space<vmem>>, vector<10240x32xf32>
    tpu.vector_store %arg3[%swap3A_22, %swap3A_23], %dot_general3A_21 {strides = array<i32>} : memref<10240x32xf32, #tpu.memory_space<vmem>>, vector<10240x32xf32>,
    return
  }
}

module attributes {stable_mosaic.version = 14 : i64} {
  func.func @_layer1_body(%arg0: memref<2x10240x32xf32, #tpu.memory_space<vmem>>, %arg1: memref<10240x32xf32, #tpu.memory_space<vmem>>, %arg2: memref<10240x16xf32, #tpu.memory_space<vmem>>, %arg3: memref<1x32xf32, #tpu.memory_space<vmem>>, %arg4: memref<10240x32xf32, #tpu.memory_space<vmem>>) attributes {dimension_semantics = [], scalar_prefetch = 0 : i64, scratch_operands = 0 : i64, tpu.core_type = #tpu.core_type<tc>} {
    %get3A = arith.constant 0 : index
    %get3A_0 = arith.constant 0 : index
    %get3A_1 = vector.load %arg2[%get3A, %get3A_0] : memref<10240x16xf32, #tpu.memory_space<vmem>>, vector<10240x1xf32>
    %get3A_2 = arith.constant 0 : index
    %get3A_3 = arith.constant 0 : index
    %get3A_4 = arith.constant 0 : index
    %get3A_5 = vector.load %arg0[%get3A_2, %get3A_3, %get3A_4] : memref<2x10240x32xf32, #tpu.memory_space<vmem>>, vector<1x10240x32xf32>
    %get3A_6 = vector.shape_cast %get3A_5 : vector<1x10240x32xf32> to vector<10240x32xf32>
    %get3A_7 = arith.constant 1 : index
    %get3A_8 = arith.constant 0 : index
    %get3A_9 = arith.constant 0 : index
    %get3A_10 = vector.load %arg0[%get3A_7, %get3A_8, %get3A_9] : memref<2x10240x32xf32, #tpu.memory_space<vmem>>, vector<1x10240x32xf32>
    %get3A_11 = vector.shape_cast %get3A_10 : vector<1x10240x32xf32> to vector<10240x32xf32>
    %add3A = arith.addf %get3A_6, %get3A_11 : vector<10240x32xf32>
    %get3A_12 = arith.constant 0 : index
    %get3A_13 = arith.constant 0 : index
    %get3A_14 = vector.load %arg1[%get3A_12, %get3A_13] : memref<10240x32xf32, #tpu.memory_space<vmem>>, vector<10240x32xf32>
    %add3A_15 = arith.addf %add3A, %get3A_14 : vector<10240x32xf32>
    %mul3A = vector.broadcast %get3A_1 : vector<10240x1xf32> to vector<10240x32xf32>
    %mul3A_16 = arith.mulf %mul3A, %add3A_15 : vector<10240x32xf32>
    %get3A_17 = arith.constant 0 : index
    %get3A_18 = arith.constant 0 : index
    %get3A_19 = vector.load %arg3[%get3A_17, %get3A_18] : memref<1x32xf32, #tpu.memory_space<vmem>>, vector<1x32xf32>
    %add3A_20 = vector.broadcast %get3A_19 : vector<1x32xf32> to vector<10240x32xf32>
    %add3A_21 = arith.addf %mul3A_16, %add3A_20 : vector<10240x32xf32>
    %max3A = arith.constant 0.000000e+00 : f32
    %max3A_22 = vector.broadcast %max3A : f32 to vector<10240x32xf32>
    %max3A_23 = arith.maximumf %add3A_21, %max3A_22 : vector<10240x32xf32>
    %mul3A_24 = vector.broadcast %get3A_1 : vector<10240x1xf32> to vector<10240x32xf32>
    %mul3A_25 = arith.mulf %mul3A_24, %max3A_23 : vector<10240x32xf32>
    %swap3A = arith.constant 0 : index
    %swap3A_26 = arith.constant 0 : index
    %swap3A_27 = vector.load %arg4[%swap3A, %swap3A_26] : memref<10240x32xf32, #tpu.memory_space<vmem>>, vector<10240x32xf32>
    tpu.vector_store %arg4[%swap3A, %swap3A_26], %mul3A_25 {strides = array<i32>} : memref<10240x32xf32, #tpu.memory_space<vmem>>, vector<10240x32xf32>,
    return
  }
}

module attributes {stable_mosaic.version = 14 : i64} {
  func.func @_layer2_body(%arg0: memref<2x10240x32xf32, #tpu.memory_space<vmem>>, %arg1: memref<10240x32xf32, #tpu.memory_space<vmem>>, %arg2: memref<10240x16xf32, #tpu.memory_space<vmem>>, %arg3: memref<32x128xf32, #tpu.memory_space<vmem>>, %arg4: memref<1x128xf32, #tpu.memory_space<vmem>>, %arg5: memref<10240x128xf32, #tpu.memory_space<vmem>>) attributes {dimension_semantics = [], scalar_prefetch = 0 : i64, scratch_operands = 0 : i64, tpu.core_type = #tpu.core_type<tc>} {
    %get3A = arith.constant 0 : index
    %get3A_0 = arith.constant 0 : index
    %get3A_1 = vector.load %arg2[%get3A, %get3A_0] : memref<10240x16xf32, #tpu.memory_space<vmem>>, vector<10240x1xf32>
    %get3A_2 = arith.constant 0 : index
    %get3A_3 = arith.constant 0 : index
    %get3A_4 = arith.constant 0 : index
    %get3A_5 = vector.load %arg0[%get3A_2, %get3A_3, %get3A_4] : memref<2x10240x32xf32, #tpu.memory_space<vmem>>, vector<1x10240x32xf32>
    %get3A_6 = vector.shape_cast %get3A_5 : vector<1x10240x32xf32> to vector<10240x32xf32>
    %get3A_7 = arith.constant 1 : index
    %get3A_8 = arith.constant 0 : index
    %get3A_9 = arith.constant 0 : index
    %get3A_10 = vector.load %arg0[%get3A_7, %get3A_8, %get3A_9] : memref<2x10240x32xf32, #tpu.memory_space<vmem>>, vector<1x10240x32xf32>
    %get3A_11 = vector.shape_cast %get3A_10 : vector<1x10240x32xf32> to vector<10240x32xf32>
    %add3A = arith.addf %get3A_6, %get3A_11 : vector<10240x32xf32>
    %get3A_12 = arith.constant 0 : index
    %get3A_13 = arith.constant 0 : index
    %get3A_14 = vector.load %arg1[%get3A_12, %get3A_13] : memref<10240x32xf32, #tpu.memory_space<vmem>>, vector<10240x32xf32>
    %add3A_15 = arith.addf %add3A, %get3A_14 : vector<10240x32xf32>
    %mul3A = vector.broadcast %get3A_1 : vector<10240x1xf32> to vector<10240x32xf32>
    %mul3A_16 = arith.mulf %mul3A, %add3A_15 : vector<10240x32xf32>
    %get3A_17 = arith.constant 0 : index
    %get3A_18 = arith.constant 0 : index
    %get3A_19 = vector.load %arg3[%get3A_17, %get3A_18] : memref<32x128xf32, #tpu.memory_space<vmem>>, vector<32x128xf32>
    %dot_general3A = arith.constant dense<0.000000e+00> : vector<10240x128xf32>
    %dot_general3A_20 = tpu.matmul %mul3A_16, %get3A_19, %dot_general3A {dimension_numbers = #tpu.dot_dimension_numbers<[1], [0], [0], [1], [0, 0, 1, 1], [], []>, transpose_lhs_hint = false} : vector<10240x32xf32>, vector<32x128xf32>, vector<10240x128xf32> -> vector<10240x128xf32>
    %get3A_21 = arith.constant 0 : index
    %get3A_22 = arith.constant 0 : index
    %get3A_23 = vector.load %arg4[%get3A_21, %get3A_22] : memref<1x128xf32, #tpu.memory_space<vmem>>, vector<1x128xf32>
    %add3A_24 = vector.broadcast %get3A_23 : vector<1x128xf32> to vector<10240x128xf32>
    %add3A_25 = arith.addf %dot_general3A_20, %add3A_24 : vector<10240x128xf32>
    %logistic3A = arith.negf %add3A_25 : vector<10240x128xf32>
    %logistic3A_26 = math.exp %logistic3A : vector<10240x128xf32>
    %logistic3A_27 = arith.constant 1.000000e+00 : f32
    %logistic3A_28 = vector.broadcast %logistic3A_27 : f32 to vector<10240x128xf32>
    %logistic3A_29 = arith.addf %logistic3A_28, %logistic3A_26 : vector<10240x128xf32>
    %logistic3A_30 = arith.divf %logistic3A_28, %logistic3A_29 : vector<10240x128xf32>
    %swap3A = arith.constant 0 : index
    %swap3A_31 = arith.constant 0 : index
    %swap3A_32 = vector.load %arg5[%swap3A, %swap3A_31] : memref<10240x128xf32, #tpu.memory_space<vmem>>, vector<10240x128xf32>
    tpu.vector_store %arg5[%swap3A, %swap3A_31], %logistic3A_30 {strides = array<i32>} : memref<10240x128xf32, #tpu.memory_space<vmem>>, vector<10240x128xf32>,
    return
  }
}

</mosaic_0001>

<sc_bundles>
// kernel: kernel.11.cloned.1.call-start
scs
__scs_entry_jumppad:
0x0: {  	(pc) =	sbr.rel $0x88, $3  }
0x1: {  	(tag) =	ssettag $0x0;
	lr =	simm.s32 $0x1  }
0x2: {  	[smem:$0x3F9B] =	sst lr;
	_ =	strace $0xD0000000  }
0x3: {  	_ = 	snop  }
0x4: {  	_ = 	snop  }
0x5: {  	_ = 	snop  }
0x6: {  	_ = 	snop  }
0x7: {  	_ = 	snop  }
__scs_overlays_trampoline_lowered:
0x8: {  	[smem:$0x3FAA] =	sst s0  }
0x9: {  	[smem:$0x3FAB] =	sst s1  }
0xa: {  	[smem:$0x3FAC] =	sst s2  }
0xb: {  	[smem:$0x3FAD] =	sst s3  }
0xc: {  	[smem:$0x3FAE] =	sst s4  }
0xd: {  	[smem:$0x3FAF] =	sst s5  }
0xe: {  	[smem:$0x3FB0] =	sst s6  }
0xf: {  	[smem:$0x3FB1] =	sst s7  }
0x10: {  	[smem:$0x3FB2] =	sst s8  }
0x11: {  	[smem:$0x3FB3] =	sst s9;
	s0 =	simm.s32 @!p0 $0x0  }
0x12: {  	s1 =	sld [smem:$0x3F99];
	s0 =	simm.s32 @p0 $0x1  }
0x13: {  	[smem:$0x3FB4] =	sst s0;
	s0 =	simm.s32 @!p1 $0x0  }
0x14: {  	s2 =	sld [smem:$0x3F98];
	s0 =	simm.s32 @p1 $0x1  }
0x15: {  	[smem:$0x3FB5] =	sst s0;
	s0 =	simm.s32 @!p2 $0x0  }
0x16: {  	s3 =	sld [smem:$0x3FDB];
	s0 =	simm.s32 @p2 $0x1  }
0x17: {  	s4 =	simm.s32 $0x1BF5;
	[smem:$0x3FB7] =	sst s0  }
0x18: {  	s0 =	sld [smem:$0x3F9A];
	_ =	swait.ge [sflag:s4], $0x0  }
0x19: {  	s7 =	sld [smem:$0x3F9B]  }
0x1a: {  	s8 =	sadd.s32 $0xFFFFE003, lr  }
0x1b: {  	s9 =	sadd.s32 $0xFFFFFEF7, lr;
	s5 =	simm.s32 $0xFFFFFFFF;
	p2 =	slt.u32 s8, $0xFFFFF086  }
0x1c: {  	p1 =	slt.u32 s9, $0xF7A;
	s5 =	simm.s32 @!p2 $0x0  }
0x1d: {  	s5 =	simm.s32 @p1 $0x1;
	p0 =	seq.s32 s7, s2  }
0x1e: {  	s7 =	smul.u32 @!p0 $0xF7A, s2;
	p2 =	seq.s32 @!p0 s5, $0x0  }
0x1f: {  	s9 =	smul.u32 $0xF7A, s1;
	s8 =	simm.s32 @!p0 $0x1BF5;
	p2 =	por !p2, p0  }
0x20: {  	[sflag:s8] =	ssyncset.s32 @!p0 $0xFFFFF086;
	s6 =	sadd.s32 @!p0 s3, s7;
	s7 =	simm.s32 @!p0 $0x108  }
0x21: {  	s3 =	sadd.s32 s3, s9;
	s6 =	sadd.s32 @!p0 $0x88, s6;
	s7 =	simm.s32 @p2 $0x1082  }
0x22: {  	[simem:s7], [sflag:s8] =	dma.local @!p0 [hbm:s6], $0xF7A  }
0x23: {  	s9 =	sor.u32 $0xD0000000, s2;
	s6 =	simm.s32 $0x108;
	_ =	swait.ge @!p0 [sflag:s8], $0x0  }
0x24: {  	s3 =	sadd.s32 $0x88, s3;
	s6 =	simm.s32 @!p1 $0x1082;
	[sflag:s4] =	ssyncset.s32 $0xFFFFF086  }
0x25: {  	[simem:s6], [sflag:s4] =	dma.local [hbm:s3], $0xF7A  }
0x26: {  	[smem:$0x3F9B] =	sst s1;
	(tag) =	ssettag s2;
	_ =	strace s9  }
0x27: {  	s1 =	sld [smem:$0x3FAB]  }
0x28: {  	s2 =	sld [smem:$0x3FAC]  }
0x29: {  	s4 =	sld [smem:$0x3FAE]  }
0x2a: {  	p0 =	seq.s32 s5, $0x0;
	s5 =	sld [smem:$0x3FAF]  }
0x2b: {  	s6 =	sld [smem:$0x3FB0]  }
0x2c: {  	s7 =	sld [smem:$0x3FB1]  }
0x2d: {  	s3 =	simm.s32 $0x108;
	s8 =	sld [smem:$0x3FB2]  }
0x2e: {  	s3 =	simm.s32 @!p0 $0x1082;
	s9 =	sld [smem:$0x3FB3]  }
0x2f: {  	lr =	sadd.s32 s0, s3;
	s0 =	sld [smem:$0x3FAA]  }
0x30: {  	s3 =	sld [smem:$0x3FAD]  }
0x31: {  	[smem:$0x3FB6] =	sst s10  }
0x32: {  	s10 =	sld [smem:$0x3FB4];
	_ =	sdelay $0x3  }
0x33: {  	p0 =	seq.s32 s10, $0x1;
	s10 =	sld [smem:$0x3FB6];
	_ =	sdelay $0x3  }
0x34: {  	[smem:$0x3FB6] =	sst s10  }
0x35: {  	s10 =	sld [smem:$0x3FB5];
	_ =	sdelay $0x3  }
0x36: {  	p1 =	seq.s32 s10, $0x1;
	s10 =	sld [smem:$0x3FB6];
	_ =	sdelay $0x3  }
0x37: {  	[smem:$0x3FB6] =	sst s10  }
0x38: {  	s10 =	sld [smem:$0x3FB7]  }
0x39: {  	_ = 	snop;
	(pc) =	sbr.ind lr, $3  }
0x3a: {  	_ = 	snop  }
0x3b: {  	_ = 	snop  }
0x3c: {  	p2 =	seq.s32 s10, $0x1;
	s10 =	sld [smem:$0x3FB6]  }
0x3d: {  	_ =	shalt  }
0x3e: {  	_ =	shalt  }
0x3f: {  	_ =	shalt  }
0x40: {  	_ =	shalt  }
0x41: {  	_ =	shalt  }
0x42: {  	_ =	shalt  }
0x43: {  	_ =	shalt  }
0x44: {  	_ =	shalt  }
0x45: {  	_ =	shalt  }
0x46: {  	_ =	shalt  }
0x47: {  	_ =	shalt  }
0x48: {  	_ =	shalt  }
0x49: {  	_ =	shalt  }
0x4a: {  	_ =	shalt  }
0x4b: {  	_ =	shalt  }
0x4c: {  	_ =	shalt  }
0x4d: {  	_ =	shalt  }
0x4e: {  	_ =	shalt  }
0x4f: {  	_ =	shalt  }
0x50: {  	_ =	shalt  }
0x51: {  	_ =	shalt  }
0x52: {  	_ =	shalt  }
0x53: {  	_ =	shalt  }
0x54: {  	_ =	shalt  }
0x55: {  	_ =	shalt  }
0x56: {  	_ =	shalt  }
0x57: {  	_ =	shalt  }
0x58: {  	_ =	shalt  }
0x59: {  	_ =	shalt  }
0x5a: {  	_ =	shalt  }
0x5b: {  	_ =	shalt  }
0x5c: {  	_ =	shalt  }
0x5d: {  	_ =	shalt  }
0x5e: {  	_ =	shalt  }
0x5f: {  	_ =	shalt  }
0x60: {  	_ =	shalt  }
0x61: {  	_ =	shalt  }
0x62: {  	_ =	shalt  }
0x63: {  	_ =	shalt  }
0x64: {  	_ =	shalt  }
0x65: {  	_ =	shalt  }
0x66: {  	_ =	shalt  }
0x67: {  	_ =	shalt  }
0x68: {  	_ =	shalt  }
0x69: {  	_ =	shalt  }
0x6a: {  	_ =	shalt  }
0x6b: {  	_ =	shalt  }
0x6c: {  	_ =	shalt  }
0x6d: {  	_ =	shalt  }
0x6e: {  	_ =	shalt  }
0x6f: {  	_ =	shalt  }
0x70: {  	_ =	shalt  }
0x71: {  	_ =	shalt  }
0x72: {  	_ =	shalt  }
0x73: {  	_ =	shalt  }
0x74: {  	_ =	shalt  }
0x75: {  	_ =	shalt  }
0x76: {  	_ =	shalt  }
0x77: {  	_ =	shalt  }
0x78: {  	_ =	shalt  }
0x79: {  	_ =	shalt  }
0x7a: {  	_ =	shalt  }
0x7b: {  	_ =	shalt  }
0x7c: {  	_ =	shalt  }
0x7d: {  	_ =	shalt  }
0x7e: {  	_ =	shalt  }
0x7f: {  	_ =	shalt  }
0x80: {  	_ =	shalt  }
0x81: {  	_ =	shalt  }
0x82: {  	_ =	shalt  }
0x83: {  	_ =	shalt  }
0x84: {  	_ =	shalt  }
0x85: {  	_ =	shalt  }
0x86: {  	_ =	shalt  }
0x87: {  	_ =	shalt  }
.Lfunc_end0:
.L_simem_size_0:
called_computation.1_lowered:
.L_overlay_start_0:
0x88: {  	s2 =	sld [smem:$0x3FD9]  }
0x89: {  	s3 =	sld [smem:$0x3FFE];
	_ =	sdelay $0x1  }
0x8a: {  	s1 =	srdreg.scid  }
0x8b: {  	s0 =	sand.u32 $0x1, s1  }
0x8c: {  	s17 =	sshll.u32 s0, $0xA;
	s2 =	sadd.s32 s3, s2  }
0x8d: {  	s2 =	sadd.s32 s2, s17  }
0x8e: {  	[smem:$0x3FC2] =	sst s2  }
0x8f: {  	_ = 	snop  }
0x90: {  	s2 =	sld [smem:$0x3FD0];
	(tm) =	ssettm $0x1  }
0x91: {  	s18 =	sld [smem:$0x3FFB];
	_ =	sdelay $0x3  }
0x92: {  	_ =	strace s18  }
0x93: {  	s3 =	sld [smem:$0x3FFC];
	_ =	sdelay $0x3  }
0x94: {  	_ =	strace s3  }
0x95: {  	s3 =	sld [smem:$0x3FFD];
	_ =	sdelay $0x3  }
0x96: {  	_ =	strace s3  }
0x97: {  	_ =	strace $0x8FFFFFFF  }
0x98: {  	s19 =	sld [smem:$0x3FDB];
	_ =	sdelay $0x1  }
0x99: {  	s4 =	simm.s32 $_scs_section_size  }
0x9a: {  	s5 =	simm.s32 $_size__tile_overlayer_lowered;
	s6 =	simm.s32 $_tile_overlayer_lowered  }
0x9b: {  	s22 =	simm.s32 $0x1BFF;
	s21 =	sshll.u32 s6, $0x1;
	s3 =	sadd.s32 s4, s19  }
0x9c: {  	s7 =	simm.s32 $0x0;
	s20 =	sshll.u32 s5, $0x1;
	s5 =	sadd.s32 s21, s3  }
0x9d: {  	[timem:s7], [sflag:s22] =	dma.local [hbm:s5], s20  }
0x9e: {  	_ =	swait.ge [sflag:s22], s20  }
0x9f: {  	s4 =	ssub.s32 $0x0, s20;
	[sflag:s22] =	ssyncset.done $0x0  }
0xa0: {  	[sflag:s22] =	ssyncadd.s32 s4;
	_ =	sdelay $0x1  }
0xa1: {  	s23 =	simm.s32 $0x1B8B  }
0xa2: {  	_ =	swait.ge [sflag:s23], $0x1  }
0xa3: {  	[sflag:s23] =	ssyncset.done $0x0  }
0xa4: {  	s25 =	simm.s32 $0x1B8E;
	s24 =	sld [smem:$0x3FFE];
	[sflag:s23] =	ssyncadd.s32 $0xFFFFFFFF  }
0xa5: {  	s26 =	simm.s32 $execute0_lowered;
	[smem:$0x3FD2] =	sst s25  }
0xa6: {  	s5 =	sshll.u32 s26, $0x1;
	_ =	strace $0x80000049;
	[dreg:$0x1] =	wrdreg $0xFFFFFFFF  }
0xa7: {  	s28 =	simm.s32 $_size_execute0_lowered;
	s3 =	sadd.s32 s3, s5;
	[dreg:$0x0] =	wrdreg $0x0  }
0xa8: {  	s5 =	sshll.u32 s28, $0x1;
	[dreg:$0x2] =	wrdreg s3  }
0xa9: {  	[dreg:$0x3] =	wrdreg s5  }
0xaa: {  	[dreg:$0x4] =	wrdreg $0xC0  }
0xab: {  	_ =	task [dreg:s7], $0x5FFFF  }
0xac: {  	[dreg:$0x1] =	wrdreg $0xFFFFFFFF  }
0xad: {  	[dreg:$0x0] =	wrdreg $0x60  }
0xae: {  	[dreg:$0x2] =	wrdreg s24  }
0xaf: {  	[dreg:$0x3] =	wrdreg s2  }
0xb0: {  	[dreg:$0x4] =	wrdreg $0xFF000  }
0xb1: {  	[dreg:$0x5] =	wrdreg $0xAF000  }
0xb2: {  	[dreg:$0x6] =	wrdreg $0x9  }
0xb3: {  	_ =	task.clear_ibuf [dreg:s7], $0x7FFFF;
	_ =	strace $0x90000049  }
0xb4: {  	s29 =	simm.s32 $0x9;
	_ =	strace $0x8000004B  }
0xb5: {  	_ =	swait.ge [sflag:s29], $0x1  }
0xb6: {  	[sflag:s29] =	ssyncadd.s32 $0xFFFFFFFF  }
0xb7: {  	_ =	strace $0x9000004B  }
0xb8: {  	_ =	sfence  }
0xb9: {  	s30 =	sld [smem:$0x0];
	_ =	sdelay $0x2  }
0xba: {  	s31 =	sshll.u32 s1, $0xD;
	s1 =	sshrl.u32 s1, $0x2  }
0xbb: {  	s3 =	sand.u32 $0x4000, s31;
	s1 =	sadd.s32 s1, s30  }
0xbc: {  	s0 =	sor.u32 s3, s0;
	s1 =	sshll.u32 s1, $0x11  }
0xbd: {  	s0 =	sor.u32 s1, s0  }
0xbe: {  	s0 =	sadd.s32 $0x8F2B, s0  }
0xbf: {  	[sflag:s0] =	ssyncadd.remote.s32 $0x1  }
0xc0: {  	_ =	sfence.sel $0xFFFF  }
0xc1: {  	[dreg:$0x0] =	wrdreg $0xFFFFFFFF;
	(pc) =	sbr.abs _section_cstart, $3  }
0xc2: {  	[dreg:$0x1] =	wrdreg $0xFFFFFFFF  }
0xc3: {  	_ =	task.clear_ibuf [dreg:s7], $0x2FFFF;
	_ =	strace $0x9FFFFFFF  }
0xc4: {  	(tm) =	ssettm $0x7FFFFFFF  }
0xc5: {  	_ =	shalt  }
tec
execute0_lowered:
.L_overlay_start_1:
0x0: {  	(tag) =	ssettag $0x1  }
0x1: {  	s0 =	rddreg [dreg:$0x0]  }
0x2: {  	s1 =	rddreg [dreg:$0x1]  }
0x3: {  	s2 =	rddreg [dreg:$0x2]  }
0x4: {  	s3 =	rddreg [dreg:$0x3]  }
0x5: {  	s11 =	stileid.u32;
	s4 =	srdreg.scid  }
0x6: {  	s15 =	simm.s32 $0xD;
	s18 =	simm.s32 $0x80;
	s19 =	simm.s32 $0x4F00  }
0x7: {  	s29 =	simm.s32 $0x9F00;
	s30 =	simm.s32 $0x1;
	s31 =	simm.s32 $0x7  }
0x8: {  	s17 =	simm.s32 $0x5;
	s5 =	sand.u32 $0x1, s4;
	s6 =	sshll.u32 s11, $0x1  }
0x9: {  	s4 =	simm.s32 $0x0;
	s10 =	smul.u32 $0x5000, s11;
	s22 =	sshll.u32 s11, $0x6  }
0xa: {  	s6 =	sor.u32 s5, s6;
	s20 =	ssub.s32 $0x2, s5;
	s5 =	smul.u32 $0x50000, s5  }
0xb: {  	p0 =	sgt.u32 s11, $0x1;
	[smem:$0x7FF] =	sst s4;
	s7 =	smul.u32 $0x4E, s6  }
0xc: {  	_ =	strace $0x8000004A;
	s6 =	smin.u32 s6, $0x4;
	s8 =	sshrl.u32 s10, $0x3  }
0xd: {  	s9 =	sshrl.u32 s20, $0x1;
	s14 =	sadd.s32 s10, s2;
	s16 =	sadd.s32 s10, s3  }
0xe: {  	s8 =	sadd.s32 s8, s0;
	s13 =	ssub.s32 s20, s9;
	s5 =	sadd.s32 s10, s5  }
0xf: {  	s14 =	sshrl.u32 s14, $0x3;
	s16 =	sshrl.u32 s16, $0x3;
	s20 =	simm.s32 $0xB  }
0x10: {  	s6 =	sadd.s32 s6, s7;
	s21 =	sadd.s32 $0x1F800, s8;
	s23 =	sadd.s32 $0x15800, s8  }
0x11: {  	s28 =	sshrl.u32 s5, $0x3;
	s6 =	sshll.u32 s6, $0x4;
	[dreg:$0x5] =	wrdreg s21  }
0x12: {  	s13 =	smax.u32 s13, $0x1;
	[dreg:$0x6] =	wrdreg s23;
	s0 =	sadd.s32 s6, s0  }
0x13: {  	s12 =	sadd.s32 s1, s28;
	s1 =	simm.s32 $0x9;
	s24 =	sadd.s32 $0x1E00, s0  }
.Ltmp0:
0x14: {  	s25 =	sadd.s32 $0xBA40, s0;
	[dreg:$0x7] =	wrdreg s24;
	(pc) =	sbr.rel .LBB2_1-.Ltmp0, $4  }
0x15: {  	s21 =	simm.s32 $0x6;
	s26 =	sadd.s32 $0x22E0, s0;
	[dreg:$0x8] =	wrdreg s25  }
0x16: {  	s23 =	simm.s32 $0xC;
	s0 =	sadd.s32 $0xBF20, s0;
	[dreg:$0x9] =	wrdreg s26  }
0x17: {  	s6 =	sor.u32 $0x1C0D, s22;
	s22 =	simm.s32 $0x6F00;
	[dreg:$0xa] =	wrdreg s0  }
0x18: {  	s26 =	simm.s32 $0x8F00;
	s0 =	simm.s32 $0x3;
	s24 =	simm.s32 $0x0  }
.LBB2_4:
0x19: {  	_ =	swait.ge [sflag:s21], $0x1000  }
0x1a: {  	[sflag:s21] =	ssyncset.done $0x0  }
0x1b: {  	[sflag:s21] =	ssyncadd.s32 $0xFFFFF000  }
0x1c: {  	[spmem:s2] =	stream.indirect.scatter.add.f32 [tilespmem:s29], [sflag:$0xC], $0x20, s5, s18, $0xb8;
	[tilespmem:$0x14F00] =	vst v63  }
0x1d: {  	_ =	swait.ge [sflag:s23], $0x1000  }
0x1e: {  	s7 =	simm.s32 @!p0 $0x2700;
	[sflag:s23] =	ssyncset.done $0x0  }
0x1f: {  	s8 =	simm.s32 @!p0 $0x4F00;
	s5 =	simm.s32 @!p0 $0x80;
	[sflag:s23] =	ssyncadd.s32 $0xFFFFF000  }
0x20: {  	[tilespmem:s8], [sflag:$0xD] =	stream.indirect.gather @!p0 [spmem:s3], $0x20, s7, s5, $0xb8;
	[tilespmem:$0x14F00] =	vst v63  }
0x21: {  	s7 =	simm.s32 @!p0 $0xD  }
0x22: {  	_ =	swait.ge @!p0 [sflag:s7], $0x1000  }
0x23: {  	[sflag:s7] =	ssyncset.done @!p0 $0x0  }
0x24: {  	s9 =	simm.s32 @!p0 $0x4E80;
	[sflag:s7] =	ssyncadd.s32 @!p0 $0xFFFFF000  }
0x25: {  	[spmem:s2] =	stream.indirect.scatter.add.f32 @!p0 [tilespmem:s8], [sflag:$0xD], $0x20, s9, s5, $0xb8;
	[tilespmem:$0x14F00] =	vst v63  }
0x26: {  	_ =	swait.ge @!p0 [sflag:s7], $0x1000  }
0x27: {  	s24 =	sadd.s32 $0x1, s24;
	[sflag:s7] =	ssyncset.done @!p0 $0x0  }
0x28: {  	p1 =	sne.s32 s24, s13;
	[sflag:s7] =	ssyncadd.s32 @!p0 $0xFFFFF000  }
.Ltmp1:
0x29: {  	[bflag:$0x0] =	sbarrier.arrive $0xFFFF;
	(pc) =	sbr.rel @!p1 .LBB2_5-.Ltmp1, $4  }
0x2a: {  	[hbm:s12], [sflag:s6] =	dma.local [spmem:s14], $0xA00  }
0x2b: {  	_ =	swait.ge [sflag:s15], $0xA00  }
0x2c: {  	[sflag:s15] =	ssyncset.done $0x0  }
0x2d: {  	[sflag:s15] =	ssyncadd.s32 $0xFFFFF600  }
.LBB2_1:
0x2e: {  	s5 =	rddreg [dreg:$0x5]  }
0x2f: {  	[spmem:s14], [sflag:s6] =	dma.local [hbm:s5], $0xA00  }
0x30: {  	_ =	swait.ge [sflag:s15], $0xA00  }
0x31: {  	[sflag:s15] =	ssyncset.done $0x0  }
0x32: {  	s11 =	rddreg [dreg:$0x6];
	[sflag:s15] =	ssyncadd.s32 $0xFFFFF600  }
0x33: {  	[spmem:s16], [sflag:s6] =	dma.local [hbm:s11], $0xA00  }
0x34: {  	_ =	swait.ge [sflag:s15], $0xA00  }
0x35: {  	[sflag:s15] =	ssyncset.done $0x0  }
0x36: {  	s25 =	rddreg [dreg:$0x7];
	[sflag:s15] =	ssyncadd.s32 $0xFFFFF600  }
0x37: {  	[tilespmem:s4], [sflag:$0xD] =	stream.linear.gather [hbm4b:s25+s4], $0x2700, $0x38;
	[tilespmem:$0x14F00] =	vst v63  }
0x38: {  	_ =	swait.ge [sflag:s15], $0x2700  }
0x39: {  	[sflag:s15] =	ssyncset.done $0x0  }
0x3a: {  	s7 =	simm.s32 $0x2780;
	s28 =	rddreg [dreg:$0x8];
	[sflag:s15] =	ssyncadd.s32 $0xFFFFD900  }
0x3b: {  	[tilespmem:s7], [sflag:$0xD] =	stream.linear.gather [hbm4b:s28+s4], $0x2700, $0x38;
	[tilespmem:$0x14F00] =	vst v63  }
0x3c: {  	_ =	swait.ge [sflag:s15], $0x2700  }
0x3d: {  	s5 =	simm.s32 @!p0 $0x0;
	[sflag:s15] =	ssyncset.done $0x0  }
0x3e: {  	s25 =	simm.s32 @!p0 $0x2700;
	s7 =	rddreg [dreg:$0x9];
	[sflag:s15] =	ssyncadd.s32 $0xFFFFD900  }
0x3f: {  	[tilespmem:s25], [sflag:$0xD] =	stream.linear.gather @!p0 [hbm4b:s7+s5], $0x80, $0x38;
	[tilespmem:$0x14F00] =	vst v63  }
0x40: {  	s25 =	simm.s32 @!p0 $0xD  }
0x41: {  	_ =	swait.ge @!p0 [sflag:s25], $0x80  }
0x42: {  	[sflag:s25] =	ssyncset.done @!p0 $0x0  }
0x43: {  	s28 =	simm.s32 @!p0 $0x4E80;
	s7 =	rddreg [dreg:$0xa];
	[sflag:s25] =	ssyncadd.s32 @!p0 $0xFFFFFF80  }
0x44: {  	[tilespmem:s28], [sflag:$0xD] =	stream.linear.gather @!p0 [hbm4b:s7+s5], $0x80, $0x38;
	[tilespmem:$0x14F00] =	vst v63  }
0x45: {  	_ =	swait.ge @!p0 [sflag:s25], $0x80  }
0x46: {  	[sflag:s25] =	ssyncset.done @!p0 $0x0  }
0x47: {  	[sflag:s25] =	ssyncadd.s32 @!p0 $0xFFFFFF80  }
0x48: {  	[bflag:$0x0] =	sbarrier.arrive $0xFFFF  }
0x49: {  	[tilespmem:s19], [sflag:$0x1] =	stream.indirect.gather [spmem:s3], $0x20, s4, s18, $0xb8;
	[tilespmem:$0x14F00] =	vst v63  }
0x4a: {  	s8 =	simm.s32 $0x5F00  }
0x4b: {  	[tilespmem:s8], [sflag:$0x2] =	stream.indirect.gather [spmem:s3], $0x20, s18, s18, $0xb8;
	[tilespmem:$0x14F00] =	vst v63  }
0x4c: {  	s9 =	simm.s32 $0x100  }
0x4d: {  	[tilespmem:s22], [sflag:$0x3] =	stream.indirect.gather [spmem:s3], $0x20, s9, s18, $0xb8;
	[tilespmem:$0x14F00] =	vst v63  }
0x4e: {  	s10 =	simm.s32 $0x180;
	s11 =	simm.s32 $0x7F00  }
0x4f: {  	[tilespmem:s11], [sflag:$0x4] =	stream.indirect.gather [spmem:s3], $0x20, s10, s18, $0xb8;
	[tilespmem:$0x14F00] =	vst v63  }
0x50: {  	s25 =	simm.s32 $0x200  }
0x51: {  	[tilespmem:s26], [sflag:$0x5] =	stream.indirect.gather [spmem:s3], $0x20, s25, s18, $0xb8;
	[tilespmem:$0x14F00] =	vst v63  }
0x52: {  	s28 =	simm.s32 $0x280;
	s25 =	simm.s32 $0x0  }
0x53: {  	[tilespmem:s29], [sflag:$0x6] =	stream.indirect.gather [spmem:s3], $0x20, s28, s18, $0xb8;
	[tilespmem:$0x14F00] =	vst v63  }
.LBB2_2:
0x54: {  	_ =	swait.ge [sflag:s30], $0x1000  }
0x55: {  	s28 =	sshra.s32 s25, $0x2;
	[sflag:s30] =	ssyncset.done $0x0  }
0x56: {  	s5 =	sadd.s32 $0x2780, s28;
	[sflag:s30] =	ssyncadd.s32 $0xFFFFF000  }
0x57: {  	[spmem:s2] =	stream.indirect.scatter.add.f32 [tilespmem:s19], [sflag:$0x7], $0x20, s5, s18, $0xb8;
	[tilespmem:$0x14F00] =	vst v63  }
0x58: {  	_ =	swait.ge [sflag:s31], $0x1000  }
0x59: {  	p1 =	seq.s32 s25, $0x9000;
	[sflag:s31] =	ssyncset.done $0x0  }
0x5a: {  	s5 =	simm.s32 @p1 $0x2;
	[sflag:s31] =	ssyncadd.s32 $0xFFFFF000  }
0x5b: {  	_ =	swait.ge @p1 [sflag:s5], $0x1000  }
0x5c: {  	[sflag:s5] =	ssyncset.done @p1 $0x0  }
0x5d: {  	[sflag:s5] =	ssyncadd.s32 @p1 $0xFFFFF000;
	s5 =	sshra.s32 @p1 s25, $0x2  }
0x5e: {  	s8 =	simm.s32 @p1 $0x80;
	s9 =	simm.s32 @p1 $0x5F00;
	s7 =	sadd.s32 @p1 $0x2800, s5  }
0x5f: {  	[spmem:s2] =	stream.indirect.scatter.add.f32 @p1 [tilespmem:s9], [sflag:$0x8], $0x20, s7, s8, $0xb8;
	[tilespmem:$0x14F00] =	vst v63  }
0x60: {  	s7 =	simm.s32 @p1 $0x8  }
0x61: {  	_ =	swait.ge @p1 [sflag:s7], $0x1000  }
0x62: {  	[sflag:s7] =	ssyncset.done @p1 $0x0  }
0x63: {  	[sflag:s7] =	ssyncadd.s32 @p1 $0xFFFFF000;
	s7 =	sshra.s32 @!p1 s25, $0x2  }
0x64: {  	s10 =	simm.s32 @!p1 $0x80;
	s11 =	simm.s32 @!p1 $0x4F00;
	s9 =	sadd.s32 @!p1 $0x300, s7  }
0x65: {  	[tilespmem:s11], [sflag:$0x1] =	stream.indirect.gather @!p1 [spmem:s3], $0x20, s9, s10, $0xb8;
	[tilespmem:$0x14F00] =	vst v63  }
0x66: {  	s9 =	simm.s32 @!p1 $0x2  }
0x67: {  	_ =	swait.ge @!p1 [sflag:s9], $0x1000  }
0x68: {  	[sflag:s9] =	ssyncset.done @!p1 $0x0  }
0x69: {  	s11 =	simm.s32 @!p1 $0x5F00;
	[sflag:s9] =	ssyncadd.s32 @!p1 $0xFFFFF000;
	s9 =	sadd.s32 @!p1 $0x2800, s7  }
0x6a: {  	[spmem:s2] =	stream.indirect.scatter.add.f32 @!p1 [tilespmem:s11], [sflag:$0x8], $0x20, s9, s10, $0xb8;
	[tilespmem:$0x14F00] =	vst v63  }
0x6b: {  	s9 =	simm.s32 @!p1 $0x8  }
0x6c: {  	_ =	swait.ge @!p1 [sflag:s9], $0x1000  }
0x6d: {  	[sflag:s9] =	ssyncset.done @!p1 $0x0  }
0x6e: {  	[sflag:s9] =	ssyncadd.s32 @!p1 $0xFFFFF000;
	s9 =	sadd.s32 @!p1 $0x380, s7  }
0x6f: {  	[tilespmem:s11], [sflag:$0x2] =	stream.indirect.gather @!p1 [spmem:s3], $0x20, s9, s10, $0xb8;
	[tilespmem:$0x14F00] =	vst v63  }
0x70: {  	_ =	swait.ge [sflag:s0], $0x1000  }
0x71: {  	[sflag:s0] =	ssyncset.done $0x0  }
0x72: {  	s11 =	sadd.s32 $0x2880, s28;
	[sflag:s0] =	ssyncadd.s32 $0xFFFFF000  }
0x73: {  	[spmem:s2] =	stream.indirect.scatter.add.f32 [tilespmem:s22], [sflag:$0x9], $0x20, s11, s18, $0xb8;
	[tilespmem:$0x14F00] =	vst v63  }
0x74: {  	_ =	swait.ge [sflag:s1], $0x1000  }
0x75: {  	[sflag:s1] =	ssyncset.done $0x0  }
0x76: {  	s9 =	simm.s32 @p1 $0x4;
	[sflag:s1] =	ssyncadd.s32 $0xFFFFF000  }
0x77: {  	_ =	swait.ge @p1 [sflag:s9], $0x1000  }
0x78: {  	[sflag:s9] =	ssyncset.done @p1 $0x0  }
0x79: {  	s5 =	sadd.s32 @p1 $0x2900, s5;
	[sflag:s9] =	ssyncadd.s32 @p1 $0xFFFFF000;
	s9 =	simm.s32 @p1 $0x7F00  }
0x7a: {  	[spmem:s2] =	stream.indirect.scatter.add.f32 @p1 [tilespmem:s9], [sflag:$0xA], $0x20, s5, s8, $0xb8;
	[tilespmem:$0x14F00] =	vst v63  }
0x7b: {  	s5 =	simm.s32 @p1 $0xA  }
0x7c: {  	_ =	swait.ge @p1 [sflag:s5], $0x1000  }
0x7d: {  	[sflag:s5] =	ssyncset.done @p1 $0x0  }
0x7e: {  	s8 =	simm.s32 @!p1 $0x6F00;
	[sflag:s5] =	ssyncadd.s32 @p1 $0xFFFFF000;
	s5 =	sadd.s32 @!p1 $0x400, s7  }
0x7f: {  	[tilespmem:s8], [sflag:$0x3] =	stream.indirect.gather @!p1 [spmem:s3], $0x20, s5, s10, $0xb8;
	[tilespmem:$0x14F00] =	vst v63  }
0x80: {  	s5 =	simm.s32 @!p1 $0x4  }
0x81: {  	_ =	swait.ge @!p1 [sflag:s5], $0x1000  }
0x82: {  	[sflag:s5] =	ssyncset.done @!p1 $0x0  }
0x83: {  	s8 =	simm.s32 @!p1 $0x7F00;
	[sflag:s5] =	ssyncadd.s32 @!p1 $0xFFFFF000;
	s5 =	sadd.s32 @!p1 $0x2900, s7  }
0x84: {  	[spmem:s2] =	stream.indirect.scatter.add.f32 @!p1 [tilespmem:s8], [sflag:$0xA], $0x20, s5, s10, $0xb8;
	[tilespmem:$0x14F00] =	vst v63  }
0x85: {  	s5 =	simm.s32 @!p1 $0xA  }
0x86: {  	_ =	swait.ge @!p1 [sflag:s5], $0x1000  }
0x87: {  	[sflag:s5] =	ssyncset.done @!p1 $0x0  }
0x88: {  	[sflag:s5] =	ssyncadd.s32 @!p1 $0xFFFFF000;
	s5 =	sadd.s32 @!p1 $0x480, s7  }
0x89: {  	[tilespmem:s8], [sflag:$0x4] =	stream.indirect.gather @!p1 [spmem:s3], $0x20, s5, s10, $0xb8;
	[tilespmem:$0x14F00] =	vst v63  }
0x8a: {  	_ =	swait.ge [sflag:s17], $0x1000  }
0x8b: {  	[sflag:s17] =	ssyncset.done $0x0  }
.Ltmp2:
0x8c: {  	s11 =	sadd.s32 $0x2980, s28;
	[sflag:s17] =	ssyncadd.s32 $0xFFFFF000;
	(pc) =	sbr.rel @p1 .LBB2_4-.Ltmp2, $4  }
0x8d: {  	[spmem:s2] =	stream.indirect.scatter.add.f32 [tilespmem:s26], [sflag:$0xB], $0x20, s11, s18, $0xb8;
	[tilespmem:$0x14F00] =	vst v63  }
0x8e: {  	_ =	swait.ge [sflag:s20], $0x1000  }
0x8f: {  	[sflag:s20] =	ssyncset.done $0x0  }
0x90: {  	s5 =	sadd.s32 $0x2A00, s28;
	[sflag:s20] =	ssyncadd.s32 $0xFFFFF000  }
0x91: {  	s7 =	sadd.s32 $0x500, s28  }
0x92: {  	[tilespmem:s26], [sflag:$0x5] =	stream.indirect.gather [spmem:s3], $0x20, s7, s18, $0xb8;
	[tilespmem:$0x14F00] =	vst v63  }
0x93: {  	_ =	swait.ge [sflag:s21], $0x1000  }
0x94: {  	[sflag:s21] =	ssyncset.done $0x0  }
0x95: {  	[sflag:s21] =	ssyncadd.s32 $0xFFFFF000  }
0x96: {  	[spmem:s2] =	stream.indirect.scatter.add.f32 [tilespmem:s29], [sflag:$0xC], $0x20, s5, s18, $0xb8;
	[tilespmem:$0x14F00] =	vst v63  }
.Ltmp3:
0x97: {  	_ = 	snop;
	(pc) =	sbr.rel .LBB2_2-.Ltmp3, $4  }
0x98: {  	_ =	swait.ge [sflag:s23], $0x1000  }
0x99: {  	[sflag:s23] =	ssyncset.done $0x0  }
0x9a: {  	s28 =	sadd.s32 $0x580, s28;
	s25 =	sadd.s32 $0xC00, s25;
	[sflag:s23] =	ssyncadd.s32 $0xFFFFF000  }
0x9b: {  	[tilespmem:s29], [sflag:$0x6] =	stream.indirect.gather [spmem:s3], $0x20, s28, s18, $0xb8;
	[tilespmem:$0x14F00] =	vst v63  }
.LBB2_5:
0x9c: {  	_ =	sfence.sel $0x180000  }
0x9d: {  	[bflag:$0x0] =	sbarrier.arrive $0xFFFF  }
0x9e: {  	_ =	strace $0x9000004A  }
0x9f: {  	s0 =	stileid.u32;
	[bflag:$0x2] =	sbarrier.arrive $0xFFFF  }
0xa0: {  	p0 =	sne.s32 s0, $0x0;
	s0 =	rddreg [dreg:$0x4]  }
0xa1: {  	s0 =	sadd.s32 @!p0 $0x100000, s0  }
0xa2: {  	[sflag:s0] =	ssyncadd.tile.s32 @!p0 $0x1;
	_ =	shalt  }
.Lfunc_end2:
_tile_overlayer_lowered:
.L_overlay_start_2:
0xa3: {  	(tag) =	ssettag $0x2  }
0xa4: {  	s0 =	rddreg [dreg:$0x0];
	s2 =	stileid.u32  }
0xa5: {  	s1 =	rddreg [dreg:$0x1];
	p0 =	sne.s32 s2, $0x0  }
0xa6: {  	s3 =	rddreg [dreg:$0x2];
	[bflag:$0x3] =	sbarrier.arrive $0xFFFF;
	s2 =	simm.s32 @!p0 $0x1C0D  }
0xa7: {  	[timem:s3], [sflag:s2] =	dma.local @!p0 [hbm:s0], s1  }
0xa8: {  	s0 =	simm.s32 @!p0 $0xD  }
0xa9: {  	_ =	swait.ge @!p0 [sflag:s0], s1  }
0xaa: {  	s1 =	ssub.s32 @!p0 $0x0, s1;
	[sflag:s0] =	ssyncset.done @!p0 $0x0  }
0xab: {  	[sflag:s0] =	ssyncadd.s32 @!p0 s1  }
0xac: {  	[bflag:$0x3] =	sbarrier.arrive $0xFFFF  }
0xad: {  	_ =	shalt  }

// kernel: kernel.14.cloned.1.call-start
scs
__scs_entry_jumppad:
0x0: {  	(pc) =	sbr.rel $0x88, $3  }
0x1: {  	(tag) =	ssettag $0x0;
	lr =	simm.s32 $0x1  }
0x2: {  	[smem:$0x3F9B] =	sst lr;
	_ =	strace $0xD0000000  }
0x3: {  	_ = 	snop  }
0x4: {  	_ = 	snop  }
0x5: {  	_ = 	snop  }
0x6: {  	_ = 	snop  }
0x7: {  	_ = 	snop  }
__scs_overlays_trampoline_lowered:
0x8: {  	[smem:$0x3FAA] =	sst s0  }
0x9: {  	[smem:$0x3FAB] =	sst s1  }
0xa: {  	[smem:$0x3FAC] =	sst s2  }
0xb: {  	[smem:$0x3FAD] =	sst s3  }
0xc: {  	[smem:$0x3FAE] =	sst s4  }
0xd: {  	[smem:$0x3FAF] =	sst s5  }
0xe: {  	[smem:$0x3FB0] =	sst s6  }
0xf: {  	[smem:$0x3FB1] =	sst s7  }
0x10: {  	[smem:$0x3FB2] =	sst s8  }
0x11: {  	[smem:$0x3FB3] =	sst s9;
	s0 =	simm.s32 @!p0 $0x0  }
0x12: {  	s1 =	sld [smem:$0x3F99];
	s0 =	simm.s32 @p0 $0x1  }
0x13: {  	[smem:$0x3FB4] =	sst s0;
	s0 =	simm.s32 @!p1 $0x0  }
0x14: {  	s2 =	sld [smem:$0x3F98];
	s0 =	simm.s32 @p1 $0x1  }
0x15: {  	[smem:$0x3FB5] =	sst s0;
	s0 =	simm.s32 @!p2 $0x0  }
0x16: {  	s3 =	sld [smem:$0x3FDB];
	s0 =	simm.s32 @p2 $0x1  }
0x17: {  	s4 =	simm.s32 $0x1BF5;
	[smem:$0x3FB7] =	sst s0  }
0x18: {  	s0 =	sld [smem:$0x3F9A];
	_ =	swait.ge [sflag:s4], $0x0  }
0x19: {  	s7 =	sld [smem:$0x3F9B]  }
0x1a: {  	s8 =	sadd.s32 $0xFFFFE003, lr  }
0x1b: {  	s9 =	sadd.s32 $0xFFFFFEF7, lr;
	s5 =	simm.s32 $0xFFFFFFFF;
	p2 =	slt.u32 s8, $0xFFFFF086  }
0x1c: {  	p1 =	slt.u32 s9, $0xF7A;
	s5 =	simm.s32 @!p2 $0x0  }
0x1d: {  	s5 =	simm.s32 @p1 $0x1;
	p0 =	seq.s32 s7, s2  }
0x1e: {  	s7 =	smul.u32 @!p0 $0xF7A, s2;
	p2 =	seq.s32 @!p0 s5, $0x0  }
0x1f: {  	s9 =	smul.u32 $0xF7A, s1;
	s8 =	simm.s32 @!p0 $0x1BF5;
	p2 =	por !p2, p0  }
0x20: {  	[sflag:s8] =	ssyncset.s32 @!p0 $0xFFFFF086;
	s6 =	sadd.s32 @!p0 s3, s7;
	s7 =	simm.s32 @!p0 $0x108  }
0x21: {  	s3 =	sadd.s32 s3, s9;
	s6 =	sadd.s32 @!p0 $0x88, s6;
	s7 =	simm.s32 @p2 $0x1082  }
0x22: {  	[simem:s7], [sflag:s8] =	dma.local @!p0 [hbm:s6], $0xF7A  }
0x23: {  	s9 =	sor.u32 $0xD0000000, s2;
	s6 =	simm.s32 $0x108;
	_ =	swait.ge @!p0 [sflag:s8], $0x0  }
0x24: {  	s3 =	sadd.s32 $0x88, s3;
	s6 =	simm.s32 @!p1 $0x1082;
	[sflag:s4] =	ssyncset.s32 $0xFFFFF086  }
0x25: {  	[simem:s6], [sflag:s4] =	dma.local [hbm:s3], $0xF7A  }
0x26: {  	[smem:$0x3F9B] =	sst s1;
	(tag) =	ssettag s2;
	_ =	strace s9  }
0x27: {  	s1 =	sld [smem:$0x3FAB]  }
0x28: {  	s2 =	sld [smem:$0x3FAC]  }
0x29: {  	s4 =	sld [smem:$0x3FAE]  }
0x2a: {  	p0 =	seq.s32 s5, $0x0;
	s5 =	sld [smem:$0x3FAF]  }
0x2b: {  	s6 =	sld [smem:$0x3FB0]  }
0x2c: {  	s7 =	sld [smem:$0x3FB1]  }
0x2d: {  	s3 =	simm.s32 $0x108;
	s8 =	sld [smem:$0x3FB2]  }
0x2e: {  	s3 =	simm.s32 @!p0 $0x1082;
	s9 =	sld [smem:$0x3FB3]  }
0x2f: {  	lr =	sadd.s32 s0, s3;
	s0 =	sld [smem:$0x3FAA]  }
0x30: {  	s3 =	sld [smem:$0x3FAD]  }
0x31: {  	[smem:$0x3FB6] =	sst s10  }
0x32: {  	s10 =	sld [smem:$0x3FB4];
	_ =	sdelay $0x3  }
0x33: {  	p0 =	seq.s32 s10, $0x1;
	s10 =	sld [smem:$0x3FB6];
	_ =	sdelay $0x3  }
0x34: {  	[smem:$0x3FB6] =	sst s10  }
0x35: {  	s10 =	sld [smem:$0x3FB5];
	_ =	sdelay $0x3  }
0x36: {  	p1 =	seq.s32 s10, $0x1;
	s10 =	sld [smem:$0x3FB6];
	_ =	sdelay $0x3  }
0x37: {  	[smem:$0x3FB6] =	sst s10  }
0x38: {  	s10 =	sld [smem:$0x3FB7]  }
0x39: {  	_ = 	snop;
	(pc) =	sbr.ind lr, $3  }
0x3a: {  	_ = 	snop  }
0x3b: {  	_ = 	snop  }
0x3c: {  	p2 =	seq.s32 s10, $0x1;
	s10 =	sld [smem:$0x3FB6]  }
0x3d: {  	_ =	shalt  }
0x3e: {  	_ =	shalt  }
0x3f: {  	_ =	shalt  }
0x40: {  	_ =	shalt  }
0x41: {  	_ =	shalt  }
0x42: {  	_ =	shalt  }
0x43: {  	_ =	shalt  }
0x44: {  	_ =	shalt  }
0x45: {  	_ =	shalt  }
0x46: {  	_ =	shalt  }
0x47: {  	_ =	shalt  }
0x48: {  	_ =	shalt  }
0x49: {  	_ =	shalt  }
0x4a: {  	_ =	shalt  }
0x4b: {  	_ =	shalt  }
0x4c: {  	_ =	shalt  }
0x4d: {  	_ =	shalt  }
0x4e: {  	_ =	shalt  }
0x4f: {  	_ =	shalt  }
0x50: {  	_ =	shalt  }
0x51: {  	_ =	shalt  }
0x52: {  	_ =	shalt  }
0x53: {  	_ =	shalt  }
0x54: {  	_ =	shalt  }
0x55: {  	_ =	shalt  }
0x56: {  	_ =	shalt  }
0x57: {  	_ =	shalt  }
0x58: {  	_ =	shalt  }
0x59: {  	_ =	shalt  }
0x5a: {  	_ =	shalt  }
0x5b: {  	_ =	shalt  }
0x5c: {  	_ =	shalt  }
0x5d: {  	_ =	shalt  }
0x5e: {  	_ =	shalt  }
0x5f: {  	_ =	shalt  }
0x60: {  	_ =	shalt  }
0x61: {  	_ =	shalt  }
0x62: {  	_ =	shalt  }
0x63: {  	_ =	shalt  }
0x64: {  	_ =	shalt  }
0x65: {  	_ =	shalt  }
0x66: {  	_ =	shalt  }
0x67: {  	_ =	shalt  }
0x68: {  	_ =	shalt  }
0x69: {  	_ =	shalt  }
0x6a: {  	_ =	shalt  }
0x6b: {  	_ =	shalt  }
0x6c: {  	_ =	shalt  }
0x6d: {  	_ =	shalt  }
0x6e: {  	_ =	shalt  }
0x6f: {  	_ =	shalt  }
0x70: {  	_ =	shalt  }
0x71: {  	_ =	shalt  }
0x72: {  	_ =	shalt  }
0x73: {  	_ =	shalt  }
0x74: {  	_ =	shalt  }
0x75: {  	_ =	shalt  }
0x76: {  	_ =	shalt  }
0x77: {  	_ =	shalt  }
0x78: {  	_ =	shalt  }
0x79: {  	_ =	shalt  }
0x7a: {  	_ =	shalt  }
0x7b: {  	_ =	shalt  }
0x7c: {  	_ =	shalt  }
0x7d: {  	_ =	shalt  }
0x7e: {  	_ =	shalt  }
0x7f: {  	_ =	shalt  }
0x80: {  	_ =	shalt  }
0x81: {  	_ =	shalt  }
0x82: {  	_ =	shalt  }
0x83: {  	_ =	shalt  }
0x84: {  	_ =	shalt  }
0x85: {  	_ =	shalt  }
0x86: {  	_ =	shalt  }
0x87: {  	_ =	shalt  }
.Lfunc_end0:
.L_simem_size_0:
called_computation.2_lowered:
.L_overlay_start_0:
0x88: {  	s2 =	sld [smem:$0x3FD9]  }
0x89: {  	s3 =	sld [smem:$0x3FFE];
	_ =	sdelay $0x1  }
0x8a: {  	s1 =	srdreg.scid  }
0x8b: {  	s0 =	sand.u32 $0x1, s1  }
0x8c: {  	s17 =	sshll.u32 s0, $0xA;
	s2 =	sadd.s32 s3, s2  }
0x8d: {  	s2 =	sadd.s32 s2, s17  }
0x8e: {  	[smem:$0x3FC2] =	sst s2  }
0x8f: {  	_ = 	snop  }
0x90: {  	s2 =	sld [smem:$0x3FD0];
	(tm) =	ssettm $0x1  }
0x91: {  	s18 =	sld [smem:$0x3FFB];
	_ =	sdelay $0x3  }
0x92: {  	_ =	strace s18  }
0x93: {  	s3 =	sld [smem:$0x3FFC];
	_ =	sdelay $0x3  }
0x94: {  	_ =	strace s3  }
0x95: {  	s3 =	sld [smem:$0x3FFD];
	_ =	sdelay $0x3  }
0x96: {  	_ =	strace s3  }
0x97: {  	_ =	strace $0x8FFFFFFF  }
0x98: {  	s19 =	sld [smem:$0x3FDB];
	_ =	sdelay $0x1  }
0x99: {  	s4 =	simm.s32 $_scs_section_size  }
0x9a: {  	s5 =	simm.s32 $_size__tile_overlayer_lowered;
	s6 =	simm.s32 $_tile_overlayer_lowered  }
0x9b: {  	s22 =	simm.s32 $0x1BFF;
	s21 =	sshll.u32 s6, $0x1;
	s3 =	sadd.s32 s4, s19  }
0x9c: {  	s7 =	simm.s32 $0x0;
	s20 =	sshll.u32 s5, $0x1;
	s5 =	sadd.s32 s21, s3  }
0x9d: {  	[timem:s7], [sflag:s22] =	dma.local [hbm:s5], s20  }
0x9e: {  	_ =	swait.ge [sflag:s22], s20  }
0x9f: {  	s4 =	ssub.s32 $0x0, s20;
	[sflag:s22] =	ssyncset.done $0x0  }
0xa0: {  	[sflag:s22] =	ssyncadd.s32 s4;
	_ =	sdelay $0x1  }
0xa1: {  	s23 =	simm.s32 $0x1B8B  }
0xa2: {  	_ =	swait.ge [sflag:s23], $0x1  }
0xa3: {  	[sflag:s23] =	ssyncset.done $0x0  }
0xa4: {  	s25 =	simm.s32 $0x1B8E;
	s24 =	sld [smem:$0x3FFE];
	[sflag:s23] =	ssyncadd.s32 $0xFFFFFFFF  }
0xa5: {  	s26 =	simm.s32 $execute0_lowered;
	[smem:$0x3FD2] =	sst s25  }
0xa6: {  	s5 =	sshll.u32 s26, $0x1;
	_ =	strace $0x8000004C;
	[dreg:$0x1] =	wrdreg $0xFFFFFFFF  }
0xa7: {  	s28 =	simm.s32 $_size_execute0_lowered;
	s3 =	sadd.s32 s3, s5;
	[dreg:$0x0] =	wrdreg $0x0  }
0xa8: {  	s5 =	sshll.u32 s28, $0x1;
	[dreg:$0x2] =	wrdreg s3  }
0xa9: {  	[dreg:$0x3] =	wrdreg s5  }
0xaa: {  	[dreg:$0x4] =	wrdreg $0xC0  }
0xab: {  	_ =	task [dreg:s7], $0x5FFFF  }
0xac: {  	[dreg:$0x1] =	wrdreg $0xFFFFFFFF  }
0xad: {  	[dreg:$0x0] =	wrdreg $0x60  }
0xae: {  	[dreg:$0x2] =	wrdreg s24  }
0xaf: {  	[dreg:$0x3] =	wrdreg s2  }
0xb0: {  	[dreg:$0x4] =	wrdreg $0xFF000  }
0xb1: {  	[dreg:$0x5] =	wrdreg $0xAF000  }
0xb2: {  	[dreg:$0x6] =	wrdreg $0x9  }
0xb3: {  	_ =	task.clear_ibuf [dreg:s7], $0x7FFFF;
	_ =	strace $0x9000004C  }
0xb4: {  	s29 =	simm.s32 $0x9;
	_ =	strace $0x8000004E  }
0xb5: {  	_ =	swait.ge [sflag:s29], $0x1  }
0xb6: {  	[sflag:s29] =	ssyncadd.s32 $0xFFFFFFFF  }
0xb7: {  	_ =	strace $0x9000004E  }
0xb8: {  	_ =	sfence  }
0xb9: {  	s30 =	sld [smem:$0x0];
	_ =	sdelay $0x2  }
0xba: {  	s31 =	sshll.u32 s1, $0xD;
	s1 =	sshrl.u32 s1, $0x2  }
0xbb: {  	s3 =	sand.u32 $0x4000, s31;
	s1 =	sadd.s32 s1, s30  }
0xbc: {  	s0 =	sor.u32 s3, s0;
	s1 =	sshll.u32 s1, $0x11  }
0xbd: {  	s0 =	sor.u32 s1, s0  }
0xbe: {  	s0 =	sadd.s32 $0x8F2B, s0  }
0xbf: {  	[sflag:s0] =	ssyncadd.remote.s32 $0x1  }
0xc0: {  	_ =	sfence.sel $0xFFFF  }
0xc1: {  	[dreg:$0x0] =	wrdreg $0xFFFFFFFF;
	(pc) =	sbr.abs _section_cstart, $3  }
0xc2: {  	[dreg:$0x1] =	wrdreg $0xFFFFFFFF  }
0xc3: {  	_ =	task.clear_ibuf [dreg:s7], $0x2FFFF;
	_ =	strace $0x9FFFFFFF  }
0xc4: {  	(tm) =	ssettm $0x7FFFFFFF  }
0xc5: {  	_ =	shalt  }
tec
execute0_lowered:
.L_overlay_start_1:
0x0: {  	(tag) =	ssettag $0x1  }
0x1: {  	s0 =	rddreg [dreg:$0x0]  }
0x2: {  	s1 =	rddreg [dreg:$0x1]  }
0x3: {  	s2 =	rddreg [dreg:$0x2]  }
0x4: {  	s3 =	rddreg [dreg:$0x3]  }
0x5: {  	s11 =	stileid.u32;
	s4 =	srdreg.scid  }
0x6: {  	s15 =	simm.s32 $0xD;
	s18 =	simm.s32 $0x80;
	s19 =	simm.s32 $0x4F00  }
0x7: {  	s29 =	simm.s32 $0x9F00;
	s30 =	simm.s32 $0x1;
	s31 =	simm.s32 $0x7  }
0x8: {  	s17 =	simm.s32 $0x5;
	s5 =	sand.u32 $0x1, s4;
	s6 =	sshll.u32 s11, $0x1  }
0x9: {  	s4 =	simm.s32 $0x0;
	s10 =	smul.u32 $0x5000, s11;
	s22 =	sshll.u32 s11, $0x6  }
0xa: {  	s6 =	sor.u32 s5, s6;
	s20 =	ssub.s32 $0x2, s5;
	s5 =	smul.u32 $0x50000, s5  }
0xb: {  	p0 =	sgt.u32 s11, $0x1;
	[smem:$0x7FF] =	sst s4;
	s7 =	smul.u32 $0x4E, s6  }
0xc: {  	_ =	strace $0x8000004D;
	s6 =	smin.u32 s6, $0x4;
	s8 =	sshrl.u32 s10, $0x3  }
0xd: {  	s9 =	sshrl.u32 s20, $0x1;
	s14 =	sadd.s32 s10, s2;
	s16 =	sadd.s32 s10, s3  }
0xe: {  	s8 =	sadd.s32 s8, s0;
	s13 =	ssub.s32 s20, s9;
	s5 =	sadd.s32 s10, s5  }
0xf: {  	s14 =	sshrl.u32 s14, $0x3;
	s16 =	sshrl.u32 s16, $0x3;
	s20 =	simm.s32 $0xB  }
0x10: {  	s6 =	sadd.s32 s6, s7;
	s21 =	sadd.s32 $0x1F800, s8;
	s23 =	sadd.s32 $0x15800, s8  }
0x11: {  	s28 =	sshrl.u32 s5, $0x3;
	s6 =	sshll.u32 s6, $0x4;
	[dreg:$0x5] =	wrdreg s21  }
0x12: {  	s13 =	smax.u32 s13, $0x1;
	[dreg:$0x6] =	wrdreg s23;
	s0 =	sadd.s32 s6, s0  }
0x13: {  	s12 =	sadd.s32 s1, s28;
	s1 =	simm.s32 $0x9;
	s24 =	sadd.s32 $0x1E00, s0  }
.Ltmp0:
0x14: {  	s25 =	sadd.s32 $0xBA40, s0;
	[dreg:$0x7] =	wrdreg s24;
	(pc) =	sbr.rel .LBB2_1-.Ltmp0, $4  }
0x15: {  	s21 =	simm.s32 $0x6;
	s26 =	sadd.s32 $0x22E0, s0;
	[dreg:$0x8] =	wrdreg s25  }
0x16: {  	s23 =	simm.s32 $0xC;
	s0 =	sadd.s32 $0xBF20, s0;
	[dreg:$0x9] =	wrdreg s26  }
0x17: {  	s6 =	sor.u32 $0x1C0D, s22;
	s22 =	simm.s32 $0x6F00;
	[dreg:$0xa] =	wrdreg s0  }
0x18: {  	s26 =	simm.s32 $0x8F00;
	s0 =	simm.s32 $0x3;
	s24 =	simm.s32 $0x0  }
.LBB2_4:
0x19: {  	_ =	swait.ge [sflag:s21], $0x1000  }
0x1a: {  	[sflag:s21] =	ssyncset.done $0x0  }
0x1b: {  	[sflag:s21] =	ssyncadd.s32 $0xFFFFF000  }
0x1c: {  	[spmem:s2] =	stream.indirect.scatter.add.f32 [tilespmem:s29], [sflag:$0xC], $0x20, s5, s18, $0xb8;
	[tilespmem:$0x14F00] =	vst v63  }
0x1d: {  	_ =	swait.ge [sflag:s23], $0x1000  }
0x1e: {  	s7 =	simm.s32 @!p0 $0x2700;
	[sflag:s23] =	ssyncset.done $0x0  }
0x1f: {  	s8 =	simm.s32 @!p0 $0x4F00;
	s5 =	simm.s32 @!p0 $0x80;
	[sflag:s23] =	ssyncadd.s32 $0xFFFFF000  }
0x20: {  	[tilespmem:s8], [sflag:$0xD] =	stream.indirect.gather @!p0 [spmem:s3], $0x20, s7, s5, $0xb8;
	[tilespmem:$0x14F00] =	vst v63  }
0x21: {  	s7 =	simm.s32 @!p0 $0xD  }
0x22: {  	_ =	swait.ge @!p0 [sflag:s7], $0x1000  }
0x23: {  	[sflag:s7] =	ssyncset.done @!p0 $0x0  }
0x24: {  	s9 =	simm.s32 @!p0 $0x4E80;
	[sflag:s7] =	ssyncadd.s32 @!p0 $0xFFFFF000  }
0x25: {  	[spmem:s2] =	stream.indirect.scatter.add.f32 @!p0 [tilespmem:s8], [sflag:$0xD], $0x20, s9, s5, $0xb8;
	[tilespmem:$0x14F00] =	vst v63  }
0x26: {  	_ =	swait.ge @!p0 [sflag:s7], $0x1000  }
0x27: {  	s24 =	sadd.s32 $0x1, s24;
	[sflag:s7] =	ssyncset.done @!p0 $0x0  }
0x28: {  	p1 =	sne.s32 s24, s13;
	[sflag:s7] =	ssyncadd.s32 @!p0 $0xFFFFF000  }
.Ltmp1:
0x29: {  	[bflag:$0x0] =	sbarrier.arrive $0xFFFF;
	(pc) =	sbr.rel @!p1 .LBB2_5-.Ltmp1, $4  }
0x2a: {  	[hbm:s12], [sflag:s6] =	dma.local [spmem:s14], $0xA00  }
0x2b: {  	_ =	swait.ge [sflag:s15], $0xA00  }
0x2c: {  	[sflag:s15] =	ssyncset.done $0x0  }
0x2d: {  	[sflag:s15] =	ssyncadd.s32 $0xFFFFF600  }
.LBB2_1:
0x2e: {  	s5 =	rddreg [dreg:$0x5]  }
0x2f: {  	[spmem:s14], [sflag:s6] =	dma.local [hbm:s5], $0xA00  }
0x30: {  	_ =	swait.ge [sflag:s15], $0xA00  }
0x31: {  	[sflag:s15] =	ssyncset.done $0x0  }
0x32: {  	s11 =	rddreg [dreg:$0x6];
	[sflag:s15] =	ssyncadd.s32 $0xFFFFF600  }
0x33: {  	[spmem:s16], [sflag:s6] =	dma.local [hbm:s11], $0xA00  }
0x34: {  	_ =	swait.ge [sflag:s15], $0xA00  }
0x35: {  	[sflag:s15] =	ssyncset.done $0x0  }
0x36: {  	s25 =	rddreg [dreg:$0x7];
	[sflag:s15] =	ssyncadd.s32 $0xFFFFF600  }
0x37: {  	[tilespmem:s4], [sflag:$0xD] =	stream.linear.gather [hbm4b:s25+s4], $0x2700, $0x38;
	[tilespmem:$0x14F00] =	vst v63  }
0x38: {  	_ =	swait.ge [sflag:s15], $0x2700  }
0x39: {  	[sflag:s15] =	ssyncset.done $0x0  }
0x3a: {  	s7 =	simm.s32 $0x2780;
	s28 =	rddreg [dreg:$0x8];
	[sflag:s15] =	ssyncadd.s32 $0xFFFFD900  }
0x3b: {  	[tilespmem:s7], [sflag:$0xD] =	stream.linear.gather [hbm4b:s28+s4], $0x2700, $0x38;
	[tilespmem:$0x14F00] =	vst v63  }
0x3c: {  	_ =	swait.ge [sflag:s15], $0x2700  }
0x3d: {  	s5 =	simm.s32 @!p0 $0x0;
	[sflag:s15] =	ssyncset.done $0x0  }
0x3e: {  	s25 =	simm.s32 @!p0 $0x2700;
	s7 =	rddreg [dreg:$0x9];
	[sflag:s15] =	ssyncadd.s32 $0xFFFFD900  }
0x3f: {  	[tilespmem:s25], [sflag:$0xD] =	stream.linear.gather @!p0 [hbm4b:s7+s5], $0x80, $0x38;
	[tilespmem:$0x14F00] =	vst v63  }
0x40: {  	s25 =	simm.s32 @!p0 $0xD  }
0x41: {  	_ =	swait.ge @!p0 [sflag:s25], $0x80  }
0x42: {  	[sflag:s25] =	ssyncset.done @!p0 $0x0  }
0x43: {  	s28 =	simm.s32 @!p0 $0x4E80;
	s7 =	rddreg [dreg:$0xa];
	[sflag:s25] =	ssyncadd.s32 @!p0 $0xFFFFFF80  }
0x44: {  	[tilespmem:s28], [sflag:$0xD] =	stream.linear.gather @!p0 [hbm4b:s7+s5], $0x80, $0x38;
	[tilespmem:$0x14F00] =	vst v63  }
0x45: {  	_ =	swait.ge @!p0 [sflag:s25], $0x80  }
0x46: {  	[sflag:s25] =	ssyncset.done @!p0 $0x0  }
0x47: {  	[sflag:s25] =	ssyncadd.s32 @!p0 $0xFFFFFF80  }
0x48: {  	[bflag:$0x0] =	sbarrier.arrive $0xFFFF  }
0x49: {  	[tilespmem:s19], [sflag:$0x1] =	stream.indirect.gather [spmem:s3], $0x20, s4, s18, $0xb8;
	[tilespmem:$0x14F00] =	vst v63  }
0x4a: {  	s8 =	simm.s32 $0x5F00  }
0x4b: {  	[tilespmem:s8], [sflag:$0x2] =	stream.indirect.gather [spmem:s3], $0x20, s18, s18, $0xb8;
	[tilespmem:$0x14F00] =	vst v63  }
0x4c: {  	s9 =	simm.s32 $0x100  }
0x4d: {  	[tilespmem:s22], [sflag:$0x3] =	stream.indirect.gather [spmem:s3], $0x20, s9, s18, $0xb8;
	[tilespmem:$0x14F00] =	vst v63  }
0x4e: {  	s10 =	simm.s32 $0x180;
	s11 =	simm.s32 $0x7F00  }
0x4f: {  	[tilespmem:s11], [sflag:$0x4] =	stream.indirect.gather [spmem:s3], $0x20, s10, s18, $0xb8;
	[tilespmem:$0x14F00] =	vst v63  }
0x50: {  	s25 =	simm.s32 $0x200  }
0x51: {  	[tilespmem:s26], [sflag:$0x5] =	stream.indirect.gather [spmem:s3], $0x20, s25, s18, $0xb8;
	[tilespmem:$0x14F00] =	vst v63  }
0x52: {  	s28 =	simm.s32 $0x280;
	s25 =	simm.s32 $0x0  }
0x53: {  	[tilespmem:s29], [sflag:$0x6] =	stream.indirect.gather [spmem:s3], $0x20, s28, s18, $0xb8;
	[tilespmem:$0x14F00] =	vst v63  }
.LBB2_2:
0x54: {  	_ =	swait.ge [sflag:s30], $0x1000  }
0x55: {  	s28 =	sshra.s32 s25, $0x2;
	[sflag:s30] =	ssyncset.done $0x0  }
0x56: {  	s5 =	sadd.s32 $0x2780, s28;
	[sflag:s30] =	ssyncadd.s32 $0xFFFFF000  }
0x57: {  	[spmem:s2] =	stream.indirect.scatter.add.f32 [tilespmem:s19], [sflag:$0x7], $0x20, s5, s18, $0xb8;
	[tilespmem:$0x14F00] =	vst v63  }
0x58: {  	_ =	swait.ge [sflag:s31], $0x1000  }
0x59: {  	p1 =	seq.s32 s25, $0x9000;
	[sflag:s31] =	ssyncset.done $0x0  }
0x5a: {  	s5 =	simm.s32 @p1 $0x2;
	[sflag:s31] =	ssyncadd.s32 $0xFFFFF000  }
0x5b: {  	_ =	swait.ge @p1 [sflag:s5], $0x1000  }
0x5c: {  	[sflag:s5] =	ssyncset.done @p1 $0x0  }
0x5d: {  	[sflag:s5] =	ssyncadd.s32 @p1 $0xFFFFF000;
	s5 =	sshra.s32 @p1 s25, $0x2  }
0x5e: {  	s8 =	simm.s32 @p1 $0x80;
	s9 =	simm.s32 @p1 $0x5F00;
	s7 =	sadd.s32 @p1 $0x2800, s5  }
0x5f: {  	[spmem:s2] =	stream.indirect.scatter.add.f32 @p1 [tilespmem:s9], [sflag:$0x8], $0x20, s7, s8, $0xb8;
	[tilespmem:$0x14F00] =	vst v63  }
0x60: {  	s7 =	simm.s32 @p1 $0x8  }
0x61: {  	_ =	swait.ge @p1 [sflag:s7], $0x1000  }
0x62: {  	[sflag:s7] =	ssyncset.done @p1 $0x0  }
0x63: {  	[sflag:s7] =	ssyncadd.s32 @p1 $0xFFFFF000;
	s7 =	sshra.s32 @!p1 s25, $0x2  }
0x64: {  	s10 =	simm.s32 @!p1 $0x80;
	s11 =	simm.s32 @!p1 $0x4F00;
	s9 =	sadd.s32 @!p1 $0x300, s7  }
0x65: {  	[tilespmem:s11], [sflag:$0x1] =	stream.indirect.gather @!p1 [spmem:s3], $0x20, s9, s10, $0xb8;
	[tilespmem:$0x14F00] =	vst v63  }
0x66: {  	s9 =	simm.s32 @!p1 $0x2  }
0x67: {  	_ =	swait.ge @!p1 [sflag:s9], $0x1000  }
0x68: {  	[sflag:s9] =	ssyncset.done @!p1 $0x0  }
0x69: {  	s11 =	simm.s32 @!p1 $0x5F00;
	[sflag:s9] =	ssyncadd.s32 @!p1 $0xFFFFF000;
	s9 =	sadd.s32 @!p1 $0x2800, s7  }
0x6a: {  	[spmem:s2] =	stream.indirect.scatter.add.f32 @!p1 [tilespmem:s11], [sflag:$0x8], $0x20, s9, s10, $0xb8;
	[tilespmem:$0x14F00] =	vst v63  }
0x6b: {  	s9 =	simm.s32 @!p1 $0x8  }
0x6c: {  	_ =	swait.ge @!p1 [sflag:s9], $0x1000  }
0x6d: {  	[sflag:s9] =	ssyncset.done @!p1 $0x0  }
0x6e: {  	[sflag:s9] =	ssyncadd.s32 @!p1 $0xFFFFF000;
	s9 =	sadd.s32 @!p1 $0x380, s7  }
0x6f: {  	[tilespmem:s11], [sflag:$0x2] =	stream.indirect.gather @!p1 [spmem:s3], $0x20, s9, s10, $0xb8;
	[tilespmem:$0x14F00] =	vst v63  }
0x70: {  	_ =	swait.ge [sflag:s0], $0x1000  }
0x71: {  	[sflag:s0] =	ssyncset.done $0x0  }
0x72: {  	s11 =	sadd.s32 $0x2880, s28;
	[sflag:s0] =	ssyncadd.s32 $0xFFFFF000  }
0x73: {  	[spmem:s2] =	stream.indirect.scatter.add.f32 [tilespmem:s22], [sflag:$0x9], $0x20, s11, s18, $0xb8;
	[tilespmem:$0x14F00] =	vst v63  }
0x74: {  	_ =	swait.ge [sflag:s1], $0x1000  }
0x75: {  	[sflag:s1] =	ssyncset.done $0x0  }
0x76: {  	s9 =	simm.s32 @p1 $0x4;
	[sflag:s1] =	ssyncadd.s32 $0xFFFFF000  }
0x77: {  	_ =	swait.ge @p1 [sflag:s9], $0x1000  }
0x78: {  	[sflag:s9] =	ssyncset.done @p1 $0x0  }
0x79: {  	s5 =	sadd.s32 @p1 $0x2900, s5;
	[sflag:s9] =	ssyncadd.s32 @p1 $0xFFFFF000;
	s9 =	simm.s32 @p1 $0x7F00  }
0x7a: {  	[spmem:s2] =	stream.indirect.scatter.add.f32 @p1 [tilespmem:s9], [sflag:$0xA], $0x20, s5, s8, $0xb8;
	[tilespmem:$0x14F00] =	vst v63  }
0x7b: {  	s5 =	simm.s32 @p1 $0xA  }
0x7c: {  	_ =	swait.ge @p1 [sflag:s5], $0x1000  }
0x7d: {  	[sflag:s5] =	ssyncset.done @p1 $0x0  }
0x7e: {  	s8 =	simm.s32 @!p1 $0x6F00;
	[sflag:s5] =	ssyncadd.s32 @p1 $0xFFFFF000;
	s5 =	sadd.s32 @!p1 $0x400, s7  }
0x7f: {  	[tilespmem:s8], [sflag:$0x3] =	stream.indirect.gather @!p1 [spmem:s3], $0x20, s5, s10, $0xb8;
	[tilespmem:$0x14F00] =	vst v63  }
0x80: {  	s5 =	simm.s32 @!p1 $0x4  }
0x81: {  	_ =	swait.ge @!p1 [sflag:s5], $0x1000  }
0x82: {  	[sflag:s5] =	ssyncset.done @!p1 $0x0  }
0x83: {  	s8 =	simm.s32 @!p1 $0x7F00;
	[sflag:s5] =	ssyncadd.s32 @!p1 $0xFFFFF000;
	s5 =	sadd.s32 @!p1 $0x2900, s7  }
0x84: {  	[spmem:s2] =	stream.indirect.scatter.add.f32 @!p1 [tilespmem:s8], [sflag:$0xA], $0x20, s5, s10, $0xb8;
	[tilespmem:$0x14F00] =	vst v63  }
0x85: {  	s5 =	simm.s32 @!p1 $0xA  }
0x86: {  	_ =	swait.ge @!p1 [sflag:s5], $0x1000  }
0x87: {  	[sflag:s5] =	ssyncset.done @!p1 $0x0  }
0x88: {  	[sflag:s5] =	ssyncadd.s32 @!p1 $0xFFFFF000;
	s5 =	sadd.s32 @!p1 $0x480, s7  }
0x89: {  	[tilespmem:s8], [sflag:$0x4] =	stream.indirect.gather @!p1 [spmem:s3], $0x20, s5, s10, $0xb8;
	[tilespmem:$0x14F00] =	vst v63  }
0x8a: {  	_ =	swait.ge [sflag:s17], $0x1000  }
0x8b: {  	[sflag:s17] =	ssyncset.done $0x0  }
.Ltmp2:
0x8c: {  	s11 =	sadd.s32 $0x2980, s28;
	[sflag:s17] =	ssyncadd.s32 $0xFFFFF000;
	(pc) =	sbr.rel @p1 .LBB2_4-.Ltmp2, $4  }
0x8d: {  	[spmem:s2] =	stream.indirect.scatter.add.f32 [tilespmem:s26], [sflag:$0xB], $0x20, s11, s18, $0xb8;
	[tilespmem:$0x14F00] =	vst v63  }
0x8e: {  	_ =	swait.ge [sflag:s20], $0x1000  }
0x8f: {  	[sflag:s20] =	ssyncset.done $0x0  }
0x90: {  	s5 =	sadd.s32 $0x2A00, s28;
	[sflag:s20] =	ssyncadd.s32 $0xFFFFF000  }
0x91: {  	s7 =	sadd.s32 $0x500, s28  }
0x92: {  	[tilespmem:s26], [sflag:$0x5] =	stream.indirect.gather [spmem:s3], $0x20, s7, s18, $0xb8;
	[tilespmem:$0x14F00] =	vst v63  }
0x93: {  	_ =	swait.ge [sflag:s21], $0x1000  }
0x94: {  	[sflag:s21] =	ssyncset.done $0x0  }
0x95: {  	[sflag:s21] =	ssyncadd.s32 $0xFFFFF000  }
0x96: {  	[spmem:s2] =	stream.indirect.scatter.add.f32 [tilespmem:s29], [sflag:$0xC], $0x20, s5, s18, $0xb8;
	[tilespmem:$0x14F00] =	vst v63  }
.Ltmp3:
0x97: {  	_ = 	snop;
	(pc) =	sbr.rel .LBB2_2-.Ltmp3, $4  }
0x98: {  	_ =	swait.ge [sflag:s23], $0x1000  }
0x99: {  	[sflag:s23] =	ssyncset.done $0x0  }
0x9a: {  	s28 =	sadd.s32 $0x580, s28;
	s25 =	sadd.s32 $0xC00, s25;
	[sflag:s23] =	ssyncadd.s32 $0xFFFFF000  }
0x9b: {  	[tilespmem:s29], [sflag:$0x6] =	stream.indirect.gather [spmem:s3], $0x20, s28, s18, $0xb8;
	[tilespmem:$0x14F00] =	vst v63  }
.LBB2_5:
0x9c: {  	_ =	sfence.sel $0x180000  }
0x9d: {  	[bflag:$0x0] =	sbarrier.arrive $0xFFFF  }
0x9e: {  	_ =	strace $0x9000004D  }
0x9f: {  	s0 =	stileid.u32;
	[bflag:$0x2] =	sbarrier.arrive $0xFFFF  }
0xa0: {  	p0 =	sne.s32 s0, $0x0;
	s0 =	rddreg [dreg:$0x4]  }
0xa1: {  	s0 =	sadd.s32 @!p0 $0x100000, s0  }
0xa2: {  	[sflag:s0] =	ssyncadd.tile.s32 @!p0 $0x1;
	_ =	shalt  }
.Lfunc_end2:
_tile_overlayer_lowered:
.L_overlay_start_2:
0xa3: {  	(tag) =	ssettag $0x2  }
0xa4: {  	s0 =	rddreg [dreg:$0x0];
	s2 =	stileid.u32  }
0xa5: {  	s1 =	rddreg [dreg:$0x1];
	p0 =	sne.s32 s2, $0x0  }
0xa6: {  	s3 =	rddreg [dreg:$0x2];
	[bflag:$0x3] =	sbarrier.arrive $0xFFFF;
	s2 =	simm.s32 @!p0 $0x1C0D  }
0xa7: {  	[timem:s3], [sflag:s2] =	dma.local @!p0 [hbm:s0], s1  }
0xa8: {  	s0 =	simm.s32 @!p0 $0xD  }
0xa9: {  	_ =	swait.ge @!p0 [sflag:s0], s1  }
0xaa: {  	s1 =	ssub.s32 @!p0 $0x0, s1;
	[sflag:s0] =	ssyncset.done @!p0 $0x0  }
0xab: {  	[sflag:s0] =	ssyncadd.s32 @!p0 s1  }
0xac: {  	[bflag:$0x3] =	sbarrier.arrive $0xFFFF  }
0xad: {  	_ =	shalt  }

// kernel: kernel.8.cloned.1.call-start
scs
__scs_entry_jumppad:
0x0: {  	(pc) =	sbr.rel $0x88, $3  }
0x1: {  	(tag) =	ssettag $0x0;
	lr =	simm.s32 $0x1  }
0x2: {  	[smem:$0x3F9B] =	sst lr;
	_ =	strace $0xD0000000  }
0x3: {  	_ = 	snop  }
0x4: {  	_ = 	snop  }
0x5: {  	_ = 	snop  }
0x6: {  	_ = 	snop  }
0x7: {  	_ = 	snop  }
__scs_overlays_trampoline_lowered:
0x8: {  	[smem:$0x3FAA] =	sst s0  }
0x9: {  	[smem:$0x3FAB] =	sst s1  }
0xa: {  	[smem:$0x3FAC] =	sst s2  }
0xb: {  	[smem:$0x3FAD] =	sst s3  }
0xc: {  	[smem:$0x3FAE] =	sst s4  }
0xd: {  	[smem:$0x3FAF] =	sst s5  }
0xe: {  	[smem:$0x3FB0] =	sst s6  }
0xf: {  	[smem:$0x3FB1] =	sst s7  }
0x10: {  	[smem:$0x3FB2] =	sst s8  }
0x11: {  	[smem:$0x3FB3] =	sst s9;
	s0 =	simm.s32 @!p0 $0x0  }
0x12: {  	s1 =	sld [smem:$0x3F99];
	s0 =	simm.s32 @p0 $0x1  }
0x13: {  	[smem:$0x3FB4] =	sst s0;
	s0 =	simm.s32 @!p1 $0x0  }
0x14: {  	s2 =	sld [smem:$0x3F98];
	s0 =	simm.s32 @p1 $0x1  }
0x15: {  	[smem:$0x3FB5] =	sst s0;
	s0 =	simm.s32 @!p2 $0x0  }
0x16: {  	s3 =	sld [smem:$0x3FDB];
	s0 =	simm.s32 @p2 $0x1  }
0x17: {  	s4 =	simm.s32 $0x1BF5;
	[smem:$0x3FB7] =	sst s0  }
0x18: {  	s0 =	sld [smem:$0x3F9A];
	_ =	swait.ge [sflag:s4], $0x0  }
0x19: {  	s7 =	sld [smem:$0x3F9B]  }
0x1a: {  	s8 =	sadd.s32 $0xFFFFE003, lr  }
0x1b: {  	s9 =	sadd.s32 $0xFFFFFEF7, lr;
	s5 =	simm.s32 $0xFFFFFFFF;
	p2 =	slt.u32 s8, $0xFFFFF086  }
0x1c: {  	p1 =	slt.u32 s9, $0xF7A;
	s5 =	simm.s32 @!p2 $0x0  }
0x1d: {  	s5 =	simm.s32 @p1 $0x1;
	p0 =	seq.s32 s7, s2  }
0x1e: {  	s7 =	smul.u32 @!p0 $0xF7A, s2;
	p2 =	seq.s32 @!p0 s5, $0x0  }
0x1f: {  	s9 =	smul.u32 $0xF7A, s1;
	s8 =	simm.s32 @!p0 $0x1BF5;
	p2 =	por !p2, p0  }
0x20: {  	[sflag:s8] =	ssyncset.s32 @!p0 $0xFFFFF086;
	s6 =	sadd.s32 @!p0 s3, s7;
	s7 =	simm.s32 @!p0 $0x108  }
0x21: {  	s3 =	sadd.s32 s3, s9;
	s6 =	sadd.s32 @!p0 $0x88, s6;
	s7 =	simm.s32 @p2 $0x1082  }
0x22: {  	[simem:s7], [sflag:s8] =	dma.local @!p0 [hbm:s6], $0xF7A  }
0x23: {  	s9 =	sor.u32 $0xD0000000, s2;
	s6 =	simm.s32 $0x108;
	_ =	swait.ge @!p0 [sflag:s8], $0x0  }
0x24: {  	s3 =	sadd.s32 $0x88, s3;
	s6 =	simm.s32 @!p1 $0x1082;
	[sflag:s4] =	ssyncset.s32 $0xFFFFF086  }
0x25: {  	[simem:s6], [sflag:s4] =	dma.local [hbm:s3], $0xF7A  }
0x26: {  	[smem:$0x3F9B] =	sst s1;
	(tag) =	ssettag s2;
	_ =	strace s9  }
0x27: {  	s1 =	sld [smem:$0x3FAB]  }
0x28: {  	s2 =	sld [smem:$0x3FAC]  }
0x29: {  	s4 =	sld [smem:$0x3FAE]  }
0x2a: {  	p0 =	seq.s32 s5, $0x0;
	s5 =	sld [smem:$0x3FAF]  }
0x2b: {  	s6 =	sld [smem:$0x3FB0]  }
0x2c: {  	s7 =	sld [smem:$0x3FB1]  }
0x2d: {  	s3 =	simm.s32 $0x108;
	s8 =	sld [smem:$0x3FB2]  }
0x2e: {  	s3 =	simm.s32 @!p0 $0x1082;
	s9 =	sld [smem:$0x3FB3]  }
0x2f: {  	lr =	sadd.s32 s0, s3;
	s0 =	sld [smem:$0x3FAA]  }
0x30: {  	s3 =	sld [smem:$0x3FAD]  }
0x31: {  	[smem:$0x3FB6] =	sst s10  }
0x32: {  	s10 =	sld [smem:$0x3FB4];
	_ =	sdelay $0x3  }
0x33: {  	p0 =	seq.s32 s10, $0x1;
	s10 =	sld [smem:$0x3FB6];
	_ =	sdelay $0x3  }
0x34: {  	[smem:$0x3FB6] =	sst s10  }
0x35: {  	s10 =	sld [smem:$0x3FB5];
	_ =	sdelay $0x3  }
0x36: {  	p1 =	seq.s32 s10, $0x1;
	s10 =	sld [smem:$0x3FB6];
	_ =	sdelay $0x3  }
0x37: {  	[smem:$0x3FB6] =	sst s10  }
0x38: {  	s10 =	sld [smem:$0x3FB7]  }
0x39: {  	_ = 	snop;
	(pc) =	sbr.ind lr, $3  }
0x3a: {  	_ = 	snop  }
0x3b: {  	_ = 	snop  }
0x3c: {  	p2 =	seq.s32 s10, $0x1;
	s10 =	sld [smem:$0x3FB6]  }
0x3d: {  	_ =	shalt  }
0x3e: {  	_ =	shalt  }
0x3f: {  	_ =	shalt  }
0x40: {  	_ =	shalt  }
0x41: {  	_ =	shalt  }
0x42: {  	_ =	shalt  }
0x43: {  	_ =	shalt  }
0x44: {  	_ =	shalt  }
0x45: {  	_ =	shalt  }
0x46: {  	_ =	shalt  }
0x47: {  	_ =	shalt  }
0x48: {  	_ =	shalt  }
0x49: {  	_ =	shalt  }
0x4a: {  	_ =	shalt  }
0x4b: {  	_ =	shalt  }
0x4c: {  	_ =	shalt  }
0x4d: {  	_ =	shalt  }
0x4e: {  	_ =	shalt  }
0x4f: {  	_ =	shalt  }
0x50: {  	_ =	shalt  }
0x51: {  	_ =	shalt  }
0x52: {  	_ =	shalt  }
0x53: {  	_ =	shalt  }
0x54: {  	_ =	shalt  }
0x55: {  	_ =	shalt  }
0x56: {  	_ =	shalt  }
0x57: {  	_ =	shalt  }
0x58: {  	_ =	shalt  }
0x59: {  	_ =	shalt  }
0x5a: {  	_ =	shalt  }
0x5b: {  	_ =	shalt  }
0x5c: {  	_ =	shalt  }
0x5d: {  	_ =	shalt  }
0x5e: {  	_ =	shalt  }
0x5f: {  	_ =	shalt  }
0x60: {  	_ =	shalt  }
0x61: {  	_ =	shalt  }
0x62: {  	_ =	shalt  }
0x63: {  	_ =	shalt  }
0x64: {  	_ =	shalt  }
0x65: {  	_ =	shalt  }
0x66: {  	_ =	shalt  }
0x67: {  	_ =	shalt  }
0x68: {  	_ =	shalt  }
0x69: {  	_ =	shalt  }
0x6a: {  	_ =	shalt  }
0x6b: {  	_ =	shalt  }
0x6c: {  	_ =	shalt  }
0x6d: {  	_ =	shalt  }
0x6e: {  	_ =	shalt  }
0x6f: {  	_ =	shalt  }
0x70: {  	_ =	shalt  }
0x71: {  	_ =	shalt  }
0x72: {  	_ =	shalt  }
0x73: {  	_ =	shalt  }
0x74: {  	_ =	shalt  }
0x75: {  	_ =	shalt  }
0x76: {  	_ =	shalt  }
0x77: {  	_ =	shalt  }
0x78: {  	_ =	shalt  }
0x79: {  	_ =	shalt  }
0x7a: {  	_ =	shalt  }
0x7b: {  	_ =	shalt  }
0x7c: {  	_ =	shalt  }
0x7d: {  	_ =	shalt  }
0x7e: {  	_ =	shalt  }
0x7f: {  	_ =	shalt  }
0x80: {  	_ =	shalt  }
0x81: {  	_ =	shalt  }
0x82: {  	_ =	shalt  }
0x83: {  	_ =	shalt  }
0x84: {  	_ =	shalt  }
0x85: {  	_ =	shalt  }
0x86: {  	_ =	shalt  }
0x87: {  	_ =	shalt  }
.Lfunc_end0:
.L_simem_size_0:
called_computation_lowered:
.L_overlay_start_0:
0x88: {  	s2 =	sld [smem:$0x3FD9]  }
0x89: {  	s3 =	sld [smem:$0x3FFE];
	_ =	sdelay $0x1  }
0x8a: {  	s1 =	srdreg.scid  }
0x8b: {  	s0 =	sand.u32 $0x1, s1  }
0x8c: {  	s17 =	sshll.u32 s0, $0xA;
	s2 =	sadd.s32 s3, s2  }
0x8d: {  	s2 =	sadd.s32 s2, s17  }
0x8e: {  	[smem:$0x3FC2] =	sst s2  }
0x8f: {  	_ = 	snop  }
0x90: {  	s2 =	sld [smem:$0x3FD0];
	(tm) =	ssettm $0x1  }
0x91: {  	s18 =	sld [smem:$0x3FFB];
	_ =	sdelay $0x3  }
0x92: {  	_ =	strace s18  }
0x93: {  	s3 =	sld [smem:$0x3FFC];
	_ =	sdelay $0x3  }
0x94: {  	_ =	strace s3  }
0x95: {  	s3 =	sld [smem:$0x3FFD];
	_ =	sdelay $0x3  }
0x96: {  	_ =	strace s3  }
0x97: {  	_ =	strace $0x8FFFFFFF  }
0x98: {  	s19 =	sld [smem:$0x3FDB];
	_ =	sdelay $0x1  }
0x99: {  	s4 =	simm.s32 $_scs_section_size  }
0x9a: {  	s5 =	simm.s32 $_size__tile_overlayer_lowered;
	s6 =	simm.s32 $_tile_overlayer_lowered  }
0x9b: {  	s22 =	simm.s32 $0x1BFF;
	s21 =	sshll.u32 s6, $0x1;
	s3 =	sadd.s32 s4, s19  }
0x9c: {  	s7 =	simm.s32 $0x0;
	s20 =	sshll.u32 s5, $0x1;
	s5 =	sadd.s32 s21, s3  }
0x9d: {  	[timem:s7], [sflag:s22] =	dma.local [hbm:s5], s20  }
0x9e: {  	_ =	swait.ge [sflag:s22], s20  }
0x9f: {  	s4 =	ssub.s32 $0x0, s20;
	[sflag:s22] =	ssyncset.done $0x0  }
0xa0: {  	[sflag:s22] =	ssyncadd.s32 s4;
	_ =	sdelay $0x1  }
0xa1: {  	s23 =	simm.s32 $0x1B8B  }
0xa2: {  	_ =	swait.ge [sflag:s23], $0x1  }
0xa3: {  	[sflag:s23] =	ssyncset.done $0x0  }
0xa4: {  	s25 =	simm.s32 $0x1B8E;
	s24 =	sld [smem:$0x3FFE];
	[sflag:s23] =	ssyncadd.s32 $0xFFFFFFFF  }
0xa5: {  	s26 =	simm.s32 $execute0_lowered;
	[smem:$0x3FD2] =	sst s25  }
0xa6: {  	s5 =	sshll.u32 s26, $0x1;
	_ =	strace $0x80000046;
	[dreg:$0x1] =	wrdreg $0xFFFFFFFF  }
0xa7: {  	s28 =	simm.s32 $_size_execute0_lowered;
	s3 =	sadd.s32 s3, s5;
	[dreg:$0x0] =	wrdreg $0x0  }
0xa8: {  	s5 =	sshll.u32 s28, $0x1;
	[dreg:$0x2] =	wrdreg s3  }
0xa9: {  	[dreg:$0x3] =	wrdreg s5  }
0xaa: {  	[dreg:$0x4] =	wrdreg $0xC0  }
0xab: {  	_ =	task [dreg:s7], $0x5FFFF  }
0xac: {  	[dreg:$0x1] =	wrdreg $0xFFFFFFFF  }
0xad: {  	[dreg:$0x0] =	wrdreg $0x60  }
0xae: {  	[dreg:$0x2] =	wrdreg s24  }
0xaf: {  	[dreg:$0x3] =	wrdreg s2  }
0xb0: {  	[dreg:$0x4] =	wrdreg $0x2F800  }
0xb1: {  	[dreg:$0x5] =	wrdreg $0x9  }
0xb2: {  	_ =	task.clear_ibuf [dreg:s7], $0x6FFFF;
	_ =	strace $0x90000046  }
0xb3: {  	s29 =	simm.s32 $0x9;
	_ =	strace $0x80000048  }
0xb4: {  	_ =	swait.ge [sflag:s29], $0x1  }
0xb5: {  	[sflag:s29] =	ssyncadd.s32 $0xFFFFFFFF  }
0xb6: {  	_ =	strace $0x90000048  }
0xb7: {  	_ =	sfence  }
0xb8: {  	s30 =	sld [smem:$0x0];
	_ =	sdelay $0x2  }
0xb9: {  	s31 =	sshll.u32 s1, $0xD;
	s1 =	sshrl.u32 s1, $0x2  }
0xba: {  	s3 =	sand.u32 $0x4000, s31;
	s1 =	sadd.s32 s1, s30  }
0xbb: {  	s0 =	sor.u32 s3, s0;
	s1 =	sshll.u32 s1, $0x11  }
0xbc: {  	s0 =	sor.u32 s1, s0  }
0xbd: {  	s0 =	sadd.s32 $0x8F2B, s0  }
0xbe: {  	[sflag:s0] =	ssyncadd.remote.s32 $0x1  }
0xbf: {  	_ =	sfence.sel $0xFFFF  }
0xc0: {  	[dreg:$0x0] =	wrdreg $0xFFFFFFFF;
	(pc) =	sbr.abs _section_cstart, $3  }
0xc1: {  	[dreg:$0x1] =	wrdreg $0xFFFFFFFF  }
0xc2: {  	_ =	task.clear_ibuf [dreg:s7], $0x2FFFF;
	_ =	strace $0x9FFFFFFF  }
0xc3: {  	(tm) =	ssettm $0x7FFFFFFF  }
tec
execute0_lowered:
.L_overlay_start_1:
0x0: {  	(tag) =	ssettag $0x1  }
0x1: {  	s4 =	rddreg [dreg:$0x0]  }
0x2: {  	s1 =	srdreg.scid;
	s10 =	rddreg [dreg:$0x1]  }
0x3: {  	s0 =	stileid.u32;
	s2 =	rddreg [dreg:$0x2];
	s3 =	simm.s32 $0x0  }
0x4: {  	s15 =	simm.s32 $0x80;
	s16 =	simm.s32 $0x1;
	s17 =	simm.s32 $0x0  }
0x5: {  	s6 =	sand.u32 $0x1, s1;
	s26 =	sshll.u32 s0, $0x1;
	s1 =	rddreg [dreg:$0x3]  }
0x6: {  	[smem:$0x7FF] =	sst s3;
	s8 =	smul.u32 $0x2800, s0;
	p0 =	slt.u32 s0, $0x2  }
0x7: {  	s30 =	sshll.u32 s0, $0x6;
	s5 =	sor.u32 s6, s26;
	s13 =	smul.u32 $0x28000, s6  }
0x8: {  	_ =	strace $0x80000047;
	s28 =	ssub.s32 $0x2, s6;
	s7 =	smul.u32 $0x4E, s5  }
0x9: {  	s5 =	smin.u32 s5, $0x4;
	s29 =	sshrl.u32 s8, $0x3;
	s11 =	sshrl.u32 s28, $0x1  }
0xa: {  	s14 =	sadd.s32 s8, s2;
	s12 =	sadd.s32 s29, s4;
	s11 =	ssub.s32 s28, s11  }
0xb: {  	s31 =	sadd.s32 s8, s13;
	s13 =	simm.s32 $0x2;
	s5 =	sadd.s32 s5, s7  }
0xc: {  	s6 =	sadd.s32 $0x15800, s12;
	s7 =	sor.u32 $0x1C02, s30;
	s12 =	sshrl.u32 s31, $0x3  }
0xd: {  	s11 =	smax.u32 s11, $0x1;
	s5 =	sshll.u32 s5, $0x4;
	s10 =	sadd.s32 s10, s12  }
0xe: {  	s12 =	sshrl.u32 s14, $0x3;
	s9 =	sadd.s32 s5, s4;
	s5 =	simm.s32 $0x4F  }
0xf: {  	s14 =	simm.s32 $0x2780;
	s4 =	sadd.s32 $0x1A800, s4;
	s5 =	simm.s32 @!p0 $0x4E  }
0x10: {  	s8 =	sadd.s32 $0xBA40, s9;
	s9 =	sadd.s32 $0xBF20, s9;
	p0 =	sgt.u32 s0, $0x1  }
.LBB2_1:
0x11: {  	[spmem:s12], [sflag:s7] =	dma.local [hbm:s6], $0x500  }
0x12: {  	_ =	swait.ge [sflag:s13], $0x500  }
0x13: {  	[sflag:s13] =	ssyncset.done $0x0  }
0x14: {  	[sflag:s13] =	ssyncadd.s32 $0xFFFFFB00  }
0x15: {  	[tilespmem:s14], [sflag:$0x2] =	stream.linear.gather [hbm4b:s4+s3], $0x800, $0x38;
	[tilespmem:$0x5780] =	vst v63  }
0x16: {  	_ =	swait.ge [sflag:s13], $0x800  }
0x17: {  	[sflag:s13] =	ssyncset.done $0x0  }
0x18: {  	[sflag:s13] =	ssyncadd.s32 $0xFFFFF800  }
0x19: {  	[tilespmem:s3], [sflag:$0x2] =	stream.linear.gather [hbm4b:s8+s3], $0x2700, $0x38;
	[tilespmem:$0x5780] =	vst v63  }
0x1a: {  	_ =	swait.ge [sflag:s13], $0x2700  }
0x1b: {  	[sflag:s13] =	ssyncset.done $0x0  }
0x1c: {  	s18 =	simm.s32 @!p0 $0x0;
	s19 =	simm.s32 @!p0 $0x2700;
	[sflag:s13] =	ssyncadd.s32 $0xFFFFD900  }
0x1d: {  	[tilespmem:s19], [sflag:$0x2] =	stream.linear.gather @!p0 [hbm4b:s9+s18], $0x80, $0x38;
	[tilespmem:$0x5780] =	vst v63  }
0x1e: {  	p1 =	sne.s32 s5, $0x1;
	s18 =	simm.s32 @!p0 $0x2  }
.Ltmp0:
0x1f: {  	_ =	swait.ge @!p0 [sflag:s18], $0x80;
	(pc) =	sbr.rel @!p1 .LBB2_3-.Ltmp0, $4  }
0x20: {  	[sflag:s18] =	ssyncset.done @!p0 $0x0  }
0x21: {  	[sflag:s18] =	ssyncadd.s32 @!p0 $0xFFFFFF80  }
0x22: {  	s19 =	simm.s32 $0x0;
	s18 =	sadd.s32 $0xFFFFFFFF, s5;
	[bflag:$0x0] =	sbarrier.arrive $0xFFFF  }
0x23: {  	[spmem:s2] =	stream.indirect.scatter.add.f32 [tilespmem:s14], [sflag:$0x1], $0x10, s3, s15, $0xb8;
	[tilespmem:$0x5780] =	vst v63  }
.LBB2_2:
0x24: {  	p2 =	sne.s32 s18, $0x1  }
.Ltmp1:
0x25: {  	_ = 	snop;
	(pc) =	sbr.rel @p2 .LBB2_2-.Ltmp1, $3  }
0x26: {  	_ = 	snop  }
0x27: {  	s18 =	sadd.s32 $0xFFFFFFFF, s18;
	s19 =	sadd.s32 $0x80, s19;
	_ =	sdelay $0x1  }
0x28: {  	[spmem:s2] =	stream.indirect.scatter.add.f32 [tilespmem:s14], [sflag:$0x1], $0x10, s19, s15, $0xb8;
	[tilespmem:$0x5780] =	vst v63  }
.LBB2_3:
.Ltmp2:
0x29: {  	(pc) =	sbr.rel @!p1 .LBB2_5-.Ltmp2, $3  }
0x2a: {  	_ =	sdelay $0x1  }
0x2b: {  	_ =	swait.ge [sflag:s16], $0x800  }
0x2c: {  	s18 =	sadd.s32 $0xFFFFFFFF, s5;
	[sflag:s16] =	ssyncset.done $0x0  }
.LBB2_4:
0x2d: {  	p1 =	sne.s32 s18, $0x1;
	s18 =	sadd.s32 $0xFFFFFFFF, s18;
	[sflag:s16] =	ssyncadd.s32 $0xFFFFF800  }
.Ltmp3:
0x2e: {  	(pc) =	sbr.rel @p1 .LBB2_4-.Ltmp3, $3  }
0x2f: {  	_ =	sdelay $0x1  }
0x30: {  	_ =	swait.ge [sflag:s16], $0x800  }
0x31: {  	[sflag:s16] =	ssyncset.done $0x0  }
.LBB2_5:
0x32: {  	s17 =	sadd.s32 $0x1, s17  }
0x33: {  	[sflag:s16] =	ssyncadd.s32 $0xFFFFF800;
	p1 =	sne.s32 s17, s11  }
.Ltmp4:
0x34: {  	[bflag:$0x0] =	sbarrier.arrive $0xFFFF;
	(pc) =	sbr.rel @p1 .LBB2_1-.Ltmp4, $4  }
0x35: {  	[hbm:s10], [sflag:s7] =	dma.local [spmem:s12], $0x500  }
0x36: {  	_ =	swait.ge [sflag:s13], $0x500  }
0x37: {  	[sflag:s13] =	ssyncset.done $0x0  }
0x38: {  	[sflag:s13] =	ssyncadd.s32 $0xFFFFFB00  }
0x39: {  	_ =	sfence.sel $0x180000  }
0x3a: {  	[bflag:$0x0] =	sbarrier.arrive $0xFFFF  }
0x3b: {  	p0 =	sne.s32 s0, $0x0;
	_ =	strace $0x90000047  }
0x3c: {  	s0 =	sadd.s32 @!p0 $0x100000, s1;
	[bflag:$0x2] =	sbarrier.arrive $0xFFFF  }
0x3d: {  	[sflag:s0] =	ssyncadd.tile.s32 @!p0 $0x1;
	_ =	shalt  }
.Lfunc_end2:
_tile_overlayer_lowered:
.L_overlay_start_2:
0x3e: {  	(tag) =	ssettag $0x2  }
0x3f: {  	s0 =	rddreg [dreg:$0x0];
	s2 =	stileid.u32  }
0x40: {  	s1 =	rddreg [dreg:$0x1];
	p0 =	sne.s32 s2, $0x0  }
0x41: {  	s3 =	rddreg [dreg:$0x2];
	[bflag:$0x3] =	sbarrier.arrive $0xFFFF;
	s2 =	simm.s32 @!p0 $0x1C02  }
0x42: {  	[timem:s3], [sflag:s2] =	dma.local @!p0 [hbm:s0], s1  }
0x43: {  	s0 =	simm.s32 @!p0 $0x2  }
0x44: {  	_ =	swait.ge @!p0 [sflag:s0], s1  }
0x45: {  	s1 =	ssub.s32 @!p0 $0x0, s1;
	[sflag:s0] =	ssyncset.done @!p0 $0x0  }
0x46: {  	[sflag:s0] =	ssyncadd.s32 @!p0 s1  }
0x47: {  	[bflag:$0x3] =	sbarrier.arrive $0xFFFF  }
0x48: {  	_ =	shalt  }

</sc_bundles>
